<compile_context>
chip_gen: v7x
topology: tpu7x:2x2x1
jax: 0.10.2.dev20260603
libtpu: 0.0.44.dev20260713+nightly
codegen_flags: <defaults>
</compile_context>

<pallas_src>
import functools

import jax
import jax.numpy as jnp
from jax import lax
from jax.experimental import pallas as pl
from jax.experimental.pallas import tpu as pltpu
from jax.experimental.pallas import tpu_sc as plsc

N = 10000
E = 320000
D_IN = 128
D_HID = 128
D_OUT = 40

NC = 2
NS = 16
NW = NC * NS
NPAD = 10240
ROWS_PER_TILE = NPAD // NS
RPT = 80
EPAD = NW * RPT * 128

_MESH = plsc.VectorSubcoreMesh(
    core_axis_name="c", subcore_axis_name="s", num_cores=NC, num_subcores=NS
)


def _deg_kernel_body(dst_hbm, deg_hbm, dst_v, deg_v):
  c = lax.axis_index("c")
  s = lax.axis_index("s")
  wid = s * NC + c
  pltpu.sync_copy(dst_hbm.at[wid], dst_v)

  def zero_body(i, _):
    deg_v[pl.ds(i * 16, 16)] = jnp.zeros((16,), jnp.float32)
    return ()
  lax.fori_loop(0, NPAD // 16, zero_body, ())

  ones = jnp.ones((16,), jnp.float32)

  def acc_body(i, _):
    r = i // 8
    k = i % 8
    idx = dst_v[r, pl.ds(k * 16, 16)]
    plsc.addupdate_scatter(deg_v, [idx], ones)
    return ()
  lax.fori_loop(0, RPT * 8, acc_body, ())

  pltpu.sync_copy(deg_v, deg_hbm.at[wid])


_deg_kernel = functools.partial(
    pl.kernel,
    out_type=jax.ShapeDtypeStruct((NW, NPAD), jnp.float32),
    mesh=_MESH,
    scratch_types=[
        pltpu.VMEM((RPT, 128), jnp.int32),
        pltpu.VMEM((NPAD,), jnp.float32),
    ],
    compiler_params=pltpu.CompilerParams(needs_layout_passes=False),
)(_deg_kernel_body)


NBUF = 2
RPH = RPT // 2


def _make_agg_kernel(D):
  nseg = D // 16

  def body(src_hbm, dst_hbm, xs_hbm, out_hbm, src_v, dst_v, gbuf, agg_sh,
           gsem00, gsem10):
    c = lax.axis_index("c")
    s = lax.axis_index("s")
    wid = s * NC + c

    def zero_body(i, _):
      r = i // nseg
      k = i % nseg
      gbuf[0, r, pl.ds(k * 16, 16)] = jnp.zeros((16,), jnp.float32)
      return ()
    lax.fori_loop(0, 128 * nseg, zero_body, ())
    for r in range(ROWS_PER_TILE // 128):
      pltpu.sync_copy(
          gbuf.at[0], agg_sh.at[pl.ds(s * ROWS_PER_TILE + r * 128, 128)]
      )
    plsc.subcore_barrier()

    sems = (gsem00, gsem10)
    for h in range(2):
      pltpu.sync_copy(src_hbm.at[wid, pl.ds(h * RPH, RPH)], src_v)
      pltpu.sync_copy(dst_hbm.at[wid, pl.ds(h * RPH, RPH)], dst_v)

      for b in range(NBUF):
        pltpu.async_copy(xs_hbm.at[src_v.at[b]], gbuf.at[b], sems[b])

      def jbody(j, _):
        i0 = j * NBUF
        for b in range(NBUF):
          pltpu.make_async_copy(
              xs_hbm.at[src_v.at[i0 + b]], gbuf.at[b], sems[b]
          ).wait()
          pltpu.sync_copy(gbuf.at[b], agg_sh.at[dst_v.at[i0 + b]], add=True)
          pltpu.async_copy(
              xs_hbm.at[src_v.at[i0 + NBUF + b]], gbuf.at[b], sems[b]
          )
        return ()
      lax.fori_loop(0, RPH // NBUF - 1, jbody, ())

      tail = RPH - NBUF
      for b in range(NBUF):
        pltpu.make_async_copy(
            xs_hbm.at[src_v.at[tail + b]], gbuf.at[b], sems[b]
        ).wait()
        pltpu.sync_copy(gbuf.at[b], agg_sh.at[dst_v.at[tail + b]], add=True)

    plsc.subcore_barrier()
    pltpu.sync_copy(
        agg_sh.at[pl.ds(s * ROWS_PER_TILE, ROWS_PER_TILE)],
        out_hbm.at[c, pl.ds(s * ROWS_PER_TILE, ROWS_PER_TILE)],
    )

  return functools.partial(
      pl.kernel,
      out_type=jax.ShapeDtypeStruct((NC, NPAD, D), jnp.float32),
      mesh=_MESH,
      scratch_types=[
          pltpu.VMEM((RPH, 128), jnp.int32),
          pltpu.VMEM((RPH, 128), jnp.int32),
          pltpu.VMEM((NBUF, 128, D), jnp.float32),
          pltpu.VMEM_SHARED((NPAD, D), jnp.float32),
          pltpu.SemaphoreType.DMA,
          pltpu.SemaphoreType.DMA,
      ],
      compiler_params=pltpu.CompilerParams(needs_layout_passes=False),
  )(body)


_agg128 = _make_agg_kernel(D_HID)


_R = 1024


def _tc_mm(x, w1):
  def body(x_ref, w_ref, xw_ref):
    xw_ref[...] = jnp.dot(
        x_ref[...], w_ref[...], preferred_element_type=jnp.float32
    )

  return pl.pallas_call(
      body,
      grid=(NPAD // _R,),
      in_specs=[
          pl.BlockSpec((_R, D_IN), lambda i: (i, 0)),
          pl.BlockSpec((D_IN, D_HID), lambda i: (0, 0)),
      ],
      out_specs=pl.BlockSpec((_R, D_HID), lambda i: (i, 0)),
      out_shape=jax.ShapeDtypeStruct((NPAD, D_HID), jnp.float32),
  )(x, w1)


def _tc1(degp_t, xw):
  def body(deg_ref, xw_ref, dinv_ref, xs_ref):
    dsum = jnp.sum(deg_ref[...], axis=1, keepdims=True) + 1.0
    dinv = lax.rsqrt(dsum)
    dinv_ref[...] = dinv
    xs_ref[...] = dinv * xw_ref[...]

  return pl.pallas_call(
      body,
      grid=(NPAD // _R,),
      in_specs=[
          pl.BlockSpec((_R, NW), lambda i: (i, 0)),
          pl.BlockSpec((_R, D_HID), lambda i: (i, 0)),
      ],
      out_specs=[
          pl.BlockSpec((_R, 1), lambda i: (i, 0)),
          pl.BlockSpec((_R, D_HID), lambda i: (i, 0)),
      ],
      out_shape=[
          jax.ShapeDtypeStruct((NPAD, 1), jnp.float32),
          jax.ShapeDtypeStruct((NPAD, D_HID), jnp.float32),
      ],
  )(degp_t, xw)


def _tc2(agg1p, xs1, dinv, b1):
  def body(aggp_ref, xs1_ref, dinv_ref, b1_ref, hs_ref):
    a = aggp_ref[0] + aggp_ref[1] + xs1_ref[...]
    dinv = dinv_ref[...]
    h = jnp.maximum(dinv * a + b1_ref[...], 0.0)
    hs_ref[...] = dinv * h

  return pl.pallas_call(
      body,
      grid=(NPAD // _R,),
      in_specs=[
          pl.BlockSpec((NC, _R, D_HID), lambda i: (0, i, 0)),
          pl.BlockSpec((_R, D_HID), lambda i: (i, 0)),
          pl.BlockSpec((_R, 1), lambda i: (i, 0)),
          pl.BlockSpec((1, D_HID), lambda i: (0, 0)),
      ],
      out_specs=pl.BlockSpec((_R, D_HID), lambda i: (i, 0)),
      out_shape=jax.ShapeDtypeStruct((NPAD, D_HID), jnp.float32),
  )(agg1p, xs1, dinv, b1)


def _tc3(agg2p, hs, dinv, b2, w2):
  def body(aggp_ref, hs_ref, dinv_ref, b2_ref, w2_ref, y_ref):
    a = dinv_ref[...] * (aggp_ref[0] + aggp_ref[1] + hs_ref[...])
    y_ref[...] = (
        jnp.dot(a, w2_ref[...], preferred_element_type=jnp.float32)
        + b2_ref[...]
    )

  return pl.pallas_call(
      body,
      grid=(NPAD // _R,),
      in_specs=[
          pl.BlockSpec((NC, _R, D_HID), lambda i: (0, i, 0)),
          pl.BlockSpec((_R, D_HID), lambda i: (i, 0)),
          pl.BlockSpec((_R, 1), lambda i: (i, 0)),
          pl.BlockSpec((1, D_OUT), lambda i: (0, 0)),
          pl.BlockSpec((D_HID, D_OUT), lambda i: (0, 0)),
      ],
      out_specs=pl.BlockSpec((_R, D_OUT), lambda i: (i, 0)),
      out_shape=jax.ShapeDtypeStruct((NPAD, D_OUT), jnp.float32),
  )(agg2p, hs, dinv, b2, w2)


def kernel(x, edge_index, W1, b1, W2, b2):
  src = edge_index[0].astype(jnp.int32)
  dst = edge_index[1].astype(jnp.int32)
  npad_e = EPAD - E
  src_p = jnp.concatenate([src, jnp.zeros((npad_e,), jnp.int32)])
  dst_p = jnp.concatenate([dst, jnp.full((npad_e,), N, jnp.int32)])
  src_p = src_p.reshape(NW, RPT, 128)
  dst_p = dst_p.reshape(NW, RPT, 128)
  x_p = jnp.pad(x, ((0, NPAD - N), (0, 0)))

  degp = _deg_kernel(dst_p)
  xw = _tc_mm(x_p, W1)
  dinv, xs1 = _tc1(degp.T, xw)
  agg1p = _agg128(src_p, dst_p, xs1)
  hs = _tc2(agg1p, xs1, dinv, b1.reshape(1, D_HID))
  agg2p = _agg128(src_p, dst_p, hs)
  y = _tc3(agg2p, hs, dinv, b2.reshape(1, D_OUT), W2)
  return y[:N]

# --- scband reference (transcript-rebuilt; emitter-appended) ---
"""Pipeline reference for scband-gcn-44719199486541 (READ-ONLY COPY).

The authoritative reference and input builder live on the scoring server;
editing this copy changes nothing except your own understanding.
"""

import jax, jax.numpy as jnp
import numpy as np

NUM_NODES = 10000
NUM_EDGES = 320000
D_IN = 128
D_HID = 128
D_OUT = 40


def setup_inputs(seed: int = 0) -> dict:
    key = jax.random.key(seed)
    k1, k2, k3, k4, k5, k6 = jax.random.split(key, 6)
    x = jax.random.normal(k1, (NUM_NODES, D_IN), dtype=jnp.float32)
    edge_index = jax.random.randint(k2, (2, NUM_EDGES), 0, NUM_NODES, dtype=jnp.int64)
    # Glorot-style init for GCNConv weights
    W1 = jax.random.normal(k3, (D_IN, D_HID), dtype=jnp.float32) * (1.0 / np.sqrt(D_IN))
    b1 = jnp.zeros((D_HID,), dtype=jnp.float32)
    W2 = jax.random.normal(k4, (D_HID, D_OUT), dtype=jnp.float32) * (1.0 / np.sqrt(D_HID))
    b2 = jnp.zeros((D_OUT,), dtype=jnp.float32)
    return {"x": x, "edge_index": edge_index, "W1": W1, "b1": b1, "W2": W2, "b2": b2}


def _gcn_conv(x, edge_index, W, b):
    # PyG GCNConv: add self-loops, symmetric normalization D^-1/2 (A+I) D^-1/2 X W + b
    num_nodes = x.shape[0]
    loop = jnp.arange(num_nodes, dtype=edge_index.dtype)
    src = jnp.concatenate([edge_index[0], loop])
    dst = jnp.concatenate([edge_index[1], loop])
    deg = jnp.zeros((num_nodes,), dtype=jnp.float32).at[dst].add(1.0)
    deg_inv_sqrt = jnp.where(deg > 0, jax.lax.rsqrt(deg), 0.0)
    norm = deg_inv_sqrt[src] * deg_inv_sqrt[dst]
    xw = x @ W
    msg = xw[src] * norm[:, None]
    out = jnp.zeros((num_nodes, W.shape[1]), dtype=jnp.float32).at[dst].add(msg)
    return out + b


def reference(x, edge_index, W1, b1, W2, b2):
    h = jax.nn.relu(_gcn_conv(x, edge_index, W1, b1))
    # F.dropout with training=False (eval mode) is the identity
    y = _gcn_conv(h, edge_index, W2, b2)
    return y

if __name__ == "__main__":
    import jax
    _d = setup_inputs()
    print(jax.jit(kernel)(*tuple(_d.values())))

</pallas_src>

<mosaic_0001>
#map = affine_map<(d0, d1) -> (0, 0, 0)>
#map1 = affine_map<(d0, d1) -> (0, 0)>
module attributes {stable_mosaic.version = 14 : i64} {
  func.func @_deg_kernel_body(%arg0: i32, %arg1: i32, %arg2: memref<32x80x128xi32, #tpu.memory_space<hbm>>, %arg3: memref<32x10240xf32, #tpu.memory_space<hbm>>, %arg4: memref<80x128xi32, #tpu.memory_space<vmem>>, %arg5: memref<10240xf32, #tpu.memory_space<vmem>>) attributes {dimension_semantics = [#tpu.dimension_semantics<core_parallel>, #tpu.dimension_semantics<subcore_parallel>], iteration_bounds = array<i64: 2, 16>, scalar_prefetch = 0 : i64, scratch_operands = 2 : i64, tpu.core_type = #tpu.core_type<sc_vector_subcore>, window_params = [{transform_indices = #map}, {transform_indices = #map1}]} {
    %mul3A = arith.constant 2 : i32
    %mul3A_0 = arith.muli %arg1, %mul3A : i32
    %add3A = arith.addi %mul3A_0, %arg0 : i32
    "tpu.region"() ({
      %run_scoped3A = tpu.sem_alloc : memref<!tpu.dma_semaphore, #tpu.memory_space<semaphore_mem>>
      %dma_start3A = arith.constant 0 : i32
      %dma_start3A_11 = arith.constant 0 : i32
      %dma_start3A_12 = tpu.memref_slice %arg2[%add3A, %dma_start3A, %dma_start3A_11] : memref<32x80x128xi32, #tpu.memory_space<hbm>> -> memref<1x80x128xi32, #tpu.memory_space<hbm>>
      %dma_start3A_13 = tpu.memref_squeeze %dma_start3A_12 : memref<1x80x128xi32, #tpu.memory_space<hbm>> -> memref<80x128xi32, #tpu.memory_space<hbm>>
      %dma_start3A_14 = arith.constant 0 : i32
      %dma_start3A_15 = arith.constant 0 : i32
      %dma_start3A_16 = tpu.memref_slice %arg2[%add3A, %dma_start3A_14, %dma_start3A_15] : memref<32x80x128xi32, #tpu.memory_space<hbm>> -> memref<1x80x128xi32, #tpu.memory_space<hbm>>
      %dma_start3A_17 = tpu.memref_squeeze %dma_start3A_16 : memref<1x80x128xi32, #tpu.memory_space<hbm>> -> memref<80x128xi32, #tpu.memory_space<hbm>>
      tpu.enqueue_dma source(%dma_start3A_17 : memref<80x128xi32, #tpu.memory_space<hbm>>) target(%arg4 : memref<80x128xi32, #tpu.memory_space<vmem>>) target_semaphore(%run_scoped3A : memref<!tpu.dma_semaphore, #tpu.memory_space<semaphore_mem>>)
      %dma_wait3A = arith.constant 0 : i32
      %dma_wait3A_18 = arith.constant 0 : i32
      %dma_wait3A_19 = tpu.memref_slice %arg2[%add3A, %dma_wait3A, %dma_wait3A_18] : memref<32x80x128xi32, #tpu.memory_space<hbm>> -> memref<1x80x128xi32, #tpu.memory_space<hbm>>
      %dma_wait3A_20 = tpu.memref_squeeze %dma_wait3A_19 : memref<1x80x128xi32, #tpu.memory_space<hbm>> -> memref<80x128xi32, #tpu.memory_space<hbm>>
      %dma_wait3A_21 = arith.constant 0 : i32
      %dma_wait3A_22 = arith.constant 0 : i32
      %dma_wait3A_23 = tpu.memref_slice %arg2[%add3A, %dma_wait3A_21, %dma_wait3A_22] : memref<32x80x128xi32, #tpu.memory_space<hbm>> -> memref<1x80x128xi32, #tpu.memory_space<hbm>>
      %dma_wait3A_24 = tpu.memref_squeeze %dma_wait3A_23 : memref<1x80x128xi32, #tpu.memory_space<hbm>> -> memref<80x128xi32, #tpu.memory_space<hbm>>
      tpu.wait_dma2 semaphore(%run_scoped3A : memref<!tpu.dma_semaphore, #tpu.memory_space<semaphore_mem>>) src(%dma_wait3A_24 : memref<80x128xi32, #tpu.memory_space<hbm>>) dst(%arg4 : memref<80x128xi32, #tpu.memory_space<vmem>>)
      tpu.yield
    }) : () -> ()
    %scan3A = arith.constant 0 : i32
    %scan3A_1 = arith.constant 640 : i32
    %scan3A_2 = arith.addi %scan3A, %scan3A_1 : i32
    %scan3A_3 = arith.constant 1 : i32
    scf.for %scan3A_11 = %scan3A to %scan3A_2 step %scan3A_3  : i32 {
      %broadcast_in_dim3A_12 = arith.constant 0.000000e+00 : f32
      %broadcast_in_dim3A_13 = vector.broadcast %broadcast_in_dim3A_12 : f32 to vector<16xf32>
      %mul3A_14 = arith.constant 16 : i32
      %mul3A_15 = arith.muli %scan3A_11, %mul3A_14 : i32
      %swap3A = arith.index_cast %mul3A_15 : i32 to index
      %swap3A_16 = tpu.vector_load %arg5[%swap3A] {strides = array<i32>} : memref<10240xf32, #tpu.memory_space<vmem>>, vector<16xf32>,
      tpu.vector_store %arg5[%swap3A], %broadcast_in_dim3A_13 {strides = array<i32>} : memref<10240xf32, #tpu.memory_space<vmem>>, vector<16xf32>,
    }
    %scan3A_4 = arith.constant 640 : i32
    %broadcast_in_dim3A = arith.constant 1.000000e+00 : f32
    %broadcast_in_dim3A_5 = vector.broadcast %broadcast_in_dim3A : f32 to vector<16xf32>
    %scan3A_6 = arith.constant 0 : i32
    %scan3A_7 = arith.constant 640 : i32
    %scan3A_8 = arith.addi %scan3A_6, %scan3A_7 : i32
    %scan3A_9 = arith.constant 1 : i32
    scf.for %scan3A_11 = %scan3A_6 to %scan3A_8 step %scan3A_9  : i32 {
      %jit3A = arith.constant 8 : i32
      %div3A = arith.divsi %scan3A_11, %jit3A : i32
      %sign3A = arith.constant 0 : i32
      %sign3A_12 = arith.cmpi sgt, %scan3A_11, %sign3A : i32
      %sign3A_13 = arith.extui %sign3A_12 : i1 to i32
      %sign3A_14 = arith.constant 0 : i32
      %sign3A_15 = arith.cmpi slt, %scan3A_11, %sign3A_14 : i32
      %sign3A_16 = arith.extui %sign3A_15 : i1 to i32
      %sign3A_17 = arith.subi %sign3A_13, %sign3A_16 : i32
      %sign3A_18 = arith.constant 0 : i32
      %sign3A_19 = arith.cmpi sgt, %jit3A, %sign3A_18 : i32
      %sign3A_20 = arith.extui %sign3A_19 : i1 to i32
      %sign3A_21 = arith.constant 0 : i32
      %sign3A_22 = arith.cmpi slt, %jit3A, %sign3A_21 : i32
      %sign3A_23 = arith.extui %sign3A_22 : i1 to i32
      %sign3A_24 = arith.subi %sign3A_20, %sign3A_23 : i32
      %ne3A = arith.cmpi ne, %sign3A_17, %sign3A_24 : i32
      %rem3A = arith.remsi %scan3A_11, %jit3A : i32
      %ne3A_25 = arith.constant 0 : i32
      %ne3A_26 = arith.cmpi ne, %rem3A, %ne3A_25 : i32
      %and3A = arith.andi %ne3A, %ne3A_26 : i1
      %sub3A = arith.constant 1 : i32
      %sub3A_27 = arith.subi %div3A, %sub3A : i32
      %select_n3A = arith.select %and3A, %sub3A_27, %div3A : i32
      %jit3A_28 = arith.constant 8 : i32
      %eq3A = arith.constant 0 : i32
      %eq3A_29 = arith.cmpi eq, %jit3A_28, %eq3A : i32
      %jit3A_30 = arith.constant 1 : i32
      %select_n3A_31 = arith.select %eq3A_29, %jit3A_30, %jit3A_28 : i32
      %rem3A_32 = arith.remsi %scan3A_11, %select_n3A_31 : i32
      %ne3A_33 = arith.constant 0 : i32
      %ne3A_34 = arith.cmpi ne, %rem3A_32, %ne3A_33 : i32
      %lt3A = arith.constant 0 : i32
      %lt3A_35 = arith.cmpi slt, %rem3A_32, %lt3A : i32
      %lt3A_36 = arith.constant 0 : i32
      %lt3A_37 = arith.cmpi slt, %select_n3A_31, %lt3A_36 : i32
      %ne3A_38 = arith.xori %lt3A_35, %lt3A_37 : i1
      %and3A_39 = arith.andi %ne3A_38, %ne3A_34 : i1
      %add3A_40 = arith.addi %rem3A_32, %select_n3A_31 : i32
      %select_n3A_41 = arith.select %and3A_39, %add3A_40, %rem3A_32 : i32
      %mul3A_42 = arith.constant 16 : i32
      %mul3A_43 = arith.muli %select_n3A_41, %mul3A_42 : i32
      %get3A = arith.index_cast %select_n3A : i32 to index
      %get3A_44 = arith.index_cast %mul3A_43 : i32 to index
      %get3A_45 = tpu.vector_load %arg4[%get3A, %get3A_44] {strides = array<i32>} : memref<80x128xi32, #tpu.memory_space<vmem>>, vector<16xi32>,
      tpu.vector_store_idx %arg5[%get3A_45], %broadcast_in_dim3A_5 {add = true} : memref<10240xf32, #tpu.memory_space<vmem>>[vector<16xi32>], vector<16xf32>,
    }
    %scan3A_10 = arith.constant 640 : i32
    "tpu.region"() ({
      %run_scoped3A = tpu.sem_alloc : memref<!tpu.dma_semaphore, #tpu.memory_space<semaphore_mem>>
      %dma_start3A = arith.constant 0 : i32
      %dma_start3A_11 = tpu.memref_slice %arg3[%add3A, %dma_start3A] : memref<32x10240xf32, #tpu.memory_space<hbm>> -> memref<1x10240xf32, #tpu.memory_space<hbm>>
      %dma_start3A_12 = tpu.memref_squeeze %dma_start3A_11 : memref<1x10240xf32, #tpu.memory_space<hbm>> -> memref<10240xf32, #tpu.memory_space<hbm>>
      %dma_start3A_13 = arith.constant 0 : i32
      %dma_start3A_14 = tpu.memref_slice %arg3[%add3A, %dma_start3A_13] : memref<32x10240xf32, #tpu.memory_space<hbm>> -> memref<1x10240xf32, #tpu.memory_space<hbm>>
      %dma_start3A_15 = tpu.memref_squeeze %dma_start3A_14 : memref<1x10240xf32, #tpu.memory_space<hbm>> -> memref<10240xf32, #tpu.memory_space<hbm>>
      tpu.enqueue_dma source(%arg5 : memref<10240xf32, #tpu.memory_space<vmem>>) target(%dma_start3A_15 : memref<10240xf32, #tpu.memory_space<hbm>>) target_semaphore(%run_scoped3A : memref<!tpu.dma_semaphore, #tpu.memory_space<semaphore_mem>>)
      %dma_wait3A = arith.constant 0 : i32
      %dma_wait3A_16 = tpu.memref_slice %arg3[%add3A, %dma_wait3A] : memref<32x10240xf32, #tpu.memory_space<hbm>> -> memref<1x10240xf32, #tpu.memory_space<hbm>>
      %dma_wait3A_17 = tpu.memref_squeeze %dma_wait3A_16 : memref<1x10240xf32, #tpu.memory_space<hbm>> -> memref<10240xf32, #tpu.memory_space<hbm>>
      %dma_wait3A_18 = arith.constant 0 : i32
      %dma_wait3A_19 = tpu.memref_slice %arg3[%add3A, %dma_wait3A_18] : memref<32x10240xf32, #tpu.memory_space<hbm>> -> memref<1x10240xf32, #tpu.memory_space<hbm>>
      %dma_wait3A_20 = tpu.memref_squeeze %dma_wait3A_19 : memref<1x10240xf32, #tpu.memory_space<hbm>> -> memref<10240xf32, #tpu.memory_space<hbm>>
      tpu.wait_dma2 semaphore(%run_scoped3A : memref<!tpu.dma_semaphore, #tpu.memory_space<semaphore_mem>>) src(%arg5 : memref<10240xf32, #tpu.memory_space<vmem>>) dst(%dma_wait3A_20 : memref<10240xf32, #tpu.memory_space<hbm>>)
      tpu.yield
    }) : () -> ()
    return
  }
}

#map = affine_map<(d0, d1) -> (0, 0, 0)>
#map1 = affine_map<(d0, d1) -> (0, 0)>
module attributes {stable_mosaic.version = 14 : i64} {
  func.func @body(%arg0: i32, %arg1: i32, %arg2: memref<32x80x128xi32, #tpu.memory_space<hbm>>, %arg3: memref<32x80x128xi32, #tpu.memory_space<hbm>>, %arg4: memref<10240x128xf32, #tpu.memory_space<hbm>>, %arg5: memref<2x10240x128xf32, #tpu.memory_space<hbm>>, %arg6: memref<40x128xi32, #tpu.memory_space<vmem>>, %arg7: memref<40x128xi32, #tpu.memory_space<vmem>>, %arg8: memref<2x128x128xf32, #tpu.memory_space<vmem>>, %arg9: memref<10240x128xf32, #tpu.memory_space<vmem_shared>>, %arg10: memref<!tpu.dma_semaphore, #tpu.memory_space<semaphore_mem>>, %arg11: memref<!tpu.dma_semaphore, #tpu.memory_space<semaphore_mem>>) attributes {dimension_semantics = [#tpu.dimension_semantics<core_parallel>, #tpu.dimension_semantics<subcore_parallel>], iteration_bounds = array<i64: 2, 16>, scalar_prefetch = 0 : i64, scratch_operands = 6 : i64, tpu.core_type = #tpu.core_type<sc_vector_subcore>, window_params = [{transform_indices = #map}, {transform_indices = #map}, {transform_indices = #map1}, {transform_indices = #map}]} {
    %mul3A = arith.constant 2 : i32
    %mul3A_0 = arith.muli %arg1, %mul3A : i32
    %add3A = arith.addi %mul3A_0, %arg0 : i32
    %scan3A = arith.constant 0 : i32
    %scan3A_1 = arith.constant 1024 : i32
    %scan3A_2 = arith.addi %scan3A, %scan3A_1 : i32
    %scan3A_3 = arith.constant 1 : i32
    scf.for %scan3A_146 = %scan3A to %scan3A_2 step %scan3A_3  : i32 {
      %jit3A = arith.constant 8 : i32
      %div3A = arith.divsi %scan3A_146, %jit3A : i32
      %sign3A = arith.constant 0 : i32
      %sign3A_147 = arith.cmpi sgt, %scan3A_146, %sign3A : i32
      %sign3A_148 = arith.extui %sign3A_147 : i1 to i32
      %sign3A_149 = arith.constant 0 : i32
      %sign3A_150 = arith.cmpi slt, %scan3A_146, %sign3A_149 : i32
      %sign3A_151 = arith.extui %sign3A_150 : i1 to i32
      %sign3A_152 = arith.subi %sign3A_148, %sign3A_151 : i32
      %sign3A_153 = arith.constant 0 : i32
      %sign3A_154 = arith.cmpi sgt, %jit3A, %sign3A_153 : i32
      %sign3A_155 = arith.extui %sign3A_154 : i1 to i32
      %sign3A_156 = arith.constant 0 : i32
      %sign3A_157 = arith.cmpi slt, %jit3A, %sign3A_156 : i32
      %sign3A_158 = arith.extui %sign3A_157 : i1 to i32
      %sign3A_159 = arith.subi %sign3A_155, %sign3A_158 : i32
      %ne3A = arith.cmpi ne, %sign3A_152, %sign3A_159 : i32
      %rem3A = arith.remsi %scan3A_146, %jit3A : i32
      %ne3A_160 = arith.constant 0 : i32
      %ne3A_161 = arith.cmpi ne, %rem3A, %ne3A_160 : i32
      %and3A = arith.andi %ne3A, %ne3A_161 : i1
      %sub3A = arith.constant 1 : i32
      %sub3A_162 = arith.subi %div3A, %sub3A : i32
      %select_n3A = arith.select %and3A, %sub3A_162, %div3A : i32
      %jit3A_163 = arith.constant 8 : i32
      %eq3A = arith.constant 0 : i32
      %eq3A_164 = arith.cmpi eq, %jit3A_163, %eq3A : i32
      %jit3A_165 = arith.constant 1 : i32
      %select_n3A_166 = arith.select %eq3A_164, %jit3A_165, %jit3A_163 : i32
      %rem3A_167 = arith.remsi %scan3A_146, %select_n3A_166 : i32
      %ne3A_168 = arith.constant 0 : i32
      %ne3A_169 = arith.cmpi ne, %rem3A_167, %ne3A_168 : i32
      %lt3A = arith.constant 0 : i32
      %lt3A_170 = arith.cmpi slt, %rem3A_167, %lt3A : i32
      %lt3A_171 = arith.constant 0 : i32
      %lt3A_172 = arith.cmpi slt, %select_n3A_166, %lt3A_171 : i32
      %ne3A_173 = arith.xori %lt3A_170, %lt3A_172 : i1
      %and3A_174 = arith.andi %ne3A_173, %ne3A_169 : i1
      %add3A_175 = arith.addi %rem3A_167, %select_n3A_166 : i32
      %select_n3A_176 = arith.select %and3A_174, %add3A_175, %rem3A_167 : i32
      %broadcast_in_dim3A = arith.constant 0.000000e+00 : f32
      %broadcast_in_dim3A_177 = vector.broadcast %broadcast_in_dim3A : f32 to vector<16xf32>
      %mul3A_178 = arith.constant 16 : i32
      %mul3A_179 = arith.muli %select_n3A_176, %mul3A_178 : i32
      %swap3A = arith.constant 0 : i32
      %swap3A_180 = arith.index_cast %swap3A : i32 to index
      %swap3A_181 = arith.index_cast %select_n3A : i32 to index
      %swap3A_182 = arith.index_cast %mul3A_179 : i32 to index
      %swap3A_183 = tpu.vector_load %arg8[%swap3A_180, %swap3A_181, %swap3A_182] {strides = array<i32>} : memref<2x128x128xf32, #tpu.memory_space<vmem>>, vector<16xf32>,
      tpu.vector_store %arg8[%swap3A_180, %swap3A_181, %swap3A_182], %broadcast_in_dim3A_177 {strides = array<i32>} : memref<2x128x128xf32, #tpu.memory_space<vmem>>, vector<16xf32>,
    }
    %scan3A_4 = arith.constant 1024 : i32
    %mul3A_5 = arith.constant 640 : i32
    %mul3A_6 = arith.muli %arg1, %mul3A_5 : i32
    %add3A_7 = arith.constant 0 : i32
    %add3A_8 = arith.addi %mul3A_6, %add3A_7 : i32
    %run_scoped3A = arith.constant 0 : i32
    "tpu.region"() ({
      %run_scoped3A_146 = tpu.sem_alloc : memref<!tpu.dma_semaphore, #tpu.memory_space<semaphore_mem>>
      %dma_start3A_147 = arith.constant 0 : i32
      %dma_start3A_148 = arith.constant 0 : i32
      %dma_start3A_149 = tpu.memref_slice %arg8[%run_scoped3A, %dma_start3A_147, %dma_start3A_148] : memref<2x128x128xf32, #tpu.memory_space<vmem>> -> memref<1x128x128xf32, #tpu.memory_space<vmem>>
      %dma_start3A_150 = tpu.memref_squeeze %dma_start3A_149 : memref<1x128x128xf32, #tpu.memory_space<vmem>> -> memref<128x128xf32, #tpu.memory_space<vmem>>
      %dma_start3A_151 = arith.constant 0 : i32
      %dma_start3A_152 = tpu.memref_slice %arg9[%add3A_8, %dma_start3A_151] : memref<10240x128xf32, #tpu.memory_space<vmem_shared>> -> memref<128x128xf32, #tpu.memory_space<vmem_shared>>
      %dma_start3A_153 = arith.constant 0 : i32
      %dma_start3A_154 = tpu.memref_slice %arg9[%add3A_8, %dma_start3A_153] : memref<10240x128xf32, #tpu.memory_space<vmem_shared>> -> memref<128x128xf32, #tpu.memory_space<vmem_shared>>
      %dma_start3A_155 = arith.constant 0 : i32
      %dma_start3A_156 = arith.constant 0 : i32
      %dma_start3A_157 = tpu.memref_slice %arg8[%run_scoped3A, %dma_start3A_155, %dma_start3A_156] : memref<2x128x128xf32, #tpu.memory_space<vmem>> -> memref<1x128x128xf32, #tpu.memory_space<vmem>>
      %dma_start3A_158 = tpu.memref_squeeze %dma_start3A_157 : memref<1x128x128xf32, #tpu.memory_space<vmem>> -> memref<128x128xf32, #tpu.memory_space<vmem>>
      tpu.enqueue_dma source(%dma_start3A_158 : memref<128x128xf32, #tpu.memory_space<vmem>>) target(%dma_start3A_154 : memref<128x128xf32, #tpu.memory_space<vmem_shared>>) target_semaphore(%run_scoped3A_146 : memref<!tpu.dma_semaphore, #tpu.memory_space<semaphore_mem>>)
      %dma_wait3A_159 = arith.constant 0 : i32
      %dma_wait3A_160 = arith.constant 0 : i32
      %dma_wait3A_161 = tpu.memref_slice %arg8[%run_scoped3A, %dma_wait3A_159, %dma_wait3A_160] : memref<2x128x128xf32, #tpu.memory_space<vmem>> -> memref<1x128x128xf32, #tpu.memory_space<vmem>>
      %dma_wait3A_162 = tpu.memref_squeeze %dma_wait3A_161 : memref<1x128x128xf32, #tpu.memory_space<vmem>> -> memref<128x128xf32, #tpu.memory_space<vmem>>
      %dma_wait3A_163 = arith.constant 0 : i32
      %dma_wait3A_164 = tpu.memref_slice %arg9[%add3A_8, %dma_wait3A_163] : memref<10240x128xf32, #tpu.memory_space<vmem_shared>> -> memref<128x128xf32, #tpu.memory_space<vmem_shared>>
      %dma_wait3A_165 = arith.constant 0 : i32
      %dma_wait3A_166 = tpu.memref_slice %arg9[%add3A_8, %dma_wait3A_165] : memref<10240x128xf32, #tpu.memory_space<vmem_shared>> -> memref<128x128xf32, #tpu.memory_space<vmem_shared>>
      %dma_wait3A_167 = arith.constant 0 : i32
      %dma_wait3A_168 = arith.constant 0 : i32
      %dma_wait3A_169 = tpu.memref_slice %arg8[%run_scoped3A, %dma_wait3A_167, %dma_wait3A_168] : memref<2x128x128xf32, #tpu.memory_space<vmem>> -> memref<1x128x128xf32, #tpu.memory_space<vmem>>
      %dma_wait3A_170 = tpu.memref_squeeze %dma_wait3A_169 : memref<1x128x128xf32, #tpu.memory_space<vmem>> -> memref<128x128xf32, #tpu.memory_space<vmem>>
      tpu.wait_dma2 semaphore(%run_scoped3A_146 : memref<!tpu.dma_semaphore, #tpu.memory_space<semaphore_mem>>) src(%dma_wait3A_170 : memref<128x128xf32, #tpu.memory_space<vmem>>) dst(%dma_wait3A_166 : memref<128x128xf32, #tpu.memory_space<vmem_shared>>)
      tpu.yield
    }) : () -> ()
    %mul3A_9 = arith.constant 640 : i32
    %mul3A_10 = arith.muli %arg1, %mul3A_9 : i32
    %add3A_11 = arith.constant 128 : i32
    %add3A_12 = arith.addi %mul3A_10, %add3A_11 : i32
    %run_scoped3A_13 = arith.constant 0 : i32
    "tpu.region"() ({
      %run_scoped3A_146 = tpu.sem_alloc : memref<!tpu.dma_semaphore, #tpu.memory_space<semaphore_mem>>
      %dma_start3A_147 = arith.constant 0 : i32
      %dma_start3A_148 = arith.constant 0 : i32
      %dma_start3A_149 = tpu.memref_slice %arg8[%run_scoped3A_13, %dma_start3A_147, %dma_start3A_148] : memref<2x128x128xf32, #tpu.memory_space<vmem>> -> memref<1x128x128xf32, #tpu.memory_space<vmem>>
      %dma_start3A_150 = tpu.memref_squeeze %dma_start3A_149 : memref<1x128x128xf32, #tpu.memory_space<vmem>> -> memref<128x128xf32, #tpu.memory_space<vmem>>
      %dma_start3A_151 = arith.constant 0 : i32
      %dma_start3A_152 = tpu.memref_slice %arg9[%add3A_12, %dma_start3A_151] : memref<10240x128xf32, #tpu.memory_space<vmem_shared>> -> memref<128x128xf32, #tpu.memory_space<vmem_shared>>
      %dma_start3A_153 = arith.constant 0 : i32
      %dma_start3A_154 = tpu.memref_slice %arg9[%add3A_12, %dma_start3A_153] : memref<10240x128xf32, #tpu.memory_space<vmem_shared>> -> memref<128x128xf32, #tpu.memory_space<vmem_shared>>
      %dma_start3A_155 = arith.constant 0 : i32
      %dma_start3A_156 = arith.constant 0 : i32
      %dma_start3A_157 = tpu.memref_slice %arg8[%run_scoped3A_13, %dma_start3A_155, %dma_start3A_156] : memref<2x128x128xf32, #tpu.memory_space<vmem>> -> memref<1x128x128xf32, #tpu.memory_space<vmem>>
      %dma_start3A_158 = tpu.memref_squeeze %dma_start3A_157 : memref<1x128x128xf32, #tpu.memory_space<vmem>> -> memref<128x128xf32, #tpu.memory_space<vmem>>
      tpu.enqueue_dma source(%dma_start3A_158 : memref<128x128xf32, #tpu.memory_space<vmem>>) target(%dma_start3A_154 : memref<128x128xf32, #tpu.memory_space<vmem_shared>>) target_semaphore(%run_scoped3A_146 : memref<!tpu.dma_semaphore, #tpu.memory_space<semaphore_mem>>)
      %dma_wait3A_159 = arith.constant 0 : i32
      %dma_wait3A_160 = arith.constant 0 : i32
      %dma_wait3A_161 = tpu.memref_slice %arg8[%run_scoped3A_13, %dma_wait3A_159, %dma_wait3A_160] : memref<2x128x128xf32, #tpu.memory_space<vmem>> -> memref<1x128x128xf32, #tpu.memory_space<vmem>>
      %dma_wait3A_162 = tpu.memref_squeeze %dma_wait3A_161 : memref<1x128x128xf32, #tpu.memory_space<vmem>> -> memref<128x128xf32, #tpu.memory_space<vmem>>
      %dma_wait3A_163 = arith.constant 0 : i32
      %dma_wait3A_164 = tpu.memref_slice %arg9[%add3A_12, %dma_wait3A_163] : memref<10240x128xf32, #tpu.memory_space<vmem_shared>> -> memref<128x128xf32, #tpu.memory_space<vmem_shared>>
      %dma_wait3A_165 = arith.constant 0 : i32
      %dma_wait3A_166 = tpu.memref_slice %arg9[%add3A_12, %dma_wait3A_165] : memref<10240x128xf32, #tpu.memory_space<vmem_shared>> -> memref<128x128xf32, #tpu.memory_space<vmem_shared>>
      %dma_wait3A_167 = arith.constant 0 : i32
      %dma_wait3A_168 = arith.constant 0 : i32
      %dma_wait3A_169 = tpu.memref_slice %arg8[%run_scoped3A_13, %dma_wait3A_167, %dma_wait3A_168] : memref<2x128x128xf32, #tpu.memory_space<vmem>> -> memref<1x128x128xf32, #tpu.memory_space<vmem>>
      %dma_wait3A_170 = tpu.memref_squeeze %dma_wait3A_169 : memref<1x128x128xf32, #tpu.memory_space<vmem>> -> memref<128x128xf32, #tpu.memory_space<vmem>>
      tpu.wait_dma2 semaphore(%run_scoped3A_146 : memref<!tpu.dma_semaphore, #tpu.memory_space<semaphore_mem>>) src(%dma_wait3A_170 : memref<128x128xf32, #tpu.memory_space<vmem>>) dst(%dma_wait3A_166 : memref<128x128xf32, #tpu.memory_space<vmem_shared>>)
      tpu.yield
    }) : () -> ()
    %mul3A_14 = arith.constant 640 : i32
    %mul3A_15 = arith.muli %arg1, %mul3A_14 : i32
    %add3A_16 = arith.constant 256 : i32
    %add3A_17 = arith.addi %mul3A_15, %add3A_16 : i32
    %run_scoped3A_18 = arith.constant 0 : i32
    "tpu.region"() ({
      %run_scoped3A_146 = tpu.sem_alloc : memref<!tpu.dma_semaphore, #tpu.memory_space<semaphore_mem>>
      %dma_start3A_147 = arith.constant 0 : i32
      %dma_start3A_148 = arith.constant 0 : i32
      %dma_start3A_149 = tpu.memref_slice %arg8[%run_scoped3A_18, %dma_start3A_147, %dma_start3A_148] : memref<2x128x128xf32, #tpu.memory_space<vmem>> -> memref<1x128x128xf32, #tpu.memory_space<vmem>>
      %dma_start3A_150 = tpu.memref_squeeze %dma_start3A_149 : memref<1x128x128xf32, #tpu.memory_space<vmem>> -> memref<128x128xf32, #tpu.memory_space<vmem>>
      %dma_start3A_151 = arith.constant 0 : i32
      %dma_start3A_152 = tpu.memref_slice %arg9[%add3A_17, %dma_start3A_151] : memref<10240x128xf32, #tpu.memory_space<vmem_shared>> -> memref<128x128xf32, #tpu.memory_space<vmem_shared>>
      %dma_start3A_153 = arith.constant 0 : i32
      %dma_start3A_154 = tpu.memref_slice %arg9[%add3A_17, %dma_start3A_153] : memref<10240x128xf32, #tpu.memory_space<vmem_shared>> -> memref<128x128xf32, #tpu.memory_space<vmem_shared>>
      %dma_start3A_155 = arith.constant 0 : i32
      %dma_start3A_156 = arith.constant 0 : i32
      %dma_start3A_157 = tpu.memref_slice %arg8[%run_scoped3A_18, %dma_start3A_155, %dma_start3A_156] : memref<2x128x128xf32, #tpu.memory_space<vmem>> -> memref<1x128x128xf32, #tpu.memory_space<vmem>>
      %dma_start3A_158 = tpu.memref_squeeze %dma_start3A_157 : memref<1x128x128xf32, #tpu.memory_space<vmem>> -> memref<128x128xf32, #tpu.memory_space<vmem>>
      tpu.enqueue_dma source(%dma_start3A_158 : memref<128x128xf32, #tpu.memory_space<vmem>>) target(%dma_start3A_154 : memref<128x128xf32, #tpu.memory_space<vmem_shared>>) target_semaphore(%run_scoped3A_146 : memref<!tpu.dma_semaphore, #tpu.memory_space<semaphore_mem>>)
      %dma_wait3A_159 = arith.constant 0 : i32
      %dma_wait3A_160 = arith.constant 0 : i32
      %dma_wait3A_161 = tpu.memref_slice %arg8[%run_scoped3A_18, %dma_wait3A_159, %dma_wait3A_160] : memref<2x128x128xf32, #tpu.memory_space<vmem>> -> memref<1x128x128xf32, #tpu.memory_space<vmem>>
      %dma_wait3A_162 = tpu.memref_squeeze %dma_wait3A_161 : memref<1x128x128xf32, #tpu.memory_space<vmem>> -> memref<128x128xf32, #tpu.memory_space<vmem>>
      %dma_wait3A_163 = arith.constant 0 : i32
      %dma_wait3A_164 = tpu.memref_slice %arg9[%add3A_17, %dma_wait3A_163] : memref<10240x128xf32, #tpu.memory_space<vmem_shared>> -> memref<128x128xf32, #tpu.memory_space<vmem_shared>>
      %dma_wait3A_165 = arith.constant 0 : i32
      %dma_wait3A_166 = tpu.memref_slice %arg9[%add3A_17, %dma_wait3A_165] : memref<10240x128xf32, #tpu.memory_space<vmem_shared>> -> memref<128x128xf32, #tpu.memory_space<vmem_shared>>
      %dma_wait3A_167 = arith.constant 0 : i32
      %dma_wait3A_168 = arith.constant 0 : i32
      %dma_wait3A_169 = tpu.memref_slice %arg8[%run_scoped3A_18, %dma_wait3A_167, %dma_wait3A_168] : memref<2x128x128xf32, #tpu.memory_space<vmem>> -> memref<1x128x128xf32, #tpu.memory_space<vmem>>
      %dma_wait3A_170 = tpu.memref_squeeze %dma_wait3A_169 : memref<1x128x128xf32, #tpu.memory_space<vmem>> -> memref<128x128xf32, #tpu.memory_space<vmem>>
      tpu.wait_dma2 semaphore(%run_scoped3A_146 : memref<!tpu.dma_semaphore, #tpu.memory_space<semaphore_mem>>) src(%dma_wait3A_170 : memref<128x128xf32, #tpu.memory_space<vmem>>) dst(%dma_wait3A_166 : memref<128x128xf32, #tpu.memory_space<vmem_shared>>)
      tpu.yield
    }) : () -> ()
    %mul3A_19 = arith.constant 640 : i32
    %mul3A_20 = arith.muli %arg1, %mul3A_19 : i32
    %add3A_21 = arith.constant 384 : i32
    %add3A_22 = arith.addi %mul3A_20, %add3A_21 : i32
    %run_scoped3A_23 = arith.constant 0 : i32
    "tpu.region"() ({
      %run_scoped3A_146 = tpu.sem_alloc : memref<!tpu.dma_semaphore, #tpu.memory_space<semaphore_mem>>
      %dma_start3A_147 = arith.constant 0 : i32
      %dma_start3A_148 = arith.constant 0 : i32
      %dma_start3A_149 = tpu.memref_slice %arg8[%run_scoped3A_23, %dma_start3A_147, %dma_start3A_148] : memref<2x128x128xf32, #tpu.memory_space<vmem>> -> memref<1x128x128xf32, #tpu.memory_space<vmem>>
      %dma_start3A_150 = tpu.memref_squeeze %dma_start3A_149 : memref<1x128x128xf32, #tpu.memory_space<vmem>> -> memref<128x128xf32, #tpu.memory_space<vmem>>
      %dma_start3A_151 = arith.constant 0 : i32
      %dma_start3A_152 = tpu.memref_slice %arg9[%add3A_22, %dma_start3A_151] : memref<10240x128xf32, #tpu.memory_space<vmem_shared>> -> memref<128x128xf32, #tpu.memory_space<vmem_shared>>
      %dma_start3A_153 = arith.constant 0 : i32
      %dma_start3A_154 = tpu.memref_slice %arg9[%add3A_22, %dma_start3A_153] : memref<10240x128xf32, #tpu.memory_space<vmem_shared>> -> memref<128x128xf32, #tpu.memory_space<vmem_shared>>
      %dma_start3A_155 = arith.constant 0 : i32
      %dma_start3A_156 = arith.constant 0 : i32
      %dma_start3A_157 = tpu.memref_slice %arg8[%run_scoped3A_23, %dma_start3A_155, %dma_start3A_156] : memref<2x128x128xf32, #tpu.memory_space<vmem>> -> memref<1x128x128xf32, #tpu.memory_space<vmem>>
      %dma_start3A_158 = tpu.memref_squeeze %dma_start3A_157 : memref<1x128x128xf32, #tpu.memory_space<vmem>> -> memref<128x128xf32, #tpu.memory_space<vmem>>
      tpu.enqueue_dma source(%dma_start3A_158 : memref<128x128xf32, #tpu.memory_space<vmem>>) target(%dma_start3A_154 : memref<128x128xf32, #tpu.memory_space<vmem_shared>>) target_semaphore(%run_scoped3A_146 : memref<!tpu.dma_semaphore, #tpu.memory_space<semaphore_mem>>)
      %dma_wait3A_159 = arith.constant 0 : i32
      %dma_wait3A_160 = arith.constant 0 : i32
      %dma_wait3A_161 = tpu.memref_slice %arg8[%run_scoped3A_23, %dma_wait3A_159, %dma_wait3A_160] : memref<2x128x128xf32, #tpu.memory_space<vmem>> -> memref<1x128x128xf32, #tpu.memory_space<vmem>>
      %dma_wait3A_162 = tpu.memref_squeeze %dma_wait3A_161 : memref<1x128x128xf32, #tpu.memory_space<vmem>> -> memref<128x128xf32, #tpu.memory_space<vmem>>
      %dma_wait3A_163 = arith.constant 0 : i32
      %dma_wait3A_164 = tpu.memref_slice %arg9[%add3A_22, %dma_wait3A_163] : memref<10240x128xf32, #tpu.memory_space<vmem_shared>> -> memref<128x128xf32, #tpu.memory_space<vmem_shared>>
      %dma_wait3A_165 = arith.constant 0 : i32
      %dma_wait3A_166 = tpu.memref_slice %arg9[%add3A_22, %dma_wait3A_165] : memref<10240x128xf32, #tpu.memory_space<vmem_shared>> -> memref<128x128xf32, #tpu.memory_space<vmem_shared>>
      %dma_wait3A_167 = arith.constant 0 : i32
      %dma_wait3A_168 = arith.constant 0 : i32
      %dma_wait3A_169 = tpu.memref_slice %arg8[%run_scoped3A_23, %dma_wait3A_167, %dma_wait3A_168] : memref<2x128x128xf32, #tpu.memory_space<vmem>> -> memref<1x128x128xf32, #tpu.memory_space<vmem>>
      %dma_wait3A_170 = tpu.memref_squeeze %dma_wait3A_169 : memref<1x128x128xf32, #tpu.memory_space<vmem>> -> memref<128x128xf32, #tpu.memory_space<vmem>>
      tpu.wait_dma2 semaphore(%run_scoped3A_146 : memref<!tpu.dma_semaphore, #tpu.memory_space<semaphore_mem>>) src(%dma_wait3A_170 : memref<128x128xf32, #tpu.memory_space<vmem>>) dst(%dma_wait3A_166 : memref<128x128xf32, #tpu.memory_space<vmem_shared>>)
      tpu.yield
    }) : () -> ()
    %mul3A_24 = arith.constant 640 : i32
    %mul3A_25 = arith.muli %arg1, %mul3A_24 : i32
    %add3A_26 = arith.constant 512 : i32
    %add3A_27 = arith.addi %mul3A_25, %add3A_26 : i32
    %run_scoped3A_28 = arith.constant 0 : i32
    "tpu.region"() ({
      %run_scoped3A_146 = tpu.sem_alloc : memref<!tpu.dma_semaphore, #tpu.memory_space<semaphore_mem>>
      %dma_start3A_147 = arith.constant 0 : i32
      %dma_start3A_148 = arith.constant 0 : i32
      %dma_start3A_149 = tpu.memref_slice %arg8[%run_scoped3A_28, %dma_start3A_147, %dma_start3A_148] : memref<2x128x128xf32, #tpu.memory_space<vmem>> -> memref<1x128x128xf32, #tpu.memory_space<vmem>>
      %dma_start3A_150 = tpu.memref_squeeze %dma_start3A_149 : memref<1x128x128xf32, #tpu.memory_space<vmem>> -> memref<128x128xf32, #tpu.memory_space<vmem>>
      %dma_start3A_151 = arith.constant 0 : i32
      %dma_start3A_152 = tpu.memref_slice %arg9[%add3A_27, %dma_start3A_151] : memref<10240x128xf32, #tpu.memory_space<vmem_shared>> -> memref<128x128xf32, #tpu.memory_space<vmem_shared>>
      %dma_start3A_153 = arith.constant 0 : i32
      %dma_start3A_154 = tpu.memref_slice %arg9[%add3A_27, %dma_start3A_153] : memref<10240x128xf32, #tpu.memory_space<vmem_shared>> -> memref<128x128xf32, #tpu.memory_space<vmem_shared>>
      %dma_start3A_155 = arith.constant 0 : i32
      %dma_start3A_156 = arith.constant 0 : i32
      %dma_start3A_157 = tpu.memref_slice %arg8[%run_scoped3A_28, %dma_start3A_155, %dma_start3A_156] : memref<2x128x128xf32, #tpu.memory_space<vmem>> -> memref<1x128x128xf32, #tpu.memory_space<vmem>>
      %dma_start3A_158 = tpu.memref_squeeze %dma_start3A_157 : memref<1x128x128xf32, #tpu.memory_space<vmem>> -> memref<128x128xf32, #tpu.memory_space<vmem>>
      tpu.enqueue_dma source(%dma_start3A_158 : memref<128x128xf32, #tpu.memory_space<vmem>>) target(%dma_start3A_154 : memref<128x128xf32, #tpu.memory_space<vmem_shared>>) target_semaphore(%run_scoped3A_146 : memref<!tpu.dma_semaphore, #tpu.memory_space<semaphore_mem>>)
      %dma_wait3A_159 = arith.constant 0 : i32
      %dma_wait3A_160 = arith.constant 0 : i32
      %dma_wait3A_161 = tpu.memref_slice %arg8[%run_scoped3A_28, %dma_wait3A_159, %dma_wait3A_160] : memref<2x128x128xf32, #tpu.memory_space<vmem>> -> memref<1x128x128xf32, #tpu.memory_space<vmem>>
      %dma_wait3A_162 = tpu.memref_squeeze %dma_wait3A_161 : memref<1x128x128xf32, #tpu.memory_space<vmem>> -> memref<128x128xf32, #tpu.memory_space<vmem>>
      %dma_wait3A_163 = arith.constant 0 : i32
      %dma_wait3A_164 = tpu.memref_slice %arg9[%add3A_27, %dma_wait3A_163] : memref<10240x128xf32, #tpu.memory_space<vmem_shared>> -> memref<128x128xf32, #tpu.memory_space<vmem_shared>>
      %dma_wait3A_165 = arith.constant 0 : i32
      %dma_wait3A_166 = tpu.memref_slice %arg9[%add3A_27, %dma_wait3A_165] : memref<10240x128xf32, #tpu.memory_space<vmem_shared>> -> memref<128x128xf32, #tpu.memory_space<vmem_shared>>
      %dma_wait3A_167 = arith.constant 0 : i32
      %dma_wait3A_168 = arith.constant 0 : i32
      %dma_wait3A_169 = tpu.memref_slice %arg8[%run_scoped3A_28, %dma_wait3A_167, %dma_wait3A_168] : memref<2x128x128xf32, #tpu.memory_space<vmem>> -> memref<1x128x128xf32, #tpu.memory_space<vmem>>
      %dma_wait3A_170 = tpu.memref_squeeze %dma_wait3A_169 : memref<1x128x128xf32, #tpu.memory_space<vmem>> -> memref<128x128xf32, #tpu.memory_space<vmem>>
      tpu.wait_dma2 semaphore(%run_scoped3A_146 : memref<!tpu.dma_semaphore, #tpu.memory_space<semaphore_mem>>) src(%dma_wait3A_170 : memref<128x128xf32, #tpu.memory_space<vmem>>) dst(%dma_wait3A_166 : memref<128x128xf32, #tpu.memory_space<vmem_shared>>)
      tpu.yield
    }) : () -> ()
    %barrier3A = arith.constant 0 : index
    tpu.barrier barrier_id(%barrier3A)
    "tpu.region"() ({
      %run_scoped3A_146 = tpu.sem_alloc : memref<!tpu.dma_semaphore, #tpu.memory_space<semaphore_mem>>
      %dma_start3A_147 = arith.constant 0 : i32
      %dma_start3A_148 = arith.constant 0 : i32
      %dma_start3A_149 = tpu.memref_slice %arg2[%add3A, %dma_start3A_147, %dma_start3A_148] : memref<32x80x128xi32, #tpu.memory_space<hbm>> -> memref<1x40x128xi32, #tpu.memory_space<hbm>>
      %dma_start3A_150 = tpu.memref_squeeze %dma_start3A_149 : memref<1x40x128xi32, #tpu.memory_space<hbm>> -> memref<40x128xi32, #tpu.memory_space<hbm>>
      %dma_start3A_151 = arith.constant 0 : i32
      %dma_start3A_152 = arith.constant 0 : i32
      %dma_start3A_153 = tpu.memref_slice %arg2[%add3A, %dma_start3A_151, %dma_start3A_152] : memref<32x80x128xi32, #tpu.memory_space<hbm>> -> memref<1x40x128xi32, #tpu.memory_space<hbm>>
      %dma_start3A_154 = tpu.memref_squeeze %dma_start3A_153 : memref<1x40x128xi32, #tpu.memory_space<hbm>> -> memref<40x128xi32, #tpu.memory_space<hbm>>
      tpu.enqueue_dma source(%dma_start3A_154 : memref<40x128xi32, #tpu.memory_space<hbm>>) target(%arg6 : memref<40x128xi32, #tpu.memory_space<vmem>>) target_semaphore(%run_scoped3A_146 : memref<!tpu.dma_semaphore, #tpu.memory_space<semaphore_mem>>)
      %dma_wait3A_155 = arith.constant 0 : i32
      %dma_wait3A_156 = arith.constant 0 : i32
      %dma_wait3A_157 = tpu.memref_slice %arg2[%add3A, %dma_wait3A_155, %dma_wait3A_156] : memref<32x80x128xi32, #tpu.memory_space<hbm>> -> memref<1x40x128xi32, #tpu.memory_space<hbm>>
      %dma_wait3A_158 = tpu.memref_squeeze %dma_wait3A_157 : memref<1x40x128xi32, #tpu.memory_space<hbm>> -> memref<40x128xi32, #tpu.memory_space<hbm>>
      %dma_wait3A_159 = arith.constant 0 : i32
      %dma_wait3A_160 = arith.constant 0 : i32
      %dma_wait3A_161 = tpu.memref_slice %arg2[%add3A, %dma_wait3A_159, %dma_wait3A_160] : memref<32x80x128xi32, #tpu.memory_space<hbm>> -> memref<1x40x128xi32, #tpu.memory_space<hbm>>
      %dma_wait3A_162 = tpu.memref_squeeze %dma_wait3A_161 : memref<1x40x128xi32, #tpu.memory_space<hbm>> -> memref<40x128xi32, #tpu.memory_space<hbm>>
      tpu.wait_dma2 semaphore(%run_scoped3A_146 : memref<!tpu.dma_semaphore, #tpu.memory_space<semaphore_mem>>) src(%dma_wait3A_162 : memref<40x128xi32, #tpu.memory_space<hbm>>) dst(%arg6 : memref<40x128xi32, #tpu.memory_space<vmem>>)
      tpu.yield
    }) : () -> ()
    "tpu.region"() ({
      %run_scoped3A_146 = tpu.sem_alloc : memref<!tpu.dma_semaphore, #tpu.memory_space<semaphore_mem>>
      %dma_start3A_147 = arith.constant 0 : i32
      %dma_start3A_148 = arith.constant 0 : i32
      %dma_start3A_149 = tpu.memref_slice %arg3[%add3A, %dma_start3A_147, %dma_start3A_148] : memref<32x80x128xi32, #tpu.memory_space<hbm>> -> memref<1x40x128xi32, #tpu.memory_space<hbm>>
      %dma_start3A_150 = tpu.memref_squeeze %dma_start3A_149 : memref<1x40x128xi32, #tpu.memory_space<hbm>> -> memref<40x128xi32, #tpu.memory_space<hbm>>
      %dma_start3A_151 = arith.constant 0 : i32
      %dma_start3A_152 = arith.constant 0 : i32
      %dma_start3A_153 = tpu.memref_slice %arg3[%add3A, %dma_start3A_151, %dma_start3A_152] : memref<32x80x128xi32, #tpu.memory_space<hbm>> -> memref<1x40x128xi32, #tpu.memory_space<hbm>>
      %dma_start3A_154 = tpu.memref_squeeze %dma_start3A_153 : memref<1x40x128xi32, #tpu.memory_space<hbm>> -> memref<40x128xi32, #tpu.memory_space<hbm>>
      tpu.enqueue_dma source(%dma_start3A_154 : memref<40x128xi32, #tpu.memory_space<hbm>>) target(%arg7 : memref<40x128xi32, #tpu.memory_space<vmem>>) target_semaphore(%run_scoped3A_146 : memref<!tpu.dma_semaphore, #tpu.memory_space<semaphore_mem>>)
      %dma_wait3A_155 = arith.constant 0 : i32
      %dma_wait3A_156 = arith.constant 0 : i32
      %dma_wait3A_157 = tpu.memref_slice %arg3[%add3A, %dma_wait3A_155, %dma_wait3A_156] : memref<32x80x128xi32, #tpu.memory_space<hbm>> -> memref<1x40x128xi32, #tpu.memory_space<hbm>>
      %dma_wait3A_158 = tpu.memref_squeeze %dma_wait3A_157 : memref<1x40x128xi32, #tpu.memory_space<hbm>> -> memref<40x128xi32, #tpu.memory_space<hbm>>
      %dma_wait3A_159 = arith.constant 0 : i32
      %dma_wait3A_160 = arith.constant 0 : i32
      %dma_wait3A_161 = tpu.memref_slice %arg3[%add3A, %dma_wait3A_159, %dma_wait3A_160] : memref<32x80x128xi32, #tpu.memory_space<hbm>> -> memref<1x40x128xi32, #tpu.memory_space<hbm>>
      %dma_wait3A_162 = tpu.memref_squeeze %dma_wait3A_161 : memref<1x40x128xi32, #tpu.memory_space<hbm>> -> memref<40x128xi32, #tpu.memory_space<hbm>>
      tpu.wait_dma2 semaphore(%run_scoped3A_146 : memref<!tpu.dma_semaphore, #tpu.memory_space<semaphore_mem>>) src(%dma_wait3A_162 : memref<40x128xi32, #tpu.memory_space<hbm>>) dst(%arg7 : memref<40x128xi32, #tpu.memory_space<vmem>>)
      tpu.yield
    }) : () -> ()
    %dma_start3A = arith.constant 0 : i32
    %dma_start3A_29 = arith.constant 0 : i32
    %dma_start3A_30 = arith.constant 0 : i32
    %dma_start3A_31 = arith.constant 0 : i32
    %dma_start3A_32 = tpu.memref_slice %arg8[%dma_start3A_29, %dma_start3A_30, %dma_start3A_31] : memref<2x128x128xf32, #tpu.memory_space<vmem>> -> memref<1x128x128xf32, #tpu.memory_space<vmem>>
    %dma_start3A_33 = tpu.memref_squeeze %dma_start3A_32 : memref<1x128x128xf32, #tpu.memory_space<vmem>> -> memref<128x128xf32, #tpu.memory_space<vmem>>
    %dma_start3A_34 = arith.constant 0 : i32
    %dma_start3A_35 = tpu.memref_slice %arg6[%dma_start3A, %dma_start3A_34] : memref<40x128xi32, #tpu.memory_space<vmem>> -> memref<1x128xi32, #tpu.memory_space<vmem>>
    %dma_start3A_36 = tpu.memref_squeeze %dma_start3A_35 : memref<1x128xi32, #tpu.memory_space<vmem>> -> memref<128xi32, #tpu.memory_space<vmem>>
    %dma_start3A_37 = arith.constant 0 : i32
    %dma_start3A_38 = arith.constant 0 : i32
    %dma_start3A_39 = tpu.memref_slice %arg4[%dma_start3A_37, %dma_start3A_38] : memref<10240x128xf32, #tpu.memory_space<hbm>> -> memref<10240x128xf32, #tpu.memory_space<hbm>>
    tpu.enqueue_indirect_dma source(%dma_start3A_39 : memref<10240x128xf32, #tpu.memory_space<hbm>>) target(%dma_start3A_33 : memref<128x128xf32, #tpu.memory_space<vmem>>) offsets(%dma_start3A_36 : memref<128xi32, #tpu.memory_space<vmem>>) semaphore(%arg10 : memref<!tpu.dma_semaphore, #tpu.memory_space<semaphore_mem>>)
    %dma_start3A_40 = arith.constant 1 : i32
    %dma_start3A_41 = arith.constant 1 : i32
    %dma_start3A_42 = arith.constant 0 : i32
    %dma_start3A_43 = arith.constant 0 : i32
    %dma_start3A_44 = tpu.memref_slice %arg8[%dma_start3A_41, %dma_start3A_42, %dma_start3A_43] : memref<2x128x128xf32, #tpu.memory_space<vmem>> -> memref<1x128x128xf32, #tpu.memory_space<vmem>>
    %dma_start3A_45 = tpu.memref_squeeze %dma_start3A_44 : memref<1x128x128xf32, #tpu.memory_space<vmem>> -> memref<128x128xf32, #tpu.memory_space<vmem>>
    %dma_start3A_46 = arith.constant 0 : i32
    %dma_start3A_47 = tpu.memref_slice %arg6[%dma_start3A_40, %dma_start3A_46] : memref<40x128xi32, #tpu.memory_space<vmem>> -> memref<1x128xi32, #tpu.memory_space<vmem>>
    %dma_start3A_48 = tpu.memref_squeeze %dma_start3A_47 : memref<1x128xi32, #tpu.memory_space<vmem>> -> memref<128xi32, #tpu.memory_space<vmem>>
    %dma_start3A_49 = arith.constant 0 : i32
    %dma_start3A_50 = arith.constant 0 : i32
    %dma_start3A_51 = tpu.memref_slice %arg4[%dma_start3A_49, %dma_start3A_50] : memref<10240x128xf32, #tpu.memory_space<hbm>> -> memref<10240x128xf32, #tpu.memory_space<hbm>>
    tpu.enqueue_indirect_dma source(%dma_start3A_51 : memref<10240x128xf32, #tpu.memory_space<hbm>>) target(%dma_start3A_45 : memref<128x128xf32, #tpu.memory_space<vmem>>) offsets(%dma_start3A_48 : memref<128xi32, #tpu.memory_space<vmem>>) semaphore(%arg11 : memref<!tpu.dma_semaphore, #tpu.memory_space<semaphore_mem>>)
    %scan3A_52 = arith.constant 0 : i32
    %scan3A_53 = arith.constant 19 : i32
    %scan3A_54 = arith.addi %scan3A_52, %scan3A_53 : i32
    %scan3A_55 = arith.constant 1 : i32
    scf.for %scan3A_146 = %scan3A_52 to %scan3A_54 step %scan3A_55  : i32 {
      %mul3A_147 = arith.constant 2 : i32
      %mul3A_148 = arith.muli %scan3A_146, %mul3A_147 : i32
      %add3A_149 = arith.constant 0 : i32
      %add3A_150 = arith.addi %mul3A_148, %add3A_149 : i32
      %dma_wait3A_151 = arith.constant 0 : i32
      %dma_wait3A_152 = arith.constant 0 : i32
      %dma_wait3A_153 = arith.constant 0 : i32
      %dma_wait3A_154 = tpu.memref_slice %arg8[%dma_wait3A_151, %dma_wait3A_152, %dma_wait3A_153] : memref<2x128x128xf32, #tpu.memory_space<vmem>> -> memref<1x128x128xf32, #tpu.memory_space<vmem>>
      %dma_wait3A_155 = tpu.memref_squeeze %dma_wait3A_154 : memref<1x128x128xf32, #tpu.memory_space<vmem>> -> memref<128x128xf32, #tpu.memory_space<vmem>>
      %dma_wait3A_156 = arith.constant 0 : i32
      %dma_wait3A_157 = tpu.memref_slice %arg6[%add3A_150, %dma_wait3A_156] : memref<40x128xi32, #tpu.memory_space<vmem>> -> memref<1x128xi32, #tpu.memory_space<vmem>>
      %dma_wait3A_158 = tpu.memref_squeeze %dma_wait3A_157 : memref<1x128xi32, #tpu.memory_space<vmem>> -> memref<128xi32, #tpu.memory_space<vmem>>
      %dma_wait3A_159 = arith.constant 0 : i32
      %dma_wait3A_160 = arith.constant 0 : i32
      %dma_wait3A_161 = tpu.memref_slice %arg4[%dma_wait3A_159, %dma_wait3A_160] : memref<10240x128xf32, #tpu.memory_space<hbm>> -> memref<10240x128xf32, #tpu.memory_space<hbm>>
      tpu.wait_indirect_dma semaphore(%arg10 : memref<!tpu.dma_semaphore, #tpu.memory_space<semaphore_mem>>) src(%dma_wait3A_161 : memref<10240x128xf32, #tpu.memory_space<hbm>>) dst(%dma_wait3A_155 : memref<128x128xf32, #tpu.memory_space<vmem>>)
      %add3A_162 = arith.constant 0 : i32
      %add3A_163 = arith.addi %mul3A_148, %add3A_162 : i32
      %run_scoped3A_164 = arith.constant 0 : i32
      "tpu.region"() ({
        %run_scoped3A_211 = tpu.sem_alloc : memref<!tpu.dma_semaphore, #tpu.memory_space<semaphore_mem>>
        %dma_start3A_212 = arith.constant 0 : i32
        %dma_start3A_213 = arith.constant 0 : i32
        %dma_start3A_214 = tpu.memref_slice %arg8[%run_scoped3A_164, %dma_start3A_212, %dma_start3A_213] : memref<2x128x128xf32, #tpu.memory_space<vmem>> -> memref<1x128x128xf32, #tpu.memory_space<vmem>>
        %dma_start3A_215 = tpu.memref_squeeze %dma_start3A_214 : memref<1x128x128xf32, #tpu.memory_space<vmem>> -> memref<128x128xf32, #tpu.memory_space<vmem>>
        %dma_start3A_216 = arith.constant 0 : i32
        %dma_start3A_217 = tpu.memref_slice %arg7[%add3A_163, %dma_start3A_216] : memref<40x128xi32, #tpu.memory_space<vmem>> -> memref<1x128xi32, #tpu.memory_space<vmem>>
        %dma_start3A_218 = tpu.memref_squeeze %dma_start3A_217 : memref<1x128xi32, #tpu.memory_space<vmem>> -> memref<128xi32, #tpu.memory_space<vmem>>
        %dma_start3A_219 = arith.constant 0 : i32
        %dma_start3A_220 = arith.constant 0 : i32
        %dma_start3A_221 = tpu.memref_slice %arg9[%dma_start3A_219, %dma_start3A_220] : memref<10240x128xf32, #tpu.memory_space<vmem_shared>> -> memref<10240x128xf32, #tpu.memory_space<vmem_shared>>
        tpu.enqueue_indirect_dma source(%dma_start3A_215 : memref<128x128xf32, #tpu.memory_space<vmem>>) target(%dma_start3A_221 : memref<10240x128xf32, #tpu.memory_space<vmem_shared>>) offsets(%dma_start3A_218 : memref<128xi32, #tpu.memory_space<vmem>>) semaphore(%run_scoped3A_211 : memref<!tpu.dma_semaphore, #tpu.memory_space<semaphore_mem>>) {add = true}
        %dma_wait3A_222 = arith.constant 0 : i32
        %dma_wait3A_223 = arith.constant 0 : i32
        %dma_wait3A_224 = tpu.memref_slice %arg8[%run_scoped3A_164, %dma_wait3A_222, %dma_wait3A_223] : memref<2x128x128xf32, #tpu.memory_space<vmem>> -> memref<1x128x128xf32, #tpu.memory_space<vmem>>
        %dma_wait3A_225 = tpu.memref_squeeze %dma_wait3A_224 : memref<1x128x128xf32, #tpu.memory_space<vmem>> -> memref<128x128xf32, #tpu.memory_space<vmem>>
        %dma_wait3A_226 = arith.constant 0 : i32
        %dma_wait3A_227 = tpu.memref_slice %arg7[%add3A_163, %dma_wait3A_226] : memref<40x128xi32, #tpu.memory_space<vmem>> -> memref<1x128xi32, #tpu.memory_space<vmem>>
        %dma_wait3A_228 = tpu.memref_squeeze %dma_wait3A_227 : memref<1x128xi32, #tpu.memory_space<vmem>> -> memref<128xi32, #tpu.memory_space<vmem>>
        %dma_wait3A_229 = arith.constant 0 : i32
        %dma_wait3A_230 = arith.constant 0 : i32
        %dma_wait3A_231 = tpu.memref_slice %arg9[%dma_wait3A_229, %dma_wait3A_230] : memref<10240x128xf32, #tpu.memory_space<vmem_shared>> -> memref<10240x128xf32, #tpu.memory_space<vmem_shared>>
        tpu.wait_indirect_dma semaphore(%run_scoped3A_211 : memref<!tpu.dma_semaphore, #tpu.memory_space<semaphore_mem>>) src(%dma_wait3A_225 : memref<128x128xf32, #tpu.memory_space<vmem>>) dst(%dma_wait3A_231 : memref<10240x128xf32, #tpu.memory_space<vmem_shared>>)
        tpu.yield
      }) : () -> ()
      %add3A_165 = arith.constant 2 : i32
      %add3A_166 = arith.addi %mul3A_148, %add3A_165 : i32
      %add3A_167 = arith.constant 0 : i32
      %add3A_168 = arith.addi %add3A_166, %add3A_167 : i32
      %dma_start3A_169 = arith.constant 0 : i32
      %dma_start3A_170 = arith.constant 0 : i32
      %dma_start3A_171 = arith.constant 0 : i32
      %dma_start3A_172 = tpu.memref_slice %arg8[%dma_start3A_169, %dma_start3A_170, %dma_start3A_171] : memref<2x128x128xf32, #tpu.memory_space<vmem>> -> memref<1x128x128xf32, #tpu.memory_space<vmem>>
      %dma_start3A_173 = tpu.memref_squeeze %dma_start3A_172 : memref<1x128x128xf32, #tpu.memory_space<vmem>> -> memref<128x128xf32, #tpu.memory_space<vmem>>
      %dma_start3A_174 = arith.constant 0 : i32
      %dma_start3A_175 = tpu.memref_slice %arg6[%add3A_168, %dma_start3A_174] : memref<40x128xi32, #tpu.memory_space<vmem>> -> memref<1x128xi32, #tpu.memory_space<vmem>>
      %dma_start3A_176 = tpu.memref_squeeze %dma_start3A_175 : memref<1x128xi32, #tpu.memory_space<vmem>> -> memref<128xi32, #tpu.memory_space<vmem>>
      %dma_start3A_177 = arith.constant 0 : i32
      %dma_start3A_178 = arith.constant 0 : i32
      %dma_start3A_179 = tpu.memref_slice %arg4[%dma_start3A_177, %dma_start3A_178] : memref<10240x128xf32, #tpu.memory_space<hbm>> -> memref<10240x128xf32, #tpu.memory_space<hbm>>
      tpu.enqueue_indirect_dma source(%dma_start3A_179 : memref<10240x128xf32, #tpu.memory_space<hbm>>) target(%dma_start3A_173 : memref<128x128xf32, #tpu.memory_space<vmem>>) offsets(%dma_start3A_176 : memref<128xi32, #tpu.memory_space<vmem>>) semaphore(%arg10 : memref<!tpu.dma_semaphore, #tpu.memory_space<semaphore_mem>>)
      %add3A_180 = arith.constant 1 : i32
      %add3A_181 = arith.addi %mul3A_148, %add3A_180 : i32
      %dma_wait3A_182 = arith.constant 1 : i32
      %dma_wait3A_183 = arith.constant 0 : i32
      %dma_wait3A_184 = arith.constant 0 : i32
      %dma_wait3A_185 = tpu.memref_slice %arg8[%dma_wait3A_182, %dma_wait3A_183, %dma_wait3A_184] : memref<2x128x128xf32, #tpu.memory_space<vmem>> -> memref<1x128x128xf32, #tpu.memory_space<vmem>>
      %dma_wait3A_186 = tpu.memref_squeeze %dma_wait3A_185 : memref<1x128x128xf32, #tpu.memory_space<vmem>> -> memref<128x128xf32, #tpu.memory_space<vmem>>
      %dma_wait3A_187 = arith.constant 0 : i32
      %dma_wait3A_188 = tpu.memref_slice %arg6[%add3A_181, %dma_wait3A_187] : memref<40x128xi32, #tpu.memory_space<vmem>> -> memref<1x128xi32, #tpu.memory_space<vmem>>
      %dma_wait3A_189 = tpu.memref_squeeze %dma_wait3A_188 : memref<1x128xi32, #tpu.memory_space<vmem>> -> memref<128xi32, #tpu.memory_space<vmem>>
      %dma_wait3A_190 = arith.constant 0 : i32
      %dma_wait3A_191 = arith.constant 0 : i32
      %dma_wait3A_192 = tpu.memref_slice %arg4[%dma_wait3A_190, %dma_wait3A_191] : memref<10240x128xf32, #tpu.memory_space<hbm>> -> memref<10240x128xf32, #tpu.memory_space<hbm>>
      tpu.wait_indirect_dma semaphore(%arg11 : memref<!tpu.dma_semaphore, #tpu.memory_space<semaphore_mem>>) src(%dma_wait3A_192 : memref<10240x128xf32, #tpu.memory_space<hbm>>) dst(%dma_wait3A_186 : memref<128x128xf32, #tpu.memory_space<vmem>>)
      %add3A_193 = arith.constant 1 : i32
      %add3A_194 = arith.addi %mul3A_148, %add3A_193 : i32
      %run_scoped3A_195 = arith.constant 1 : i32
      "tpu.region"() ({
        %run_scoped3A_211 = tpu.sem_alloc : memref<!tpu.dma_semaphore, #tpu.memory_space<semaphore_mem>>
        %dma_start3A_212 = arith.constant 0 : i32
        %dma_start3A_213 = arith.constant 0 : i32
        %dma_start3A_214 = tpu.memref_slice %arg8[%run_scoped3A_195, %dma_start3A_212, %dma_start3A_213] : memref<2x128x128xf32, #tpu.memory_space<vmem>> -> memref<1x128x128xf32, #tpu.memory_space<vmem>>
        %dma_start3A_215 = tpu.memref_squeeze %dma_start3A_214 : memref<1x128x128xf32, #tpu.memory_space<vmem>> -> memref<128x128xf32, #tpu.memory_space<vmem>>
        %dma_start3A_216 = arith.constant 0 : i32
        %dma_start3A_217 = tpu.memref_slice %arg7[%add3A_194, %dma_start3A_216] : memref<40x128xi32, #tpu.memory_space<vmem>> -> memref<1x128xi32, #tpu.memory_space<vmem>>
        %dma_start3A_218 = tpu.memref_squeeze %dma_start3A_217 : memref<1x128xi32, #tpu.memory_space<vmem>> -> memref<128xi32, #tpu.memory_space<vmem>>
        %dma_start3A_219 = arith.constant 0 : i32
        %dma_start3A_220 = arith.constant 0 : i32
        %dma_start3A_221 = tpu.memref_slice %arg9[%dma_start3A_219, %dma_start3A_220] : memref<10240x128xf32, #tpu.memory_space<vmem_shared>> -> memref<10240x128xf32, #tpu.memory_space<vmem_shared>>
        tpu.enqueue_indirect_dma source(%dma_start3A_215 : memref<128x128xf32, #tpu.memory_space<vmem>>) target(%dma_start3A_221 : memref<10240x128xf32, #tpu.memory_space<vmem_shared>>) offsets(%dma_start3A_218 : memref<128xi32, #tpu.memory_space<vmem>>) semaphore(%run_scoped3A_211 : memref<!tpu.dma_semaphore, #tpu.memory_space<semaphore_mem>>) {add = true}
        %dma_wait3A_222 = arith.constant 0 : i32
        %dma_wait3A_223 = arith.constant 0 : i32
        %dma_wait3A_224 = tpu.memref_slice %arg8[%run_scoped3A_195, %dma_wait3A_222, %dma_wait3A_223] : memref<2x128x128xf32, #tpu.memory_space<vmem>> -> memref<1x128x128xf32, #tpu.memory_space<vmem>>
        %dma_wait3A_225 = tpu.memref_squeeze %dma_wait3A_224 : memref<1x128x128xf32, #tpu.memory_space<vmem>> -> memref<128x128xf32, #tpu.memory_space<vmem>>
        %dma_wait3A_226 = arith.constant 0 : i32
        %dma_wait3A_227 = tpu.memref_slice %arg7[%add3A_194, %dma_wait3A_226] : memref<40x128xi32, #tpu.memory_space<vmem>> -> memref<1x128xi32, #tpu.memory_space<vmem>>
        %dma_wait3A_228 = tpu.memref_squeeze %dma_wait3A_227 : memref<1x128xi32, #tpu.memory_space<vmem>> -> memref<128xi32, #tpu.memory_space<vmem>>
        %dma_wait3A_229 = arith.constant 0 : i32
        %dma_wait3A_230 = arith.constant 0 : i32
        %dma_wait3A_231 = tpu.memref_slice %arg9[%dma_wait3A_229, %dma_wait3A_230] : memref<10240x128xf32, #tpu.memory_space<vmem_shared>> -> memref<10240x128xf32, #tpu.memory_space<vmem_shared>>
        tpu.wait_indirect_dma semaphore(%run_scoped3A_211 : memref<!tpu.dma_semaphore, #tpu.memory_space<semaphore_mem>>) src(%dma_wait3A_225 : memref<128x128xf32, #tpu.memory_space<vmem>>) dst(%dma_wait3A_231 : memref<10240x128xf32, #tpu.memory_space<vmem_shared>>)
        tpu.yield
      }) : () -> ()
      %add3A_196 = arith.constant 2 : i32
      %add3A_197 = arith.addi %mul3A_148, %add3A_196 : i32
      %add3A_198 = arith.constant 1 : i32
      %add3A_199 = arith.addi %add3A_197, %add3A_198 : i32
      %dma_start3A_200 = arith.constant 1 : i32
      %dma_start3A_201 = arith.constant 0 : i32
      %dma_start3A_202 = arith.constant 0 : i32
      %dma_start3A_203 = tpu.memref_slice %arg8[%dma_start3A_200, %dma_start3A_201, %dma_start3A_202] : memref<2x128x128xf32, #tpu.memory_space<vmem>> -> memref<1x128x128xf32, #tpu.memory_space<vmem>>
      %dma_start3A_204 = tpu.memref_squeeze %dma_start3A_203 : memref<1x128x128xf32, #tpu.memory_space<vmem>> -> memref<128x128xf32, #tpu.memory_space<vmem>>
      %dma_start3A_205 = arith.constant 0 : i32
      %dma_start3A_206 = tpu.memref_slice %arg6[%add3A_199, %dma_start3A_205] : memref<40x128xi32, #tpu.memory_space<vmem>> -> memref<1x128xi32, #tpu.memory_space<vmem>>
      %dma_start3A_207 = tpu.memref_squeeze %dma_start3A_206 : memref<1x128xi32, #tpu.memory_space<vmem>> -> memref<128xi32, #tpu.memory_space<vmem>>
      %dma_start3A_208 = arith.constant 0 : i32
      %dma_start3A_209 = arith.constant 0 : i32
      %dma_start3A_210 = tpu.memref_slice %arg4[%dma_start3A_208, %dma_start3A_209] : memref<10240x128xf32, #tpu.memory_space<hbm>> -> memref<10240x128xf32, #tpu.memory_space<hbm>>
      tpu.enqueue_indirect_dma source(%dma_start3A_210 : memref<10240x128xf32, #tpu.memory_space<hbm>>) target(%dma_start3A_204 : memref<128x128xf32, #tpu.memory_space<vmem>>) offsets(%dma_start3A_207 : memref<128xi32, #tpu.memory_space<vmem>>) semaphore(%arg11 : memref<!tpu.dma_semaphore, #tpu.memory_space<semaphore_mem>>)
    }
    %scan3A_56 = arith.constant 19 : i32
    %dma_wait3A = arith.constant 38 : i32
    %dma_wait3A_57 = arith.constant 0 : i32
    %dma_wait3A_58 = arith.constant 0 : i32
    %dma_wait3A_59 = arith.constant 0 : i32
    %dma_wait3A_60 = tpu.memref_slice %arg8[%dma_wait3A_57, %dma_wait3A_58, %dma_wait3A_59] : memref<2x128x128xf32, #tpu.memory_space<vmem>> -> memref<1x128x128xf32, #tpu.memory_space<vmem>>
    %dma_wait3A_61 = tpu.memref_squeeze %dma_wait3A_60 : memref<1x128x128xf32, #tpu.memory_space<vmem>> -> memref<128x128xf32, #tpu.memory_space<vmem>>
    %dma_wait3A_62 = arith.constant 0 : i32
    %dma_wait3A_63 = tpu.memref_slice %arg6[%dma_wait3A, %dma_wait3A_62] : memref<40x128xi32, #tpu.memory_space<vmem>> -> memref<1x128xi32, #tpu.memory_space<vmem>>
    %dma_wait3A_64 = tpu.memref_squeeze %dma_wait3A_63 : memref<1x128xi32, #tpu.memory_space<vmem>> -> memref<128xi32, #tpu.memory_space<vmem>>
    %dma_wait3A_65 = arith.constant 0 : i32
    %dma_wait3A_66 = arith.constant 0 : i32
    %dma_wait3A_67 = tpu.memref_slice %arg4[%dma_wait3A_65, %dma_wait3A_66] : memref<10240x128xf32, #tpu.memory_space<hbm>> -> memref<10240x128xf32, #tpu.memory_space<hbm>>
    tpu.wait_indirect_dma semaphore(%arg10 : memref<!tpu.dma_semaphore, #tpu.memory_space<semaphore_mem>>) src(%dma_wait3A_67 : memref<10240x128xf32, #tpu.memory_space<hbm>>) dst(%dma_wait3A_61 : memref<128x128xf32, #tpu.memory_space<vmem>>)
    %run_scoped3A_68 = arith.constant 0 : i32
    %run_scoped3A_69 = arith.constant 38 : i32
    "tpu.region"() ({
      %run_scoped3A_146 = tpu.sem_alloc : memref<!tpu.dma_semaphore, #tpu.memory_space<semaphore_mem>>
      %dma_start3A_147 = arith.constant 0 : i32
      %dma_start3A_148 = arith.constant 0 : i32
      %dma_start3A_149 = tpu.memref_slice %arg8[%run_scoped3A_68, %dma_start3A_147, %dma_start3A_148] : memref<2x128x128xf32, #tpu.memory_space<vmem>> -> memref<1x128x128xf32, #tpu.memory_space<vmem>>
      %dma_start3A_150 = tpu.memref_squeeze %dma_start3A_149 : memref<1x128x128xf32, #tpu.memory_space<vmem>> -> memref<128x128xf32, #tpu.memory_space<vmem>>
      %dma_start3A_151 = arith.constant 0 : i32
      %dma_start3A_152 = tpu.memref_slice %arg7[%run_scoped3A_69, %dma_start3A_151] : memref<40x128xi32, #tpu.memory_space<vmem>> -> memref<1x128xi32, #tpu.memory_space<vmem>>
      %dma_start3A_153 = tpu.memref_squeeze %dma_start3A_152 : memref<1x128xi32, #tpu.memory_space<vmem>> -> memref<128xi32, #tpu.memory_space<vmem>>
      %dma_start3A_154 = arith.constant 0 : i32
      %dma_start3A_155 = arith.constant 0 : i32
      %dma_start3A_156 = tpu.memref_slice %arg9[%dma_start3A_154, %dma_start3A_155] : memref<10240x128xf32, #tpu.memory_space<vmem_shared>> -> memref<10240x128xf32, #tpu.memory_space<vmem_shared>>
      tpu.enqueue_indirect_dma source(%dma_start3A_150 : memref<128x128xf32, #tpu.memory_space<vmem>>) target(%dma_start3A_156 : memref<10240x128xf32, #tpu.memory_space<vmem_shared>>) offsets(%dma_start3A_153 : memref<128xi32, #tpu.memory_space<vmem>>) semaphore(%run_scoped3A_146 : memref<!tpu.dma_semaphore, #tpu.memory_space<semaphore_mem>>) {add = true}
      %dma_wait3A_157 = arith.constant 0 : i32
      %dma_wait3A_158 = arith.constant 0 : i32
      %dma_wait3A_159 = tpu.memref_slice %arg8[%run_scoped3A_68, %dma_wait3A_157, %dma_wait3A_158] : memref<2x128x128xf32, #tpu.memory_space<vmem>> -> memref<1x128x128xf32, #tpu.memory_space<vmem>>
      %dma_wait3A_160 = tpu.memref_squeeze %dma_wait3A_159 : memref<1x128x128xf32, #tpu.memory_space<vmem>> -> memref<128x128xf32, #tpu.memory_space<vmem>>
      %dma_wait3A_161 = arith.constant 0 : i32
      %dma_wait3A_162 = tpu.memref_slice %arg7[%run_scoped3A_69, %dma_wait3A_161] : memref<40x128xi32, #tpu.memory_space<vmem>> -> memref<1x128xi32, #tpu.memory_space<vmem>>
      %dma_wait3A_163 = tpu.memref_squeeze %dma_wait3A_162 : memref<1x128xi32, #tpu.memory_space<vmem>> -> memref<128xi32, #tpu.memory_space<vmem>>
      %dma_wait3A_164 = arith.constant 0 : i32
      %dma_wait3A_165 = arith.constant 0 : i32
      %dma_wait3A_166 = tpu.memref_slice %arg9[%dma_wait3A_164, %dma_wait3A_165] : memref<10240x128xf32, #tpu.memory_space<vmem_shared>> -> memref<10240x128xf32, #tpu.memory_space<vmem_shared>>
      tpu.wait_indirect_dma semaphore(%run_scoped3A_146 : memref<!tpu.dma_semaphore, #tpu.memory_space<semaphore_mem>>) src(%dma_wait3A_160 : memref<128x128xf32, #tpu.memory_space<vmem>>) dst(%dma_wait3A_166 : memref<10240x128xf32, #tpu.memory_space<vmem_shared>>)
      tpu.yield
    }) : () -> ()
    %dma_wait3A_70 = arith.constant 39 : i32
    %dma_wait3A_71 = arith.constant 1 : i32
    %dma_wait3A_72 = arith.constant 0 : i32
    %dma_wait3A_73 = arith.constant 0 : i32
    %dma_wait3A_74 = tpu.memref_slice %arg8[%dma_wait3A_71, %dma_wait3A_72, %dma_wait3A_73] : memref<2x128x128xf32, #tpu.memory_space<vmem>> -> memref<1x128x128xf32, #tpu.memory_space<vmem>>
    %dma_wait3A_75 = tpu.memref_squeeze %dma_wait3A_74 : memref<1x128x128xf32, #tpu.memory_space<vmem>> -> memref<128x128xf32, #tpu.memory_space<vmem>>
    %dma_wait3A_76 = arith.constant 0 : i32
    %dma_wait3A_77 = tpu.memref_slice %arg6[%dma_wait3A_70, %dma_wait3A_76] : memref<40x128xi32, #tpu.memory_space<vmem>> -> memref<1x128xi32, #tpu.memory_space<vmem>>
    %dma_wait3A_78 = tpu.memref_squeeze %dma_wait3A_77 : memref<1x128xi32, #tpu.memory_space<vmem>> -> memref<128xi32, #tpu.memory_space<vmem>>
    %dma_wait3A_79 = arith.constant 0 : i32
    %dma_wait3A_80 = arith.constant 0 : i32
    %dma_wait3A_81 = tpu.memref_slice %arg4[%dma_wait3A_79, %dma_wait3A_80] : memref<10240x128xf32, #tpu.memory_space<hbm>> -> memref<10240x128xf32, #tpu.memory_space<hbm>>
    tpu.wait_indirect_dma semaphore(%arg11 : memref<!tpu.dma_semaphore, #tpu.memory_space<semaphore_mem>>) src(%dma_wait3A_81 : memref<10240x128xf32, #tpu.memory_space<hbm>>) dst(%dma_wait3A_75 : memref<128x128xf32, #tpu.memory_space<vmem>>)
    %run_scoped3A_82 = arith.constant 1 : i32
    %run_scoped3A_83 = arith.constant 39 : i32
    "tpu.region"() ({
      %run_scoped3A_146 = tpu.sem_alloc : memref<!tpu.dma_semaphore, #tpu.memory_space<semaphore_mem>>
      %dma_start3A_147 = arith.constant 0 : i32
      %dma_start3A_148 = arith.constant 0 : i32
      %dma_start3A_149 = tpu.memref_slice %arg8[%run_scoped3A_82, %dma_start3A_147, %dma_start3A_148] : memref<2x128x128xf32, #tpu.memory_space<vmem>> -> memref<1x128x128xf32, #tpu.memory_space<vmem>>
      %dma_start3A_150 = tpu.memref_squeeze %dma_start3A_149 : memref<1x128x128xf32, #tpu.memory_space<vmem>> -> memref<128x128xf32, #tpu.memory_space<vmem>>
      %dma_start3A_151 = arith.constant 0 : i32
      %dma_start3A_152 = tpu.memref_slice %arg7[%run_scoped3A_83, %dma_start3A_151] : memref<40x128xi32, #tpu.memory_space<vmem>> -> memref<1x128xi32, #tpu.memory_space<vmem>>
      %dma_start3A_153 = tpu.memref_squeeze %dma_start3A_152 : memref<1x128xi32, #tpu.memory_space<vmem>> -> memref<128xi32, #tpu.memory_space<vmem>>
      %dma_start3A_154 = arith.constant 0 : i32
      %dma_start3A_155 = arith.constant 0 : i32
      %dma_start3A_156 = tpu.memref_slice %arg9[%dma_start3A_154, %dma_start3A_155] : memref<10240x128xf32, #tpu.memory_space<vmem_shared>> -> memref<10240x128xf32, #tpu.memory_space<vmem_shared>>
      tpu.enqueue_indirect_dma source(%dma_start3A_150 : memref<128x128xf32, #tpu.memory_space<vmem>>) target(%dma_start3A_156 : memref<10240x128xf32, #tpu.memory_space<vmem_shared>>) offsets(%dma_start3A_153 : memref<128xi32, #tpu.memory_space<vmem>>) semaphore(%run_scoped3A_146 : memref<!tpu.dma_semaphore, #tpu.memory_space<semaphore_mem>>) {add = true}
      %dma_wait3A_157 = arith.constant 0 : i32
      %dma_wait3A_158 = arith.constant 0 : i32
      %dma_wait3A_159 = tpu.memref_slice %arg8[%run_scoped3A_82, %dma_wait3A_157, %dma_wait3A_158] : memref<2x128x128xf32, #tpu.memory_space<vmem>> -> memref<1x128x128xf32, #tpu.memory_space<vmem>>
      %dma_wait3A_160 = tpu.memref_squeeze %dma_wait3A_159 : memref<1x128x128xf32, #tpu.memory_space<vmem>> -> memref<128x128xf32, #tpu.memory_space<vmem>>
      %dma_wait3A_161 = arith.constant 0 : i32
      %dma_wait3A_162 = tpu.memref_slice %arg7[%run_scoped3A_83, %dma_wait3A_161] : memref<40x128xi32, #tpu.memory_space<vmem>> -> memref<1x128xi32, #tpu.memory_space<vmem>>
      %dma_wait3A_163 = tpu.memref_squeeze %dma_wait3A_162 : memref<1x128xi32, #tpu.memory_space<vmem>> -> memref<128xi32, #tpu.memory_space<vmem>>
      %dma_wait3A_164 = arith.constant 0 : i32
      %dma_wait3A_165 = arith.constant 0 : i32
      %dma_wait3A_166 = tpu.memref_slice %arg9[%dma_wait3A_164, %dma_wait3A_165] : memref<10240x128xf32, #tpu.memory_space<vmem_shared>> -> memref<10240x128xf32, #tpu.memory_space<vmem_shared>>
      tpu.wait_indirect_dma semaphore(%run_scoped3A_146 : memref<!tpu.dma_semaphore, #tpu.memory_space<semaphore_mem>>) src(%dma_wait3A_160 : memref<128x128xf32, #tpu.memory_space<vmem>>) dst(%dma_wait3A_166 : memref<10240x128xf32, #tpu.memory_space<vmem_shared>>)
      tpu.yield
    }) : () -> ()
    "tpu.region"() ({
      %run_scoped3A_146 = tpu.sem_alloc : memref<!tpu.dma_semaphore, #tpu.memory_space<semaphore_mem>>
      %dma_start3A_147 = arith.constant 40 : i32
      %dma_start3A_148 = arith.constant 0 : i32
      %dma_start3A_149 = tpu.memref_slice %arg2[%add3A, %dma_start3A_147, %dma_start3A_148] : memref<32x80x128xi32, #tpu.memory_space<hbm>> -> memref<1x40x128xi32, #tpu.memory_space<hbm>>
      %dma_start3A_150 = tpu.memref_squeeze %dma_start3A_149 : memref<1x40x128xi32, #tpu.memory_space<hbm>> -> memref<40x128xi32, #tpu.memory_space<hbm>>
      %dma_start3A_151 = arith.constant 40 : i32
      %dma_start3A_152 = arith.constant 0 : i32
      %dma_start3A_153 = tpu.memref_slice %arg2[%add3A, %dma_start3A_151, %dma_start3A_152] : memref<32x80x128xi32, #tpu.memory_space<hbm>> -> memref<1x40x128xi32, #tpu.memory_space<hbm>>
      %dma_start3A_154 = tpu.memref_squeeze %dma_start3A_153 : memref<1x40x128xi32, #tpu.memory_space<hbm>> -> memref<40x128xi32, #tpu.memory_space<hbm>>
      tpu.enqueue_dma source(%dma_start3A_154 : memref<40x128xi32, #tpu.memory_space<hbm>>) target(%arg6 : memref<40x128xi32, #tpu.memory_space<vmem>>) target_semaphore(%run_scoped3A_146 : memref<!tpu.dma_semaphore, #tpu.memory_space<semaphore_mem>>)
      %dma_wait3A_155 = arith.constant 40 : i32
      %dma_wait3A_156 = arith.constant 0 : i32
      %dma_wait3A_157 = tpu.memref_slice %arg2[%add3A, %dma_wait3A_155, %dma_wait3A_156] : memref<32x80x128xi32, #tpu.memory_space<hbm>> -> memref<1x40x128xi32, #tpu.memory_space<hbm>>
      %dma_wait3A_158 = tpu.memref_squeeze %dma_wait3A_157 : memref<1x40x128xi32, #tpu.memory_space<hbm>> -> memref<40x128xi32, #tpu.memory_space<hbm>>
      %dma_wait3A_159 = arith.constant 40 : i32
      %dma_wait3A_160 = arith.constant 0 : i32
      %dma_wait3A_161 = tpu.memref_slice %arg2[%add3A, %dma_wait3A_159, %dma_wait3A_160] : memref<32x80x128xi32, #tpu.memory_space<hbm>> -> memref<1x40x128xi32, #tpu.memory_space<hbm>>
      %dma_wait3A_162 = tpu.memref_squeeze %dma_wait3A_161 : memref<1x40x128xi32, #tpu.memory_space<hbm>> -> memref<40x128xi32, #tpu.memory_space<hbm>>
      tpu.wait_dma2 semaphore(%run_scoped3A_146 : memref<!tpu.dma_semaphore, #tpu.memory_space<semaphore_mem>>) src(%dma_wait3A_162 : memref<40x128xi32, #tpu.memory_space<hbm>>) dst(%arg6 : memref<40x128xi32, #tpu.memory_space<vmem>>)
      tpu.yield
    }) : () -> ()
    "tpu.region"() ({
      %run_scoped3A_146 = tpu.sem_alloc : memref<!tpu.dma_semaphore, #tpu.memory_space<semaphore_mem>>
      %dma_start3A_147 = arith.constant 40 : i32
      %dma_start3A_148 = arith.constant 0 : i32
      %dma_start3A_149 = tpu.memref_slice %arg3[%add3A, %dma_start3A_147, %dma_start3A_148] : memref<32x80x128xi32, #tpu.memory_space<hbm>> -> memref<1x40x128xi32, #tpu.memory_space<hbm>>
      %dma_start3A_150 = tpu.memref_squeeze %dma_start3A_149 : memref<1x40x128xi32, #tpu.memory_space<hbm>> -> memref<40x128xi32, #tpu.memory_space<hbm>>
      %dma_start3A_151 = arith.constant 40 : i32
      %dma_start3A_152 = arith.constant 0 : i32
      %dma_start3A_153 = tpu.memref_slice %arg3[%add3A, %dma_start3A_151, %dma_start3A_152] : memref<32x80x128xi32, #tpu.memory_space<hbm>> -> memref<1x40x128xi32, #tpu.memory_space<hbm>>
      %dma_start3A_154 = tpu.memref_squeeze %dma_start3A_153 : memref<1x40x128xi32, #tpu.memory_space<hbm>> -> memref<40x128xi32, #tpu.memory_space<hbm>>
      tpu.enqueue_dma source(%dma_start3A_154 : memref<40x128xi32, #tpu.memory_space<hbm>>) target(%arg7 : memref<40x128xi32, #tpu.memory_space<vmem>>) target_semaphore(%run_scoped3A_146 : memref<!tpu.dma_semaphore, #tpu.memory_space<semaphore_mem>>)
      %dma_wait3A_155 = arith.constant 40 : i32
      %dma_wait3A_156 = arith.constant 0 : i32
      %dma_wait3A_157 = tpu.memref_slice %arg3[%add3A, %dma_wait3A_155, %dma_wait3A_156] : memref<32x80x128xi32, #tpu.memory_space<hbm>> -> memref<1x40x128xi32, #tpu.memory_space<hbm>>
      %dma_wait3A_158 = tpu.memref_squeeze %dma_wait3A_157 : memref<1x40x128xi32, #tpu.memory_space<hbm>> -> memref<40x128xi32, #tpu.memory_space<hbm>>
      %dma_wait3A_159 = arith.constant 40 : i32
      %dma_wait3A_160 = arith.constant 0 : i32
      %dma_wait3A_161 = tpu.memref_slice %arg3[%add3A, %dma_wait3A_159, %dma_wait3A_160] : memref<32x80x128xi32, #tpu.memory_space<hbm>> -> memref<1x40x128xi32, #tpu.memory_space<hbm>>
      %dma_wait3A_162 = tpu.memref_squeeze %dma_wait3A_161 : memref<1x40x128xi32, #tpu.memory_space<hbm>> -> memref<40x128xi32, #tpu.memory_space<hbm>>
      tpu.wait_dma2 semaphore(%run_scoped3A_146 : memref<!tpu.dma_semaphore, #tpu.memory_space<semaphore_mem>>) src(%dma_wait3A_162 : memref<40x128xi32, #tpu.memory_space<hbm>>) dst(%arg7 : memref<40x128xi32, #tpu.memory_space<vmem>>)
      tpu.yield
    }) : () -> ()
    %dma_start3A_84 = arith.constant 0 : i32
    %dma_start3A_85 = arith.constant 0 : i32
    %dma_start3A_86 = arith.constant 0 : i32
    %dma_start3A_87 = arith.constant 0 : i32
    %dma_start3A_88 = tpu.memref_slice %arg8[%dma_start3A_85, %dma_start3A_86, %dma_start3A_87] : memref<2x128x128xf32, #tpu.memory_space<vmem>> -> memref<1x128x128xf32, #tpu.memory_space<vmem>>
    %dma_start3A_89 = tpu.memref_squeeze %dma_start3A_88 : memref<1x128x128xf32, #tpu.memory_space<vmem>> -> memref<128x128xf32, #tpu.memory_space<vmem>>
    %dma_start3A_90 = arith.constant 0 : i32
    %dma_start3A_91 = tpu.memref_slice %arg6[%dma_start3A_84, %dma_start3A_90] : memref<40x128xi32, #tpu.memory_space<vmem>> -> memref<1x128xi32, #tpu.memory_space<vmem>>
    %dma_start3A_92 = tpu.memref_squeeze %dma_start3A_91 : memref<1x128xi32, #tpu.memory_space<vmem>> -> memref<128xi32, #tpu.memory_space<vmem>>
    %dma_start3A_93 = arith.constant 0 : i32
    %dma_start3A_94 = arith.constant 0 : i32
    %dma_start3A_95 = tpu.memref_slice %arg4[%dma_start3A_93, %dma_start3A_94] : memref<10240x128xf32, #tpu.memory_space<hbm>> -> memref<10240x128xf32, #tpu.memory_space<hbm>>
    tpu.enqueue_indirect_dma source(%dma_start3A_95 : memref<10240x128xf32, #tpu.memory_space<hbm>>) target(%dma_start3A_89 : memref<128x128xf32, #tpu.memory_space<vmem>>) offsets(%dma_start3A_92 : memref<128xi32, #tpu.memory_space<vmem>>) semaphore(%arg10 : memref<!tpu.dma_semaphore, #tpu.memory_space<semaphore_mem>>)
    %dma_start3A_96 = arith.constant 1 : i32
    %dma_start3A_97 = arith.constant 1 : i32
    %dma_start3A_98 = arith.constant 0 : i32
    %dma_start3A_99 = arith.constant 0 : i32
    %dma_start3A_100 = tpu.memref_slice %arg8[%dma_start3A_97, %dma_start3A_98, %dma_start3A_99] : memref<2x128x128xf32, #tpu.memory_space<vmem>> -> memref<1x128x128xf32, #tpu.memory_space<vmem>>
    %dma_start3A_101 = tpu.memref_squeeze %dma_start3A_100 : memref<1x128x128xf32, #tpu.memory_space<vmem>> -> memref<128x128xf32, #tpu.memory_space<vmem>>
    %dma_start3A_102 = arith.constant 0 : i32
    %dma_start3A_103 = tpu.memref_slice %arg6[%dma_start3A_96, %dma_start3A_102] : memref<40x128xi32, #tpu.memory_space<vmem>> -> memref<1x128xi32, #tpu.memory_space<vmem>>
    %dma_start3A_104 = tpu.memref_squeeze %dma_start3A_103 : memref<1x128xi32, #tpu.memory_space<vmem>> -> memref<128xi32, #tpu.memory_space<vmem>>
    %dma_start3A_105 = arith.constant 0 : i32
    %dma_start3A_106 = arith.constant 0 : i32
    %dma_start3A_107 = tpu.memref_slice %arg4[%dma_start3A_105, %dma_start3A_106] : memref<10240x128xf32, #tpu.memory_space<hbm>> -> memref<10240x128xf32, #tpu.memory_space<hbm>>
    tpu.enqueue_indirect_dma source(%dma_start3A_107 : memref<10240x128xf32, #tpu.memory_space<hbm>>) target(%dma_start3A_101 : memref<128x128xf32, #tpu.memory_space<vmem>>) offsets(%dma_start3A_104 : memref<128xi32, #tpu.memory_space<vmem>>) semaphore(%arg11 : memref<!tpu.dma_semaphore, #tpu.memory_space<semaphore_mem>>)
    %scan3A_108 = arith.constant 0 : i32
    %scan3A_109 = arith.constant 19 : i32
    %scan3A_110 = arith.addi %scan3A_108, %scan3A_109 : i32
    %scan3A_111 = arith.constant 1 : i32
    scf.for %scan3A_146 = %scan3A_108 to %scan3A_110 step %scan3A_111  : i32 {
      %mul3A_147 = arith.constant 2 : i32
      %mul3A_148 = arith.muli %scan3A_146, %mul3A_147 : i32
      %add3A_149 = arith.constant 0 : i32
      %add3A_150 = arith.addi %mul3A_148, %add3A_149 : i32
      %dma_wait3A_151 = arith.constant 0 : i32
      %dma_wait3A_152 = arith.constant 0 : i32
      %dma_wait3A_153 = arith.constant 0 : i32
      %dma_wait3A_154 = tpu.memref_slice %arg8[%dma_wait3A_151, %dma_wait3A_152, %dma_wait3A_153] : memref<2x128x128xf32, #tpu.memory_space<vmem>> -> memref<1x128x128xf32, #tpu.memory_space<vmem>>
      %dma_wait3A_155 = tpu.memref_squeeze %dma_wait3A_154 : memref<1x128x128xf32, #tpu.memory_space<vmem>> -> memref<128x128xf32, #tpu.memory_space<vmem>>
      %dma_wait3A_156 = arith.constant 0 : i32
      %dma_wait3A_157 = tpu.memref_slice %arg6[%add3A_150, %dma_wait3A_156] : memref<40x128xi32, #tpu.memory_space<vmem>> -> memref<1x128xi32, #tpu.memory_space<vmem>>
      %dma_wait3A_158 = tpu.memref_squeeze %dma_wait3A_157 : memref<1x128xi32, #tpu.memory_space<vmem>> -> memref<128xi32, #tpu.memory_space<vmem>>
      %dma_wait3A_159 = arith.constant 0 : i32
      %dma_wait3A_160 = arith.constant 0 : i32
      %dma_wait3A_161 = tpu.memref_slice %arg4[%dma_wait3A_159, %dma_wait3A_160] : memref<10240x128xf32, #tpu.memory_space<hbm>> -> memref<10240x128xf32, #tpu.memory_space<hbm>>
      tpu.wait_indirect_dma semaphore(%arg10 : memref<!tpu.dma_semaphore, #tpu.memory_space<semaphore_mem>>) src(%dma_wait3A_161 : memref<10240x128xf32, #tpu.memory_space<hbm>>) dst(%dma_wait3A_155 : memref<128x128xf32, #tpu.memory_space<vmem>>)
      %add3A_162 = arith.constant 0 : i32
      %add3A_163 = arith.addi %mul3A_148, %add3A_162 : i32
      %run_scoped3A_164 = arith.constant 0 : i32
      "tpu.region"() ({
        %run_scoped3A_211 = tpu.sem_alloc : memref<!tpu.dma_semaphore, #tpu.memory_space<semaphore_mem>>
        %dma_start3A_212 = arith.constant 0 : i32
        %dma_start3A_213 = arith.constant 0 : i32
        %dma_start3A_214 = tpu.memref_slice %arg8[%run_scoped3A_164, %dma_start3A_212, %dma_start3A_213] : memref<2x128x128xf32, #tpu.memory_space<vmem>> -> memref<1x128x128xf32, #tpu.memory_space<vmem>>
        %dma_start3A_215 = tpu.memref_squeeze %dma_start3A_214 : memref<1x128x128xf32, #tpu.memory_space<vmem>> -> memref<128x128xf32, #tpu.memory_space<vmem>>
        %dma_start3A_216 = arith.constant 0 : i32
        %dma_start3A_217 = tpu.memref_slice %arg7[%add3A_163, %dma_start3A_216] : memref<40x128xi32, #tpu.memory_space<vmem>> -> memref<1x128xi32, #tpu.memory_space<vmem>>
        %dma_start3A_218 = tpu.memref_squeeze %dma_start3A_217 : memref<1x128xi32, #tpu.memory_space<vmem>> -> memref<128xi32, #tpu.memory_space<vmem>>
        %dma_start3A_219 = arith.constant 0 : i32
        %dma_start3A_220 = arith.constant 0 : i32
        %dma_start3A_221 = tpu.memref_slice %arg9[%dma_start3A_219, %dma_start3A_220] : memref<10240x128xf32, #tpu.memory_space<vmem_shared>> -> memref<10240x128xf32, #tpu.memory_space<vmem_shared>>
        tpu.enqueue_indirect_dma source(%dma_start3A_215 : memref<128x128xf32, #tpu.memory_space<vmem>>) target(%dma_start3A_221 : memref<10240x128xf32, #tpu.memory_space<vmem_shared>>) offsets(%dma_start3A_218 : memref<128xi32, #tpu.memory_space<vmem>>) semaphore(%run_scoped3A_211 : memref<!tpu.dma_semaphore, #tpu.memory_space<semaphore_mem>>) {add = true}
        %dma_wait3A_222 = arith.constant 0 : i32
        %dma_wait3A_223 = arith.constant 0 : i32
        %dma_wait3A_224 = tpu.memref_slice %arg8[%run_scoped3A_164, %dma_wait3A_222, %dma_wait3A_223] : memref<2x128x128xf32, #tpu.memory_space<vmem>> -> memref<1x128x128xf32, #tpu.memory_space<vmem>>
        %dma_wait3A_225 = tpu.memref_squeeze %dma_wait3A_224 : memref<1x128x128xf32, #tpu.memory_space<vmem>> -> memref<128x128xf32, #tpu.memory_space<vmem>>
        %dma_wait3A_226 = arith.constant 0 : i32
        %dma_wait3A_227 = tpu.memref_slice %arg7[%add3A_163, %dma_wait3A_226] : memref<40x128xi32, #tpu.memory_space<vmem>> -> memref<1x128xi32, #tpu.memory_space<vmem>>
        %dma_wait3A_228 = tpu.memref_squeeze %dma_wait3A_227 : memref<1x128xi32, #tpu.memory_space<vmem>> -> memref<128xi32, #tpu.memory_space<vmem>>
        %dma_wait3A_229 = arith.constant 0 : i32
        %dma_wait3A_230 = arith.constant 0 : i32
        %dma_wait3A_231 = tpu.memref_slice %arg9[%dma_wait3A_229, %dma_wait3A_230] : memref<10240x128xf32, #tpu.memory_space<vmem_shared>> -> memref<10240x128xf32, #tpu.memory_space<vmem_shared>>
        tpu.wait_indirect_dma semaphore(%run_scoped3A_211 : memref<!tpu.dma_semaphore, #tpu.memory_space<semaphore_mem>>) src(%dma_wait3A_225 : memref<128x128xf32, #tpu.memory_space<vmem>>) dst(%dma_wait3A_231 : memref<10240x128xf32, #tpu.memory_space<vmem_shared>>)
        tpu.yield
      }) : () -> ()
      %add3A_165 = arith.constant 2 : i32
      %add3A_166 = arith.addi %mul3A_148, %add3A_165 : i32
      %add3A_167 = arith.constant 0 : i32
      %add3A_168 = arith.addi %add3A_166, %add3A_167 : i32
      %dma_start3A_169 = arith.constant 0 : i32
      %dma_start3A_170 = arith.constant 0 : i32
      %dma_start3A_171 = arith.constant 0 : i32
      %dma_start3A_172 = tpu.memref_slice %arg8[%dma_start3A_169, %dma_start3A_170, %dma_start3A_171] : memref<2x128x128xf32, #tpu.memory_space<vmem>> -> memref<1x128x128xf32, #tpu.memory_space<vmem>>
      %dma_start3A_173 = tpu.memref_squeeze %dma_start3A_172 : memref<1x128x128xf32, #tpu.memory_space<vmem>> -> memref<128x128xf32, #tpu.memory_space<vmem>>
      %dma_start3A_174 = arith.constant 0 : i32
      %dma_start3A_175 = tpu.memref_slice %arg6[%add3A_168, %dma_start3A_174] : memref<40x128xi32, #tpu.memory_space<vmem>> -> memref<1x128xi32, #tpu.memory_space<vmem>>
      %dma_start3A_176 = tpu.memref_squeeze %dma_start3A_175 : memref<1x128xi32, #tpu.memory_space<vmem>> -> memref<128xi32, #tpu.memory_space<vmem>>
      %dma_start3A_177 = arith.constant 0 : i32
      %dma_start3A_178 = arith.constant 0 : i32
      %dma_start3A_179 = tpu.memref_slice %arg4[%dma_start3A_177, %dma_start3A_178] : memref<10240x128xf32, #tpu.memory_space<hbm>> -> memref<10240x128xf32, #tpu.memory_space<hbm>>
      tpu.enqueue_indirect_dma source(%dma_start3A_179 : memref<10240x128xf32, #tpu.memory_space<hbm>>) target(%dma_start3A_173 : memref<128x128xf32, #tpu.memory_space<vmem>>) offsets(%dma_start3A_176 : memref<128xi32, #tpu.memory_space<vmem>>) semaphore(%arg10 : memref<!tpu.dma_semaphore, #tpu.memory_space<semaphore_mem>>)
      %add3A_180 = arith.constant 1 : i32
      %add3A_181 = arith.addi %mul3A_148, %add3A_180 : i32
      %dma_wait3A_182 = arith.constant 1 : i32
      %dma_wait3A_183 = arith.constant 0 : i32
      %dma_wait3A_184 = arith.constant 0 : i32
      %dma_wait3A_185 = tpu.memref_slice %arg8[%dma_wait3A_182, %dma_wait3A_183, %dma_wait3A_184] : memref<2x128x128xf32, #tpu.memory_space<vmem>> -> memref<1x128x128xf32, #tpu.memory_space<vmem>>
      %dma_wait3A_186 = tpu.memref_squeeze %dma_wait3A_185 : memref<1x128x128xf32, #tpu.memory_space<vmem>> -> memref<128x128xf32, #tpu.memory_space<vmem>>
      %dma_wait3A_187 = arith.constant 0 : i32
      %dma_wait3A_188 = tpu.memref_slice %arg6[%add3A_181, %dma_wait3A_187] : memref<40x128xi32, #tpu.memory_space<vmem>> -> memref<1x128xi32, #tpu.memory_space<vmem>>
      %dma_wait3A_189 = tpu.memref_squeeze %dma_wait3A_188 : memref<1x128xi32, #tpu.memory_space<vmem>> -> memref<128xi32, #tpu.memory_space<vmem>>
      %dma_wait3A_190 = arith.constant 0 : i32
      %dma_wait3A_191 = arith.constant 0 : i32
      %dma_wait3A_192 = tpu.memref_slice %arg4[%dma_wait3A_190, %dma_wait3A_191] : memref<10240x128xf32, #tpu.memory_space<hbm>> -> memref<10240x128xf32, #tpu.memory_space<hbm>>
      tpu.wait_indirect_dma semaphore(%arg11 : memref<!tpu.dma_semaphore, #tpu.memory_space<semaphore_mem>>) src(%dma_wait3A_192 : memref<10240x128xf32, #tpu.memory_space<hbm>>) dst(%dma_wait3A_186 : memref<128x128xf32, #tpu.memory_space<vmem>>)
      %add3A_193 = arith.constant 1 : i32
      %add3A_194 = arith.addi %mul3A_148, %add3A_193 : i32
      %run_scoped3A_195 = arith.constant 1 : i32
      "tpu.region"() ({
        %run_scoped3A_211 = tpu.sem_alloc : memref<!tpu.dma_semaphore, #tpu.memory_space<semaphore_mem>>
        %dma_start3A_212 = arith.constant 0 : i32
        %dma_start3A_213 = arith.constant 0 : i32
        %dma_start3A_214 = tpu.memref_slice %arg8[%run_scoped3A_195, %dma_start3A_212, %dma_start3A_213] : memref<2x128x128xf32, #tpu.memory_space<vmem>> -> memref<1x128x128xf32, #tpu.memory_space<vmem>>
        %dma_start3A_215 = tpu.memref_squeeze %dma_start3A_214 : memref<1x128x128xf32, #tpu.memory_space<vmem>> -> memref<128x128xf32, #tpu.memory_space<vmem>>
        %dma_start3A_216 = arith.constant 0 : i32
        %dma_start3A_217 = tpu.memref_slice %arg7[%add3A_194, %dma_start3A_216] : memref<40x128xi32, #tpu.memory_space<vmem>> -> memref<1x128xi32, #tpu.memory_space<vmem>>
        %dma_start3A_218 = tpu.memref_squeeze %dma_start3A_217 : memref<1x128xi32, #tpu.memory_space<vmem>> -> memref<128xi32, #tpu.memory_space<vmem>>
        %dma_start3A_219 = arith.constant 0 : i32
        %dma_start3A_220 = arith.constant 0 : i32
        %dma_start3A_221 = tpu.memref_slice %arg9[%dma_start3A_219, %dma_start3A_220] : memref<10240x128xf32, #tpu.memory_space<vmem_shared>> -> memref<10240x128xf32, #tpu.memory_space<vmem_shared>>
        tpu.enqueue_indirect_dma source(%dma_start3A_215 : memref<128x128xf32, #tpu.memory_space<vmem>>) target(%dma_start3A_221 : memref<10240x128xf32, #tpu.memory_space<vmem_shared>>) offsets(%dma_start3A_218 : memref<128xi32, #tpu.memory_space<vmem>>) semaphore(%run_scoped3A_211 : memref<!tpu.dma_semaphore, #tpu.memory_space<semaphore_mem>>) {add = true}
        %dma_wait3A_222 = arith.constant 0 : i32
        %dma_wait3A_223 = arith.constant 0 : i32
        %dma_wait3A_224 = tpu.memref_slice %arg8[%run_scoped3A_195, %dma_wait3A_222, %dma_wait3A_223] : memref<2x128x128xf32, #tpu.memory_space<vmem>> -> memref<1x128x128xf32, #tpu.memory_space<vmem>>
        %dma_wait3A_225 = tpu.memref_squeeze %dma_wait3A_224 : memref<1x128x128xf32, #tpu.memory_space<vmem>> -> memref<128x128xf32, #tpu.memory_space<vmem>>
        %dma_wait3A_226 = arith.constant 0 : i32
        %dma_wait3A_227 = tpu.memref_slice %arg7[%add3A_194, %dma_wait3A_226] : memref<40x128xi32, #tpu.memory_space<vmem>> -> memref<1x128xi32, #tpu.memory_space<vmem>>
        %dma_wait3A_228 = tpu.memref_squeeze %dma_wait3A_227 : memref<1x128xi32, #tpu.memory_space<vmem>> -> memref<128xi32, #tpu.memory_space<vmem>>
        %dma_wait3A_229 = arith.constant 0 : i32
        %dma_wait3A_230 = arith.constant 0 : i32
        %dma_wait3A_231 = tpu.memref_slice %arg9[%dma_wait3A_229, %dma_wait3A_230] : memref<10240x128xf32, #tpu.memory_space<vmem_shared>> -> memref<10240x128xf32, #tpu.memory_space<vmem_shared>>
        tpu.wait_indirect_dma semaphore(%run_scoped3A_211 : memref<!tpu.dma_semaphore, #tpu.memory_space<semaphore_mem>>) src(%dma_wait3A_225 : memref<128x128xf32, #tpu.memory_space<vmem>>) dst(%dma_wait3A_231 : memref<10240x128xf32, #tpu.memory_space<vmem_shared>>)
        tpu.yield
      }) : () -> ()
      %add3A_196 = arith.constant 2 : i32
      %add3A_197 = arith.addi %mul3A_148, %add3A_196 : i32
      %add3A_198 = arith.constant 1 : i32
      %add3A_199 = arith.addi %add3A_197, %add3A_198 : i32
      %dma_start3A_200 = arith.constant 1 : i32
      %dma_start3A_201 = arith.constant 0 : i32
      %dma_start3A_202 = arith.constant 0 : i32
      %dma_start3A_203 = tpu.memref_slice %arg8[%dma_start3A_200, %dma_start3A_201, %dma_start3A_202] : memref<2x128x128xf32, #tpu.memory_space<vmem>> -> memref<1x128x128xf32, #tpu.memory_space<vmem>>
      %dma_start3A_204 = tpu.memref_squeeze %dma_start3A_203 : memref<1x128x128xf32, #tpu.memory_space<vmem>> -> memref<128x128xf32, #tpu.memory_space<vmem>>
      %dma_start3A_205 = arith.constant 0 : i32
      %dma_start3A_206 = tpu.memref_slice %arg6[%add3A_199, %dma_start3A_205] : memref<40x128xi32, #tpu.memory_space<vmem>> -> memref<1x128xi32, #tpu.memory_space<vmem>>
      %dma_start3A_207 = tpu.memref_squeeze %dma_start3A_206 : memref<1x128xi32, #tpu.memory_space<vmem>> -> memref<128xi32, #tpu.memory_space<vmem>>
      %dma_start3A_208 = arith.constant 0 : i32
      %dma_start3A_209 = arith.constant 0 : i32
      %dma_start3A_210 = tpu.memref_slice %arg4[%dma_start3A_208, %dma_start3A_209] : memref<10240x128xf32, #tpu.memory_space<hbm>> -> memref<10240x128xf32, #tpu.memory_space<hbm>>
      tpu.enqueue_indirect_dma source(%dma_start3A_210 : memref<10240x128xf32, #tpu.memory_space<hbm>>) target(%dma_start3A_204 : memref<128x128xf32, #tpu.memory_space<vmem>>) offsets(%dma_start3A_207 : memref<128xi32, #tpu.memory_space<vmem>>) semaphore(%arg11 : memref<!tpu.dma_semaphore, #tpu.memory_space<semaphore_mem>>)
    }
    %scan3A_112 = arith.constant 19 : i32
    %dma_wait3A_113 = arith.constant 38 : i32
    %dma_wait3A_114 = arith.constant 0 : i32
    %dma_wait3A_115 = arith.constant 0 : i32
    %dma_wait3A_116 = arith.constant 0 : i32
    %dma_wait3A_117 = tpu.memref_slice %arg8[%dma_wait3A_114, %dma_wait3A_115, %dma_wait3A_116] : memref<2x128x128xf32, #tpu.memory_space<vmem>> -> memref<1x128x128xf32, #tpu.memory_space<vmem>>
    %dma_wait3A_118 = tpu.memref_squeeze %dma_wait3A_117 : memref<1x128x128xf32, #tpu.memory_space<vmem>> -> memref<128x128xf32, #tpu.memory_space<vmem>>
    %dma_wait3A_119 = arith.constant 0 : i32
    %dma_wait3A_120 = tpu.memref_slice %arg6[%dma_wait3A_113, %dma_wait3A_119] : memref<40x128xi32, #tpu.memory_space<vmem>> -> memref<1x128xi32, #tpu.memory_space<vmem>>
    %dma_wait3A_121 = tpu.memref_squeeze %dma_wait3A_120 : memref<1x128xi32, #tpu.memory_space<vmem>> -> memref<128xi32, #tpu.memory_space<vmem>>
    %dma_wait3A_122 = arith.constant 0 : i32
    %dma_wait3A_123 = arith.constant 0 : i32
    %dma_wait3A_124 = tpu.memref_slice %arg4[%dma_wait3A_122, %dma_wait3A_123] : memref<10240x128xf32, #tpu.memory_space<hbm>> -> memref<10240x128xf32, #tpu.memory_space<hbm>>
    tpu.wait_indirect_dma semaphore(%arg10 : memref<!tpu.dma_semaphore, #tpu.memory_space<semaphore_mem>>) src(%dma_wait3A_124 : memref<10240x128xf32, #tpu.memory_space<hbm>>) dst(%dma_wait3A_118 : memref<128x128xf32, #tpu.memory_space<vmem>>)
    %run_scoped3A_125 = arith.constant 0 : i32
    %run_scoped3A_126 = arith.constant 38 : i32
    "tpu.region"() ({
      %run_scoped3A_146 = tpu.sem_alloc : memref<!tpu.dma_semaphore, #tpu.memory_space<semaphore_mem>>
      %dma_start3A_147 = arith.constant 0 : i32
      %dma_start3A_148 = arith.constant 0 : i32
      %dma_start3A_149 = tpu.memref_slice %arg8[%run_scoped3A_125, %dma_start3A_147, %dma_start3A_148] : memref<2x128x128xf32, #tpu.memory_space<vmem>> -> memref<1x128x128xf32, #tpu.memory_space<vmem>>
      %dma_start3A_150 = tpu.memref_squeeze %dma_start3A_149 : memref<1x128x128xf32, #tpu.memory_space<vmem>> -> memref<128x128xf32, #tpu.memory_space<vmem>>
      %dma_start3A_151 = arith.constant 0 : i32
      %dma_start3A_152 = tpu.memref_slice %arg7[%run_scoped3A_126, %dma_start3A_151] : memref<40x128xi32, #tpu.memory_space<vmem>> -> memref<1x128xi32, #tpu.memory_space<vmem>>
      %dma_start3A_153 = tpu.memref_squeeze %dma_start3A_152 : memref<1x128xi32, #tpu.memory_space<vmem>> -> memref<128xi32, #tpu.memory_space<vmem>>
      %dma_start3A_154 = arith.constant 0 : i32
      %dma_start3A_155 = arith.constant 0 : i32
      %dma_start3A_156 = tpu.memref_slice %arg9[%dma_start3A_154, %dma_start3A_155] : memref<10240x128xf32, #tpu.memory_space<vmem_shared>> -> memref<10240x128xf32, #tpu.memory_space<vmem_shared>>
      tpu.enqueue_indirect_dma source(%dma_start3A_150 : memref<128x128xf32, #tpu.memory_space<vmem>>) target(%dma_start3A_156 : memref<10240x128xf32, #tpu.memory_space<vmem_shared>>) offsets(%dma_start3A_153 : memref<128xi32, #tpu.memory_space<vmem>>) semaphore(%run_scoped3A_146 : memref<!tpu.dma_semaphore, #tpu.memory_space<semaphore_mem>>) {add = true}
      %dma_wait3A_157 = arith.constant 0 : i32
      %dma_wait3A_158 = arith.constant 0 : i32
      %dma_wait3A_159 = tpu.memref_slice %arg8[%run_scoped3A_125, %dma_wait3A_157, %dma_wait3A_158] : memref<2x128x128xf32, #tpu.memory_space<vmem>> -> memref<1x128x128xf32, #tpu.memory_space<vmem>>
      %dma_wait3A_160 = tpu.memref_squeeze %dma_wait3A_159 : memref<1x128x128xf32, #tpu.memory_space<vmem>> -> memref<128x128xf32, #tpu.memory_space<vmem>>
      %dma_wait3A_161 = arith.constant 0 : i32
      %dma_wait3A_162 = tpu.memref_slice %arg7[%run_scoped3A_126, %dma_wait3A_161] : memref<40x128xi32, #tpu.memory_space<vmem>> -> memref<1x128xi32, #tpu.memory_space<vmem>>
      %dma_wait3A_163 = tpu.memref_squeeze %dma_wait3A_162 : memref<1x128xi32, #tpu.memory_space<vmem>> -> memref<128xi32, #tpu.memory_space<vmem>>
      %dma_wait3A_164 = arith.constant 0 : i32
      %dma_wait3A_165 = arith.constant 0 : i32
      %dma_wait3A_166 = tpu.memref_slice %arg9[%dma_wait3A_164, %dma_wait3A_165] : memref<10240x128xf32, #tpu.memory_space<vmem_shared>> -> memref<10240x128xf32, #tpu.memory_space<vmem_shared>>
      tpu.wait_indirect_dma semaphore(%run_scoped3A_146 : memref<!tpu.dma_semaphore, #tpu.memory_space<semaphore_mem>>) src(%dma_wait3A_160 : memref<128x128xf32, #tpu.memory_space<vmem>>) dst(%dma_wait3A_166 : memref<10240x128xf32, #tpu.memory_space<vmem_shared>>)
      tpu.yield
    }) : () -> ()
    %dma_wait3A_127 = arith.constant 39 : i32
    %dma_wait3A_128 = arith.constant 1 : i32
    %dma_wait3A_129 = arith.constant 0 : i32
    %dma_wait3A_130 = arith.constant 0 : i32
    %dma_wait3A_131 = tpu.memref_slice %arg8[%dma_wait3A_128, %dma_wait3A_129, %dma_wait3A_130] : memref<2x128x128xf32, #tpu.memory_space<vmem>> -> memref<1x128x128xf32, #tpu.memory_space<vmem>>
    %dma_wait3A_132 = tpu.memref_squeeze %dma_wait3A_131 : memref<1x128x128xf32, #tpu.memory_space<vmem>> -> memref<128x128xf32, #tpu.memory_space<vmem>>
    %dma_wait3A_133 = arith.constant 0 : i32
    %dma_wait3A_134 = tpu.memref_slice %arg6[%dma_wait3A_127, %dma_wait3A_133] : memref<40x128xi32, #tpu.memory_space<vmem>> -> memref<1x128xi32, #tpu.memory_space<vmem>>
    %dma_wait3A_135 = tpu.memref_squeeze %dma_wait3A_134 : memref<1x128xi32, #tpu.memory_space<vmem>> -> memref<128xi32, #tpu.memory_space<vmem>>
    %dma_wait3A_136 = arith.constant 0 : i32
    %dma_wait3A_137 = arith.constant 0 : i32
    %dma_wait3A_138 = tpu.memref_slice %arg4[%dma_wait3A_136, %dma_wait3A_137] : memref<10240x128xf32, #tpu.memory_space<hbm>> -> memref<10240x128xf32, #tpu.memory_space<hbm>>
    tpu.wait_indirect_dma semaphore(%arg11 : memref<!tpu.dma_semaphore, #tpu.memory_space<semaphore_mem>>) src(%dma_wait3A_138 : memref<10240x128xf32, #tpu.memory_space<hbm>>) dst(%dma_wait3A_132 : memref<128x128xf32, #tpu.memory_space<vmem>>)
    %run_scoped3A_139 = arith.constant 1 : i32
    %run_scoped3A_140 = arith.constant 39 : i32
    "tpu.region"() ({
      %run_scoped3A_146 = tpu.sem_alloc : memref<!tpu.dma_semaphore, #tpu.memory_space<semaphore_mem>>
      %dma_start3A_147 = arith.constant 0 : i32
      %dma_start3A_148 = arith.constant 0 : i32
      %dma_start3A_149 = tpu.memref_slice %arg8[%run_scoped3A_139, %dma_start3A_147, %dma_start3A_148] : memref<2x128x128xf32, #tpu.memory_space<vmem>> -> memref<1x128x128xf32, #tpu.memory_space<vmem>>
      %dma_start3A_150 = tpu.memref_squeeze %dma_start3A_149 : memref<1x128x128xf32, #tpu.memory_space<vmem>> -> memref<128x128xf32, #tpu.memory_space<vmem>>
      %dma_start3A_151 = arith.constant 0 : i32
      %dma_start3A_152 = tpu.memref_slice %arg7[%run_scoped3A_140, %dma_start3A_151] : memref<40x128xi32, #tpu.memory_space<vmem>> -> memref<1x128xi32, #tpu.memory_space<vmem>>
      %dma_start3A_153 = tpu.memref_squeeze %dma_start3A_152 : memref<1x128xi32, #tpu.memory_space<vmem>> -> memref<128xi32, #tpu.memory_space<vmem>>
      %dma_start3A_154 = arith.constant 0 : i32
      %dma_start3A_155 = arith.constant 0 : i32
      %dma_start3A_156 = tpu.memref_slice %arg9[%dma_start3A_154, %dma_start3A_155] : memref<10240x128xf32, #tpu.memory_space<vmem_shared>> -> memref<10240x128xf32, #tpu.memory_space<vmem_shared>>
      tpu.enqueue_indirect_dma source(%dma_start3A_150 : memref<128x128xf32, #tpu.memory_space<vmem>>) target(%dma_start3A_156 : memref<10240x128xf32, #tpu.memory_space<vmem_shared>>) offsets(%dma_start3A_153 : memref<128xi32, #tpu.memory_space<vmem>>) semaphore(%run_scoped3A_146 : memref<!tpu.dma_semaphore, #tpu.memory_space<semaphore_mem>>) {add = true}
      %dma_wait3A_157 = arith.constant 0 : i32
      %dma_wait3A_158 = arith.constant 0 : i32
      %dma_wait3A_159 = tpu.memref_slice %arg8[%run_scoped3A_139, %dma_wait3A_157, %dma_wait3A_158] : memref<2x128x128xf32, #tpu.memory_space<vmem>> -> memref<1x128x128xf32, #tpu.memory_space<vmem>>
      %dma_wait3A_160 = tpu.memref_squeeze %dma_wait3A_159 : memref<1x128x128xf32, #tpu.memory_space<vmem>> -> memref<128x128xf32, #tpu.memory_space<vmem>>
      %dma_wait3A_161 = arith.constant 0 : i32
      %dma_wait3A_162 = tpu.memref_slice %arg7[%run_scoped3A_140, %dma_wait3A_161] : memref<40x128xi32, #tpu.memory_space<vmem>> -> memref<1x128xi32, #tpu.memory_space<vmem>>
      %dma_wait3A_163 = tpu.memref_squeeze %dma_wait3A_162 : memref<1x128xi32, #tpu.memory_space<vmem>> -> memref<128xi32, #tpu.memory_space<vmem>>
      %dma_wait3A_164 = arith.constant 0 : i32
      %dma_wait3A_165 = arith.constant 0 : i32
      %dma_wait3A_166 = tpu.memref_slice %arg9[%dma_wait3A_164, %dma_wait3A_165] : memref<10240x128xf32, #tpu.memory_space<vmem_shared>> -> memref<10240x128xf32, #tpu.memory_space<vmem_shared>>
      tpu.wait_indirect_dma semaphore(%run_scoped3A_146 : memref<!tpu.dma_semaphore, #tpu.memory_space<semaphore_mem>>) src(%dma_wait3A_160 : memref<128x128xf32, #tpu.memory_space<vmem>>) dst(%dma_wait3A_166 : memref<10240x128xf32, #tpu.memory_space<vmem_shared>>)
      tpu.yield
    }) : () -> ()
    %barrier3A_141 = arith.constant 0 : index
    tpu.barrier barrier_id(%barrier3A_141)
    %mul3A_142 = arith.constant 640 : i32
    %mul3A_143 = arith.muli %arg1, %mul3A_142 : i32
    %mul3A_144 = arith.constant 640 : i32
    %mul3A_145 = arith.muli %arg1, %mul3A_144 : i32
    "tpu.region"() ({
      %run_scoped3A_146 = tpu.sem_alloc : memref<!tpu.dma_semaphore, #tpu.memory_space<semaphore_mem>>
      %dma_start3A_147 = arith.constant 0 : i32
      %dma_start3A_148 = tpu.memref_slice %arg5[%arg0, %mul3A_145, %dma_start3A_147] : memref<2x10240x128xf32, #tpu.memory_space<hbm>> -> memref<1x640x128xf32, #tpu.memory_space<hbm>>
      %dma_start3A_149 = tpu.memref_squeeze %dma_start3A_148 : memref<1x640x128xf32, #tpu.memory_space<hbm>> -> memref<640x128xf32, #tpu.memory_space<hbm>>
      %dma_start3A_150 = arith.constant 0 : i32
      %dma_start3A_151 = tpu.memref_slice %arg9[%mul3A_143, %dma_start3A_150] : memref<10240x128xf32, #tpu.memory_space<vmem_shared>> -> memref<640x128xf32, #tpu.memory_space<vmem_shared>>
      tpu.enqueue_dma source(%dma_start3A_151 : memref<640x128xf32, #tpu.memory_space<vmem_shared>>) target(%dma_start3A_149 : memref<640x128xf32, #tpu.memory_space<hbm>>) target_semaphore(%run_scoped3A_146 : memref<!tpu.dma_semaphore, #tpu.memory_space<semaphore_mem>>)
      %dma_wait3A_152 = arith.constant 0 : i32
      %dma_wait3A_153 = tpu.memref_slice %arg5[%arg0, %mul3A_145, %dma_wait3A_152] : memref<2x10240x128xf32, #tpu.memory_space<hbm>> -> memref<1x640x128xf32, #tpu.memory_space<hbm>>
      %dma_wait3A_154 = tpu.memref_squeeze %dma_wait3A_153 : memref<1x640x128xf32, #tpu.memory_space<hbm>> -> memref<640x128xf32, #tpu.memory_space<hbm>>
      %dma_wait3A_155 = arith.constant 0 : i32
      %dma_wait3A_156 = tpu.memref_slice %arg9[%mul3A_143, %dma_wait3A_155] : memref<10240x128xf32, #tpu.memory_space<vmem_shared>> -> memref<640x128xf32, #tpu.memory_space<vmem_shared>>
      tpu.wait_dma2 semaphore(%run_scoped3A_146 : memref<!tpu.dma_semaphore, #tpu.memory_space<semaphore_mem>>) src(%dma_wait3A_156 : memref<640x128xf32, #tpu.memory_space<vmem_shared>>) dst(%dma_wait3A_154 : memref<640x128xf32, #tpu.memory_space<hbm>>)
      tpu.yield
    }) : () -> ()
    return
  }
}

#map = affine_map<(d0, d1) -> (0, 0, 0)>
#map1 = affine_map<(d0, d1) -> (0, 0)>
module attributes {stable_mosaic.version = 14 : i64} {
  func.func @body(%arg0: i32, %arg1: i32, %arg2: memref<32x80x128xi32, #tpu.memory_space<hbm>>, %arg3: memref<32x80x128xi32, #tpu.memory_space<hbm>>, %arg4: memref<10240x128xf32, #tpu.memory_space<hbm>>, %arg5: memref<2x10240x128xf32, #tpu.memory_space<hbm>>, %arg6: memref<40x128xi32, #tpu.memory_space<vmem>>, %arg7: memref<40x128xi32, #tpu.memory_space<vmem>>, %arg8: memref<2x128x128xf32, #tpu.memory_space<vmem>>, %arg9: memref<10240x128xf32, #tpu.memory_space<vmem_shared>>, %arg10: memref<!tpu.dma_semaphore, #tpu.memory_space<semaphore_mem>>, %arg11: memref<!tpu.dma_semaphore, #tpu.memory_space<semaphore_mem>>) attributes {dimension_semantics = [#tpu.dimension_semantics<core_parallel>, #tpu.dimension_semantics<subcore_parallel>], iteration_bounds = array<i64: 2, 16>, scalar_prefetch = 0 : i64, scratch_operands = 6 : i64, tpu.core_type = #tpu.core_type<sc_vector_subcore>, window_params = [{transform_indices = #map}, {transform_indices = #map}, {transform_indices = #map1}, {transform_indices = #map}]} {
    %mul3A = arith.constant 2 : i32
    %mul3A_0 = arith.muli %arg1, %mul3A : i32
    %add3A = arith.addi %mul3A_0, %arg0 : i32
    %scan3A = arith.constant 0 : i32
    %scan3A_1 = arith.constant 1024 : i32
    %scan3A_2 = arith.addi %scan3A, %scan3A_1 : i32
    %scan3A_3 = arith.constant 1 : i32
    scf.for %scan3A_146 = %scan3A to %scan3A_2 step %scan3A_3  : i32 {
      %jit3A = arith.constant 8 : i32
      %div3A = arith.divsi %scan3A_146, %jit3A : i32
      %sign3A = arith.constant 0 : i32
      %sign3A_147 = arith.cmpi sgt, %scan3A_146, %sign3A : i32
      %sign3A_148 = arith.extui %sign3A_147 : i1 to i32
      %sign3A_149 = arith.constant 0 : i32
      %sign3A_150 = arith.cmpi slt, %scan3A_146, %sign3A_149 : i32
      %sign3A_151 = arith.extui %sign3A_150 : i1 to i32
      %sign3A_152 = arith.subi %sign3A_148, %sign3A_151 : i32
      %sign3A_153 = arith.constant 0 : i32
      %sign3A_154 = arith.cmpi sgt, %jit3A, %sign3A_153 : i32
      %sign3A_155 = arith.extui %sign3A_154 : i1 to i32
      %sign3A_156 = arith.constant 0 : i32
      %sign3A_157 = arith.cmpi slt, %jit3A, %sign3A_156 : i32
      %sign3A_158 = arith.extui %sign3A_157 : i1 to i32
      %sign3A_159 = arith.subi %sign3A_155, %sign3A_158 : i32
      %ne3A = arith.cmpi ne, %sign3A_152, %sign3A_159 : i32
      %rem3A = arith.remsi %scan3A_146, %jit3A : i32
      %ne3A_160 = arith.constant 0 : i32
      %ne3A_161 = arith.cmpi ne, %rem3A, %ne3A_160 : i32
      %and3A = arith.andi %ne3A, %ne3A_161 : i1
      %sub3A = arith.constant 1 : i32
      %sub3A_162 = arith.subi %div3A, %sub3A : i32
      %select_n3A = arith.select %and3A, %sub3A_162, %div3A : i32
      %jit3A_163 = arith.constant 8 : i32
      %eq3A = arith.constant 0 : i32
      %eq3A_164 = arith.cmpi eq, %jit3A_163, %eq3A : i32
      %jit3A_165 = arith.constant 1 : i32
      %select_n3A_166 = arith.select %eq3A_164, %jit3A_165, %jit3A_163 : i32
      %rem3A_167 = arith.remsi %scan3A_146, %select_n3A_166 : i32
      %ne3A_168 = arith.constant 0 : i32
      %ne3A_169 = arith.cmpi ne, %rem3A_167, %ne3A_168 : i32
      %lt3A = arith.constant 0 : i32
      %lt3A_170 = arith.cmpi slt, %rem3A_167, %lt3A : i32
      %lt3A_171 = arith.constant 0 : i32
      %lt3A_172 = arith.cmpi slt, %select_n3A_166, %lt3A_171 : i32
      %ne3A_173 = arith.xori %lt3A_170, %lt3A_172 : i1
      %and3A_174 = arith.andi %ne3A_173, %ne3A_169 : i1
      %add3A_175 = arith.addi %rem3A_167, %select_n3A_166 : i32
      %select_n3A_176 = arith.select %and3A_174, %add3A_175, %rem3A_167 : i32
      %broadcast_in_dim3A = arith.constant 0.000000e+00 : f32
      %broadcast_in_dim3A_177 = vector.broadcast %broadcast_in_dim3A : f32 to vector<16xf32>
      %mul3A_178 = arith.constant 16 : i32
      %mul3A_179 = arith.muli %select_n3A_176, %mul3A_178 : i32
      %swap3A = arith.constant 0 : i32
      %swap3A_180 = arith.index_cast %swap3A : i32 to index
      %swap3A_181 = arith.index_cast %select_n3A : i32 to index
      %swap3A_182 = arith.index_cast %mul3A_179 : i32 to index
      %swap3A_183 = tpu.vector_load %arg8[%swap3A_180, %swap3A_181, %swap3A_182] {strides = array<i32>} : memref<2x128x128xf32, #tpu.memory_space<vmem>>, vector<16xf32>,
      tpu.vector_store %arg8[%swap3A_180, %swap3A_181, %swap3A_182], %broadcast_in_dim3A_177 {strides = array<i32>} : memref<2x128x128xf32, #tpu.memory_space<vmem>>, vector<16xf32>,
    }
    %scan3A_4 = arith.constant 1024 : i32
    %mul3A_5 = arith.constant 640 : i32
    %mul3A_6 = arith.muli %arg1, %mul3A_5 : i32
    %add3A_7 = arith.constant 0 : i32
    %add3A_8 = arith.addi %mul3A_6, %add3A_7 : i32
    %run_scoped3A = arith.constant 0 : i32
    "tpu.region"() ({
      %run_scoped3A_146 = tpu.sem_alloc : memref<!tpu.dma_semaphore, #tpu.memory_space<semaphore_mem>>
      %dma_start3A_147 = arith.constant 0 : i32
      %dma_start3A_148 = arith.constant 0 : i32
      %dma_start3A_149 = tpu.memref_slice %arg8[%run_scoped3A, %dma_start3A_147, %dma_start3A_148] : memref<2x128x128xf32, #tpu.memory_space<vmem>> -> memref<1x128x128xf32, #tpu.memory_space<vmem>>
      %dma_start3A_150 = tpu.memref_squeeze %dma_start3A_149 : memref<1x128x128xf32, #tpu.memory_space<vmem>> -> memref<128x128xf32, #tpu.memory_space<vmem>>
      %dma_start3A_151 = arith.constant 0 : i32
      %dma_start3A_152 = tpu.memref_slice %arg9[%add3A_8, %dma_start3A_151] : memref<10240x128xf32, #tpu.memory_space<vmem_shared>> -> memref<128x128xf32, #tpu.memory_space<vmem_shared>>
      %dma_start3A_153 = arith.constant 0 : i32
      %dma_start3A_154 = tpu.memref_slice %arg9[%add3A_8, %dma_start3A_153] : memref<10240x128xf32, #tpu.memory_space<vmem_shared>> -> memref<128x128xf32, #tpu.memory_space<vmem_shared>>
      %dma_start3A_155 = arith.constant 0 : i32
      %dma_start3A_156 = arith.constant 0 : i32
      %dma_start3A_157 = tpu.memref_slice %arg8[%run_scoped3A, %dma_start3A_155, %dma_start3A_156] : memref<2x128x128xf32, #tpu.memory_space<vmem>> -> memref<1x128x128xf32, #tpu.memory_space<vmem>>
      %dma_start3A_158 = tpu.memref_squeeze %dma_start3A_157 : memref<1x128x128xf32, #tpu.memory_space<vmem>> -> memref<128x128xf32, #tpu.memory_space<vmem>>
      tpu.enqueue_dma source(%dma_start3A_158 : memref<128x128xf32, #tpu.memory_space<vmem>>) target(%dma_start3A_154 : memref<128x128xf32, #tpu.memory_space<vmem_shared>>) target_semaphore(%run_scoped3A_146 : memref<!tpu.dma_semaphore, #tpu.memory_space<semaphore_mem>>)
      %dma_wait3A_159 = arith.constant 0 : i32
      %dma_wait3A_160 = arith.constant 0 : i32
      %dma_wait3A_161 = tpu.memref_slice %arg8[%run_scoped3A, %dma_wait3A_159, %dma_wait3A_160] : memref<2x128x128xf32, #tpu.memory_space<vmem>> -> memref<1x128x128xf32, #tpu.memory_space<vmem>>
      %dma_wait3A_162 = tpu.memref_squeeze %dma_wait3A_161 : memref<1x128x128xf32, #tpu.memory_space<vmem>> -> memref<128x128xf32, #tpu.memory_space<vmem>>
      %dma_wait3A_163 = arith.constant 0 : i32
      %dma_wait3A_164 = tpu.memref_slice %arg9[%add3A_8, %dma_wait3A_163] : memref<10240x128xf32, #tpu.memory_space<vmem_shared>> -> memref<128x128xf32, #tpu.memory_space<vmem_shared>>
      %dma_wait3A_165 = arith.constant 0 : i32
      %dma_wait3A_166 = tpu.memref_slice %arg9[%add3A_8, %dma_wait3A_165] : memref<10240x128xf32, #tpu.memory_space<vmem_shared>> -> memref<128x128xf32, #tpu.memory_space<vmem_shared>>
      %dma_wait3A_167 = arith.constant 0 : i32
      %dma_wait3A_168 = arith.constant 0 : i32
      %dma_wait3A_169 = tpu.memref_slice %arg8[%run_scoped3A, %dma_wait3A_167, %dma_wait3A_168] : memref<2x128x128xf32, #tpu.memory_space<vmem>> -> memref<1x128x128xf32, #tpu.memory_space<vmem>>
      %dma_wait3A_170 = tpu.memref_squeeze %dma_wait3A_169 : memref<1x128x128xf32, #tpu.memory_space<vmem>> -> memref<128x128xf32, #tpu.memory_space<vmem>>
      tpu.wait_dma2 semaphore(%run_scoped3A_146 : memref<!tpu.dma_semaphore, #tpu.memory_space<semaphore_mem>>) src(%dma_wait3A_170 : memref<128x128xf32, #tpu.memory_space<vmem>>) dst(%dma_wait3A_166 : memref<128x128xf32, #tpu.memory_space<vmem_shared>>)
      tpu.yield
    }) : () -> ()
    %mul3A_9 = arith.constant 640 : i32
    %mul3A_10 = arith.muli %arg1, %mul3A_9 : i32
    %add3A_11 = arith.constant 128 : i32
    %add3A_12 = arith.addi %mul3A_10, %add3A_11 : i32
    %run_scoped3A_13 = arith.constant 0 : i32
    "tpu.region"() ({
      %run_scoped3A_146 = tpu.sem_alloc : memref<!tpu.dma_semaphore, #tpu.memory_space<semaphore_mem>>
      %dma_start3A_147 = arith.constant 0 : i32
      %dma_start3A_148 = arith.constant 0 : i32
      %dma_start3A_149 = tpu.memref_slice %arg8[%run_scoped3A_13, %dma_start3A_147, %dma_start3A_148] : memref<2x128x128xf32, #tpu.memory_space<vmem>> -> memref<1x128x128xf32, #tpu.memory_space<vmem>>
      %dma_start3A_150 = tpu.memref_squeeze %dma_start3A_149 : memref<1x128x128xf32, #tpu.memory_space<vmem>> -> memref<128x128xf32, #tpu.memory_space<vmem>>
      %dma_start3A_151 = arith.constant 0 : i32
      %dma_start3A_152 = tpu.memref_slice %arg9[%add3A_12, %dma_start3A_151] : memref<10240x128xf32, #tpu.memory_space<vmem_shared>> -> memref<128x128xf32, #tpu.memory_space<vmem_shared>>
      %dma_start3A_153 = arith.constant 0 : i32
      %dma_start3A_154 = tpu.memref_slice %arg9[%add3A_12, %dma_start3A_153] : memref<10240x128xf32, #tpu.memory_space<vmem_shared>> -> memref<128x128xf32, #tpu.memory_space<vmem_shared>>
      %dma_start3A_155 = arith.constant 0 : i32
      %dma_start3A_156 = arith.constant 0 : i32
      %dma_start3A_157 = tpu.memref_slice %arg8[%run_scoped3A_13, %dma_start3A_155, %dma_start3A_156] : memref<2x128x128xf32, #tpu.memory_space<vmem>> -> memref<1x128x128xf32, #tpu.memory_space<vmem>>
      %dma_start3A_158 = tpu.memref_squeeze %dma_start3A_157 : memref<1x128x128xf32, #tpu.memory_space<vmem>> -> memref<128x128xf32, #tpu.memory_space<vmem>>
      tpu.enqueue_dma source(%dma_start3A_158 : memref<128x128xf32, #tpu.memory_space<vmem>>) target(%dma_start3A_154 : memref<128x128xf32, #tpu.memory_space<vmem_shared>>) target_semaphore(%run_scoped3A_146 : memref<!tpu.dma_semaphore, #tpu.memory_space<semaphore_mem>>)
      %dma_wait3A_159 = arith.constant 0 : i32
      %dma_wait3A_160 = arith.constant 0 : i32
      %dma_wait3A_161 = tpu.memref_slice %arg8[%run_scoped3A_13, %dma_wait3A_159, %dma_wait3A_160] : memref<2x128x128xf32, #tpu.memory_space<vmem>> -> memref<1x128x128xf32, #tpu.memory_space<vmem>>
      %dma_wait3A_162 = tpu.memref_squeeze %dma_wait3A_161 : memref<1x128x128xf32, #tpu.memory_space<vmem>> -> memref<128x128xf32, #tpu.memory_space<vmem>>
      %dma_wait3A_163 = arith.constant 0 : i32
      %dma_wait3A_164 = tpu.memref_slice %arg9[%add3A_12, %dma_wait3A_163] : memref<10240x128xf32, #tpu.memory_space<vmem_shared>> -> memref<128x128xf32, #tpu.memory_space<vmem_shared>>
      %dma_wait3A_165 = arith.constant 0 : i32
      %dma_wait3A_166 = tpu.memref_slice %arg9[%add3A_12, %dma_wait3A_165] : memref<10240x128xf32, #tpu.memory_space<vmem_shared>> -> memref<128x128xf32, #tpu.memory_space<vmem_shared>>
      %dma_wait3A_167 = arith.constant 0 : i32
      %dma_wait3A_168 = arith.constant 0 : i32
      %dma_wait3A_169 = tpu.memref_slice %arg8[%run_scoped3A_13, %dma_wait3A_167, %dma_wait3A_168] : memref<2x128x128xf32, #tpu.memory_space<vmem>> -> memref<1x128x128xf32, #tpu.memory_space<vmem>>
      %dma_wait3A_170 = tpu.memref_squeeze %dma_wait3A_169 : memref<1x128x128xf32, #tpu.memory_space<vmem>> -> memref<128x128xf32, #tpu.memory_space<vmem>>
      tpu.wait_dma2 semaphore(%run_scoped3A_146 : memref<!tpu.dma_semaphore, #tpu.memory_space<semaphore_mem>>) src(%dma_wait3A_170 : memref<128x128xf32, #tpu.memory_space<vmem>>) dst(%dma_wait3A_166 : memref<128x128xf32, #tpu.memory_space<vmem_shared>>)
      tpu.yield
    }) : () -> ()
    %mul3A_14 = arith.constant 640 : i32
    %mul3A_15 = arith.muli %arg1, %mul3A_14 : i32
    %add3A_16 = arith.constant 256 : i32
    %add3A_17 = arith.addi %mul3A_15, %add3A_16 : i32
    %run_scoped3A_18 = arith.constant 0 : i32
    "tpu.region"() ({
      %run_scoped3A_146 = tpu.sem_alloc : memref<!tpu.dma_semaphore, #tpu.memory_space<semaphore_mem>>
      %dma_start3A_147 = arith.constant 0 : i32
      %dma_start3A_148 = arith.constant 0 : i32
      %dma_start3A_149 = tpu.memref_slice %arg8[%run_scoped3A_18, %dma_start3A_147, %dma_start3A_148] : memref<2x128x128xf32, #tpu.memory_space<vmem>> -> memref<1x128x128xf32, #tpu.memory_space<vmem>>
      %dma_start3A_150 = tpu.memref_squeeze %dma_start3A_149 : memref<1x128x128xf32, #tpu.memory_space<vmem>> -> memref<128x128xf32, #tpu.memory_space<vmem>>
      %dma_start3A_151 = arith.constant 0 : i32
      %dma_start3A_152 = tpu.memref_slice %arg9[%add3A_17, %dma_start3A_151] : memref<10240x128xf32, #tpu.memory_space<vmem_shared>> -> memref<128x128xf32, #tpu.memory_space<vmem_shared>>
      %dma_start3A_153 = arith.constant 0 : i32
      %dma_start3A_154 = tpu.memref_slice %arg9[%add3A_17, %dma_start3A_153] : memref<10240x128xf32, #tpu.memory_space<vmem_shared>> -> memref<128x128xf32, #tpu.memory_space<vmem_shared>>
      %dma_start3A_155 = arith.constant 0 : i32
      %dma_start3A_156 = arith.constant 0 : i32
      %dma_start3A_157 = tpu.memref_slice %arg8[%run_scoped3A_18, %dma_start3A_155, %dma_start3A_156] : memref<2x128x128xf32, #tpu.memory_space<vmem>> -> memref<1x128x128xf32, #tpu.memory_space<vmem>>
      %dma_start3A_158 = tpu.memref_squeeze %dma_start3A_157 : memref<1x128x128xf32, #tpu.memory_space<vmem>> -> memref<128x128xf32, #tpu.memory_space<vmem>>
      tpu.enqueue_dma source(%dma_start3A_158 : memref<128x128xf32, #tpu.memory_space<vmem>>) target(%dma_start3A_154 : memref<128x128xf32, #tpu.memory_space<vmem_shared>>) target_semaphore(%run_scoped3A_146 : memref<!tpu.dma_semaphore, #tpu.memory_space<semaphore_mem>>)
      %dma_wait3A_159 = arith.constant 0 : i32
      %dma_wait3A_160 = arith.constant 0 : i32
      %dma_wait3A_161 = tpu.memref_slice %arg8[%run_scoped3A_18, %dma_wait3A_159, %dma_wait3A_160] : memref<2x128x128xf32, #tpu.memory_space<vmem>> -> memref<1x128x128xf32, #tpu.memory_space<vmem>>
      %dma_wait3A_162 = tpu.memref_squeeze %dma_wait3A_161 : memref<1x128x128xf32, #tpu.memory_space<vmem>> -> memref<128x128xf32, #tpu.memory_space<vmem>>
      %dma_wait3A_163 = arith.constant 0 : i32
      %dma_wait3A_164 = tpu.memref_slice %arg9[%add3A_17, %dma_wait3A_163] : memref<10240x128xf32, #tpu.memory_space<vmem_shared>> -> memref<128x128xf32, #tpu.memory_space<vmem_shared>>
      %dma_wait3A_165 = arith.constant 0 : i32
      %dma_wait3A_166 = tpu.memref_slice %arg9[%add3A_17, %dma_wait3A_165] : memref<10240x128xf32, #tpu.memory_space<vmem_shared>> -> memref<128x128xf32, #tpu.memory_space<vmem_shared>>
      %dma_wait3A_167 = arith.constant 0 : i32
      %dma_wait3A_168 = arith.constant 0 : i32
      %dma_wait3A_169 = tpu.memref_slice %arg8[%run_scoped3A_18, %dma_wait3A_167, %dma_wait3A_168] : memref<2x128x128xf32, #tpu.memory_space<vmem>> -> memref<1x128x128xf32, #tpu.memory_space<vmem>>
      %dma_wait3A_170 = tpu.memref_squeeze %dma_wait3A_169 : memref<1x128x128xf32, #tpu.memory_space<vmem>> -> memref<128x128xf32, #tpu.memory_space<vmem>>
      tpu.wait_dma2 semaphore(%run_scoped3A_146 : memref<!tpu.dma_semaphore, #tpu.memory_space<semaphore_mem>>) src(%dma_wait3A_170 : memref<128x128xf32, #tpu.memory_space<vmem>>) dst(%dma_wait3A_166 : memref<128x128xf32, #tpu.memory_space<vmem_shared>>)
      tpu.yield
    }) : () -> ()
    %mul3A_19 = arith.constant 640 : i32
    %mul3A_20 = arith.muli %arg1, %mul3A_19 : i32
    %add3A_21 = arith.constant 384 : i32
    %add3A_22 = arith.addi %mul3A_20, %add3A_21 : i32
    %run_scoped3A_23 = arith.constant 0 : i32
    "tpu.region"() ({
      %run_scoped3A_146 = tpu.sem_alloc : memref<!tpu.dma_semaphore, #tpu.memory_space<semaphore_mem>>
      %dma_start3A_147 = arith.constant 0 : i32
      %dma_start3A_148 = arith.constant 0 : i32
      %dma_start3A_149 = tpu.memref_slice %arg8[%run_scoped3A_23, %dma_start3A_147, %dma_start3A_148] : memref<2x128x128xf32, #tpu.memory_space<vmem>> -> memref<1x128x128xf32, #tpu.memory_space<vmem>>
      %dma_start3A_150 = tpu.memref_squeeze %dma_start3A_149 : memref<1x128x128xf32, #tpu.memory_space<vmem>> -> memref<128x128xf32, #tpu.memory_space<vmem>>
      %dma_start3A_151 = arith.constant 0 : i32
      %dma_start3A_152 = tpu.memref_slice %arg9[%add3A_22, %dma_start3A_151] : memref<10240x128xf32, #tpu.memory_space<vmem_shared>> -> memref<128x128xf32, #tpu.memory_space<vmem_shared>>
      %dma_start3A_153 = arith.constant 0 : i32
      %dma_start3A_154 = tpu.memref_slice %arg9[%add3A_22, %dma_start3A_153] : memref<10240x128xf32, #tpu.memory_space<vmem_shared>> -> memref<128x128xf32, #tpu.memory_space<vmem_shared>>
      %dma_start3A_155 = arith.constant 0 : i32
      %dma_start3A_156 = arith.constant 0 : i32
      %dma_start3A_157 = tpu.memref_slice %arg8[%run_scoped3A_23, %dma_start3A_155, %dma_start3A_156] : memref<2x128x128xf32, #tpu.memory_space<vmem>> -> memref<1x128x128xf32, #tpu.memory_space<vmem>>
      %dma_start3A_158 = tpu.memref_squeeze %dma_start3A_157 : memref<1x128x128xf32, #tpu.memory_space<vmem>> -> memref<128x128xf32, #tpu.memory_space<vmem>>
      tpu.enqueue_dma source(%dma_start3A_158 : memref<128x128xf32, #tpu.memory_space<vmem>>) target(%dma_start3A_154 : memref<128x128xf32, #tpu.memory_space<vmem_shared>>) target_semaphore(%run_scoped3A_146 : memref<!tpu.dma_semaphore, #tpu.memory_space<semaphore_mem>>)
      %dma_wait3A_159 = arith.constant 0 : i32
      %dma_wait3A_160 = arith.constant 0 : i32
      %dma_wait3A_161 = tpu.memref_slice %arg8[%run_scoped3A_23, %dma_wait3A_159, %dma_wait3A_160] : memref<2x128x128xf32, #tpu.memory_space<vmem>> -> memref<1x128x128xf32, #tpu.memory_space<vmem>>
      %dma_wait3A_162 = tpu.memref_squeeze %dma_wait3A_161 : memref<1x128x128xf32, #tpu.memory_space<vmem>> -> memref<128x128xf32, #tpu.memory_space<vmem>>
      %dma_wait3A_163 = arith.constant 0 : i32
      %dma_wait3A_164 = tpu.memref_slice %arg9[%add3A_22, %dma_wait3A_163] : memref<10240x128xf32, #tpu.memory_space<vmem_shared>> -> memref<128x128xf32, #tpu.memory_space<vmem_shared>>
      %dma_wait3A_165 = arith.constant 0 : i32
      %dma_wait3A_166 = tpu.memref_slice %arg9[%add3A_22, %dma_wait3A_165] : memref<10240x128xf32, #tpu.memory_space<vmem_shared>> -> memref<128x128xf32, #tpu.memory_space<vmem_shared>>
      %dma_wait3A_167 = arith.constant 0 : i32
      %dma_wait3A_168 = arith.constant 0 : i32
      %dma_wait3A_169 = tpu.memref_slice %arg8[%run_scoped3A_23, %dma_wait3A_167, %dma_wait3A_168] : memref<2x128x128xf32, #tpu.memory_space<vmem>> -> memref<1x128x128xf32, #tpu.memory_space<vmem>>
      %dma_wait3A_170 = tpu.memref_squeeze %dma_wait3A_169 : memref<1x128x128xf32, #tpu.memory_space<vmem>> -> memref<128x128xf32, #tpu.memory_space<vmem>>
      tpu.wait_dma2 semaphore(%run_scoped3A_146 : memref<!tpu.dma_semaphore, #tpu.memory_space<semaphore_mem>>) src(%dma_wait3A_170 : memref<128x128xf32, #tpu.memory_space<vmem>>) dst(%dma_wait3A_166 : memref<128x128xf32, #tpu.memory_space<vmem_shared>>)
      tpu.yield
    }) : () -> ()
    %mul3A_24 = arith.constant 640 : i32
    %mul3A_25 = arith.muli %arg1, %mul3A_24 : i32
    %add3A_26 = arith.constant 512 : i32
    %add3A_27 = arith.addi %mul3A_25, %add3A_26 : i32
    %run_scoped3A_28 = arith.constant 0 : i32
    "tpu.region"() ({
      %run_scoped3A_146 = tpu.sem_alloc : memref<!tpu.dma_semaphore, #tpu.memory_space<semaphore_mem>>
      %dma_start3A_147 = arith.constant 0 : i32
      %dma_start3A_148 = arith.constant 0 : i32
      %dma_start3A_149 = tpu.memref_slice %arg8[%run_scoped3A_28, %dma_start3A_147, %dma_start3A_148] : memref<2x128x128xf32, #tpu.memory_space<vmem>> -> memref<1x128x128xf32, #tpu.memory_space<vmem>>
      %dma_start3A_150 = tpu.memref_squeeze %dma_start3A_149 : memref<1x128x128xf32, #tpu.memory_space<vmem>> -> memref<128x128xf32, #tpu.memory_space<vmem>>
      %dma_start3A_151 = arith.constant 0 : i32
      %dma_start3A_152 = tpu.memref_slice %arg9[%add3A_27, %dma_start3A_151] : memref<10240x128xf32, #tpu.memory_space<vmem_shared>> -> memref<128x128xf32, #tpu.memory_space<vmem_shared>>
      %dma_start3A_153 = arith.constant 0 : i32
      %dma_start3A_154 = tpu.memref_slice %arg9[%add3A_27, %dma_start3A_153] : memref<10240x128xf32, #tpu.memory_space<vmem_shared>> -> memref<128x128xf32, #tpu.memory_space<vmem_shared>>
      %dma_start3A_155 = arith.constant 0 : i32
      %dma_start3A_156 = arith.constant 0 : i32
      %dma_start3A_157 = tpu.memref_slice %arg8[%run_scoped3A_28, %dma_start3A_155, %dma_start3A_156] : memref<2x128x128xf32, #tpu.memory_space<vmem>> -> memref<1x128x128xf32, #tpu.memory_space<vmem>>
      %dma_start3A_158 = tpu.memref_squeeze %dma_start3A_157 : memref<1x128x128xf32, #tpu.memory_space<vmem>> -> memref<128x128xf32, #tpu.memory_space<vmem>>
      tpu.enqueue_dma source(%dma_start3A_158 : memref<128x128xf32, #tpu.memory_space<vmem>>) target(%dma_start3A_154 : memref<128x128xf32, #tpu.memory_space<vmem_shared>>) target_semaphore(%run_scoped3A_146 : memref<!tpu.dma_semaphore, #tpu.memory_space<semaphore_mem>>)
      %dma_wait3A_159 = arith.constant 0 : i32
      %dma_wait3A_160 = arith.constant 0 : i32
      %dma_wait3A_161 = tpu.memref_slice %arg8[%run_scoped3A_28, %dma_wait3A_159, %dma_wait3A_160] : memref<2x128x128xf32, #tpu.memory_space<vmem>> -> memref<1x128x128xf32, #tpu.memory_space<vmem>>
      %dma_wait3A_162 = tpu.memref_squeeze %dma_wait3A_161 : memref<1x128x128xf32, #tpu.memory_space<vmem>> -> memref<128x128xf32, #tpu.memory_space<vmem>>
      %dma_wait3A_163 = arith.constant 0 : i32
      %dma_wait3A_164 = tpu.memref_slice %arg9[%add3A_27, %dma_wait3A_163] : memref<10240x128xf32, #tpu.memory_space<vmem_shared>> -> memref<128x128xf32, #tpu.memory_space<vmem_shared>>
      %dma_wait3A_165 = arith.constant 0 : i32
      %dma_wait3A_166 = tpu.memref_slice %arg9[%add3A_27, %dma_wait3A_165] : memref<10240x128xf32, #tpu.memory_space<vmem_shared>> -> memref<128x128xf32, #tpu.memory_space<vmem_shared>>
      %dma_wait3A_167 = arith.constant 0 : i32
      %dma_wait3A_168 = arith.constant 0 : i32
      %dma_wait3A_169 = tpu.memref_slice %arg8[%run_scoped3A_28, %dma_wait3A_167, %dma_wait3A_168] : memref<2x128x128xf32, #tpu.memory_space<vmem>> -> memref<1x128x128xf32, #tpu.memory_space<vmem>>
      %dma_wait3A_170 = tpu.memref_squeeze %dma_wait3A_169 : memref<1x128x128xf32, #tpu.memory_space<vmem>> -> memref<128x128xf32, #tpu.memory_space<vmem>>
      tpu.wait_dma2 semaphore(%run_scoped3A_146 : memref<!tpu.dma_semaphore, #tpu.memory_space<semaphore_mem>>) src(%dma_wait3A_170 : memref<128x128xf32, #tpu.memory_space<vmem>>) dst(%dma_wait3A_166 : memref<128x128xf32, #tpu.memory_space<vmem_shared>>)
      tpu.yield
    }) : () -> ()
    %barrier3A = arith.constant 0 : index
    tpu.barrier barrier_id(%barrier3A)
    "tpu.region"() ({
      %run_scoped3A_146 = tpu.sem_alloc : memref<!tpu.dma_semaphore, #tpu.memory_space<semaphore_mem>>
      %dma_start3A_147 = arith.constant 0 : i32
      %dma_start3A_148 = arith.constant 0 : i32
      %dma_start3A_149 = tpu.memref_slice %arg2[%add3A, %dma_start3A_147, %dma_start3A_148] : memref<32x80x128xi32, #tpu.memory_space<hbm>> -> memref<1x40x128xi32, #tpu.memory_space<hbm>>
      %dma_start3A_150 = tpu.memref_squeeze %dma_start3A_149 : memref<1x40x128xi32, #tpu.memory_space<hbm>> -> memref<40x128xi32, #tpu.memory_space<hbm>>
      %dma_start3A_151 = arith.constant 0 : i32
      %dma_start3A_152 = arith.constant 0 : i32
      %dma_start3A_153 = tpu.memref_slice %arg2[%add3A, %dma_start3A_151, %dma_start3A_152] : memref<32x80x128xi32, #tpu.memory_space<hbm>> -> memref<1x40x128xi32, #tpu.memory_space<hbm>>
      %dma_start3A_154 = tpu.memref_squeeze %dma_start3A_153 : memref<1x40x128xi32, #tpu.memory_space<hbm>> -> memref<40x128xi32, #tpu.memory_space<hbm>>
      tpu.enqueue_dma source(%dma_start3A_154 : memref<40x128xi32, #tpu.memory_space<hbm>>) target(%arg6 : memref<40x128xi32, #tpu.memory_space<vmem>>) target_semaphore(%run_scoped3A_146 : memref<!tpu.dma_semaphore, #tpu.memory_space<semaphore_mem>>)
      %dma_wait3A_155 = arith.constant 0 : i32
      %dma_wait3A_156 = arith.constant 0 : i32
      %dma_wait3A_157 = tpu.memref_slice %arg2[%add3A, %dma_wait3A_155, %dma_wait3A_156] : memref<32x80x128xi32, #tpu.memory_space<hbm>> -> memref<1x40x128xi32, #tpu.memory_space<hbm>>
      %dma_wait3A_158 = tpu.memref_squeeze %dma_wait3A_157 : memref<1x40x128xi32, #tpu.memory_space<hbm>> -> memref<40x128xi32, #tpu.memory_space<hbm>>
      %dma_wait3A_159 = arith.constant 0 : i32
      %dma_wait3A_160 = arith.constant 0 : i32
      %dma_wait3A_161 = tpu.memref_slice %arg2[%add3A, %dma_wait3A_159, %dma_wait3A_160] : memref<32x80x128xi32, #tpu.memory_space<hbm>> -> memref<1x40x128xi32, #tpu.memory_space<hbm>>
      %dma_wait3A_162 = tpu.memref_squeeze %dma_wait3A_161 : memref<1x40x128xi32, #tpu.memory_space<hbm>> -> memref<40x128xi32, #tpu.memory_space<hbm>>
      tpu.wait_dma2 semaphore(%run_scoped3A_146 : memref<!tpu.dma_semaphore, #tpu.memory_space<semaphore_mem>>) src(%dma_wait3A_162 : memref<40x128xi32, #tpu.memory_space<hbm>>) dst(%arg6 : memref<40x128xi32, #tpu.memory_space<vmem>>)
      tpu.yield
    }) : () -> ()
    "tpu.region"() ({
      %run_scoped3A_146 = tpu.sem_alloc : memref<!tpu.dma_semaphore, #tpu.memory_space<semaphore_mem>>
      %dma_start3A_147 = arith.constant 0 : i32
      %dma_start3A_148 = arith.constant 0 : i32
      %dma_start3A_149 = tpu.memref_slice %arg3[%add3A, %dma_start3A_147, %dma_start3A_148] : memref<32x80x128xi32, #tpu.memory_space<hbm>> -> memref<1x40x128xi32, #tpu.memory_space<hbm>>
      %dma_start3A_150 = tpu.memref_squeeze %dma_start3A_149 : memref<1x40x128xi32, #tpu.memory_space<hbm>> -> memref<40x128xi32, #tpu.memory_space<hbm>>
      %dma_start3A_151 = arith.constant 0 : i32
      %dma_start3A_152 = arith.constant 0 : i32
      %dma_start3A_153 = tpu.memref_slice %arg3[%add3A, %dma_start3A_151, %dma_start3A_152] : memref<32x80x128xi32, #tpu.memory_space<hbm>> -> memref<1x40x128xi32, #tpu.memory_space<hbm>>
      %dma_start3A_154 = tpu.memref_squeeze %dma_start3A_153 : memref<1x40x128xi32, #tpu.memory_space<hbm>> -> memref<40x128xi32, #tpu.memory_space<hbm>>
      tpu.enqueue_dma source(%dma_start3A_154 : memref<40x128xi32, #tpu.memory_space<hbm>>) target(%arg7 : memref<40x128xi32, #tpu.memory_space<vmem>>) target_semaphore(%run_scoped3A_146 : memref<!tpu.dma_semaphore, #tpu.memory_space<semaphore_mem>>)
      %dma_wait3A_155 = arith.constant 0 : i32
      %dma_wait3A_156 = arith.constant 0 : i32
      %dma_wait3A_157 = tpu.memref_slice %arg3[%add3A, %dma_wait3A_155, %dma_wait3A_156] : memref<32x80x128xi32, #tpu.memory_space<hbm>> -> memref<1x40x128xi32, #tpu.memory_space<hbm>>
      %dma_wait3A_158 = tpu.memref_squeeze %dma_wait3A_157 : memref<1x40x128xi32, #tpu.memory_space<hbm>> -> memref<40x128xi32, #tpu.memory_space<hbm>>
      %dma_wait3A_159 = arith.constant 0 : i32
      %dma_wait3A_160 = arith.constant 0 : i32
      %dma_wait3A_161 = tpu.memref_slice %arg3[%add3A, %dma_wait3A_159, %dma_wait3A_160] : memref<32x80x128xi32, #tpu.memory_space<hbm>> -> memref<1x40x128xi32, #tpu.memory_space<hbm>>
      %dma_wait3A_162 = tpu.memref_squeeze %dma_wait3A_161 : memref<1x40x128xi32, #tpu.memory_space<hbm>> -> memref<40x128xi32, #tpu.memory_space<hbm>>
      tpu.wait_dma2 semaphore(%run_scoped3A_146 : memref<!tpu.dma_semaphore, #tpu.memory_space<semaphore_mem>>) src(%dma_wait3A_162 : memref<40x128xi32, #tpu.memory_space<hbm>>) dst(%arg7 : memref<40x128xi32, #tpu.memory_space<vmem>>)
      tpu.yield
    }) : () -> ()
    %dma_start3A = arith.constant 0 : i32
    %dma_start3A_29 = arith.constant 0 : i32
    %dma_start3A_30 = arith.constant 0 : i32
    %dma_start3A_31 = arith.constant 0 : i32
    %dma_start3A_32 = tpu.memref_slice %arg8[%dma_start3A_29, %dma_start3A_30, %dma_start3A_31] : memref<2x128x128xf32, #tpu.memory_space<vmem>> -> memref<1x128x128xf32, #tpu.memory_space<vmem>>
    %dma_start3A_33 = tpu.memref_squeeze %dma_start3A_32 : memref<1x128x128xf32, #tpu.memory_space<vmem>> -> memref<128x128xf32, #tpu.memory_space<vmem>>
    %dma_start3A_34 = arith.constant 0 : i32
    %dma_start3A_35 = tpu.memref_slice %arg6[%dma_start3A, %dma_start3A_34] : memref<40x128xi32, #tpu.memory_space<vmem>> -> memref<1x128xi32, #tpu.memory_space<vmem>>
    %dma_start3A_36 = tpu.memref_squeeze %dma_start3A_35 : memref<1x128xi32, #tpu.memory_space<vmem>> -> memref<128xi32, #tpu.memory_space<vmem>>
    %dma_start3A_37 = arith.constant 0 : i32
    %dma_start3A_38 = arith.constant 0 : i32
    %dma_start3A_39 = tpu.memref_slice %arg4[%dma_start3A_37, %dma_start3A_38] : memref<10240x128xf32, #tpu.memory_space<hbm>> -> memref<10240x128xf32, #tpu.memory_space<hbm>>
    tpu.enqueue_indirect_dma source(%dma_start3A_39 : memref<10240x128xf32, #tpu.memory_space<hbm>>) target(%dma_start3A_33 : memref<128x128xf32, #tpu.memory_space<vmem>>) offsets(%dma_start3A_36 : memref<128xi32, #tpu.memory_space<vmem>>) semaphore(%arg10 : memref<!tpu.dma_semaphore, #tpu.memory_space<semaphore_mem>>)
    %dma_start3A_40 = arith.constant 1 : i32
    %dma_start3A_41 = arith.constant 1 : i32
    %dma_start3A_42 = arith.constant 0 : i32
    %dma_start3A_43 = arith.constant 0 : i32
    %dma_start3A_44 = tpu.memref_slice %arg8[%dma_start3A_41, %dma_start3A_42, %dma_start3A_43] : memref<2x128x128xf32, #tpu.memory_space<vmem>> -> memref<1x128x128xf32, #tpu.memory_space<vmem>>
    %dma_start3A_45 = tpu.memref_squeeze %dma_start3A_44 : memref<1x128x128xf32, #tpu.memory_space<vmem>> -> memref<128x128xf32, #tpu.memory_space<vmem>>
    %dma_start3A_46 = arith.constant 0 : i32
    %dma_start3A_47 = tpu.memref_slice %arg6[%dma_start3A_40, %dma_start3A_46] : memref<40x128xi32, #tpu.memory_space<vmem>> -> memref<1x128xi32, #tpu.memory_space<vmem>>
    %dma_start3A_48 = tpu.memref_squeeze %dma_start3A_47 : memref<1x128xi32, #tpu.memory_space<vmem>> -> memref<128xi32, #tpu.memory_space<vmem>>
    %dma_start3A_49 = arith.constant 0 : i32
    %dma_start3A_50 = arith.constant 0 : i32
    %dma_start3A_51 = tpu.memref_slice %arg4[%dma_start3A_49, %dma_start3A_50] : memref<10240x128xf32, #tpu.memory_space<hbm>> -> memref<10240x128xf32, #tpu.memory_space<hbm>>
    tpu.enqueue_indirect_dma source(%dma_start3A_51 : memref<10240x128xf32, #tpu.memory_space<hbm>>) target(%dma_start3A_45 : memref<128x128xf32, #tpu.memory_space<vmem>>) offsets(%dma_start3A_48 : memref<128xi32, #tpu.memory_space<vmem>>) semaphore(%arg11 : memref<!tpu.dma_semaphore, #tpu.memory_space<semaphore_mem>>)
    %scan3A_52 = arith.constant 0 : i32
    %scan3A_53 = arith.constant 19 : i32
    %scan3A_54 = arith.addi %scan3A_52, %scan3A_53 : i32
    %scan3A_55 = arith.constant 1 : i32
    scf.for %scan3A_146 = %scan3A_52 to %scan3A_54 step %scan3A_55  : i32 {
      %mul3A_147 = arith.constant 2 : i32
      %mul3A_148 = arith.muli %scan3A_146, %mul3A_147 : i32
      %add3A_149 = arith.constant 0 : i32
      %add3A_150 = arith.addi %mul3A_148, %add3A_149 : i32
      %dma_wait3A_151 = arith.constant 0 : i32
      %dma_wait3A_152 = arith.constant 0 : i32
      %dma_wait3A_153 = arith.constant 0 : i32
      %dma_wait3A_154 = tpu.memref_slice %arg8[%dma_wait3A_151, %dma_wait3A_152, %dma_wait3A_153] : memref<2x128x128xf32, #tpu.memory_space<vmem>> -> memref<1x128x128xf32, #tpu.memory_space<vmem>>
      %dma_wait3A_155 = tpu.memref_squeeze %dma_wait3A_154 : memref<1x128x128xf32, #tpu.memory_space<vmem>> -> memref<128x128xf32, #tpu.memory_space<vmem>>
      %dma_wait3A_156 = arith.constant 0 : i32
      %dma_wait3A_157 = tpu.memref_slice %arg6[%add3A_150, %dma_wait3A_156] : memref<40x128xi32, #tpu.memory_space<vmem>> -> memref<1x128xi32, #tpu.memory_space<vmem>>
      %dma_wait3A_158 = tpu.memref_squeeze %dma_wait3A_157 : memref<1x128xi32, #tpu.memory_space<vmem>> -> memref<128xi32, #tpu.memory_space<vmem>>
      %dma_wait3A_159 = arith.constant 0 : i32
      %dma_wait3A_160 = arith.constant 0 : i32
      %dma_wait3A_161 = tpu.memref_slice %arg4[%dma_wait3A_159, %dma_wait3A_160] : memref<10240x128xf32, #tpu.memory_space<hbm>> -> memref<10240x128xf32, #tpu.memory_space<hbm>>
      tpu.wait_indirect_dma semaphore(%arg10 : memref<!tpu.dma_semaphore, #tpu.memory_space<semaphore_mem>>) src(%dma_wait3A_161 : memref<10240x128xf32, #tpu.memory_space<hbm>>) dst(%dma_wait3A_155 : memref<128x128xf32, #tpu.memory_space<vmem>>)
      %add3A_162 = arith.constant 0 : i32
      %add3A_163 = arith.addi %mul3A_148, %add3A_162 : i32
      %run_scoped3A_164 = arith.constant 0 : i32
      "tpu.region"() ({
        %run_scoped3A_211 = tpu.sem_alloc : memref<!tpu.dma_semaphore, #tpu.memory_space<semaphore_mem>>
        %dma_start3A_212 = arith.constant 0 : i32
        %dma_start3A_213 = arith.constant 0 : i32
        %dma_start3A_214 = tpu.memref_slice %arg8[%run_scoped3A_164, %dma_start3A_212, %dma_start3A_213] : memref<2x128x128xf32, #tpu.memory_space<vmem>> -> memref<1x128x128xf32, #tpu.memory_space<vmem>>
        %dma_start3A_215 = tpu.memref_squeeze %dma_start3A_214 : memref<1x128x128xf32, #tpu.memory_space<vmem>> -> memref<128x128xf32, #tpu.memory_space<vmem>>
        %dma_start3A_216 = arith.constant 0 : i32
        %dma_start3A_217 = tpu.memref_slice %arg7[%add3A_163, %dma_start3A_216] : memref<40x128xi32, #tpu.memory_space<vmem>> -> memref<1x128xi32, #tpu.memory_space<vmem>>
        %dma_start3A_218 = tpu.memref_squeeze %dma_start3A_217 : memref<1x128xi32, #tpu.memory_space<vmem>> -> memref<128xi32, #tpu.memory_space<vmem>>
        %dma_start3A_219 = arith.constant 0 : i32
        %dma_start3A_220 = arith.constant 0 : i32
        %dma_start3A_221 = tpu.memref_slice %arg9[%dma_start3A_219, %dma_start3A_220] : memref<10240x128xf32, #tpu.memory_space<vmem_shared>> -> memref<10240x128xf32, #tpu.memory_space<vmem_shared>>
        tpu.enqueue_indirect_dma source(%dma_start3A_215 : memref<128x128xf32, #tpu.memory_space<vmem>>) target(%dma_start3A_221 : memref<10240x128xf32, #tpu.memory_space<vmem_shared>>) offsets(%dma_start3A_218 : memref<128xi32, #tpu.memory_space<vmem>>) semaphore(%run_scoped3A_211 : memref<!tpu.dma_semaphore, #tpu.memory_space<semaphore_mem>>) {add = true}
        %dma_wait3A_222 = arith.constant 0 : i32
        %dma_wait3A_223 = arith.constant 0 : i32
        %dma_wait3A_224 = tpu.memref_slice %arg8[%run_scoped3A_164, %dma_wait3A_222, %dma_wait3A_223] : memref<2x128x128xf32, #tpu.memory_space<vmem>> -> memref<1x128x128xf32, #tpu.memory_space<vmem>>
        %dma_wait3A_225 = tpu.memref_squeeze %dma_wait3A_224 : memref<1x128x128xf32, #tpu.memory_space<vmem>> -> memref<128x128xf32, #tpu.memory_space<vmem>>
        %dma_wait3A_226 = arith.constant 0 : i32
        %dma_wait3A_227 = tpu.memref_slice %arg7[%add3A_163, %dma_wait3A_226] : memref<40x128xi32, #tpu.memory_space<vmem>> -> memref<1x128xi32, #tpu.memory_space<vmem>>
        %dma_wait3A_228 = tpu.memref_squeeze %dma_wait3A_227 : memref<1x128xi32, #tpu.memory_space<vmem>> -> memref<128xi32, #tpu.memory_space<vmem>>
        %dma_wait3A_229 = arith.constant 0 : i32
        %dma_wait3A_230 = arith.constant 0 : i32
        %dma_wait3A_231 = tpu.memref_slice %arg9[%dma_wait3A_229, %dma_wait3A_230] : memref<10240x128xf32, #tpu.memory_space<vmem_shared>> -> memref<10240x128xf32, #tpu.memory_space<vmem_shared>>
        tpu.wait_indirect_dma semaphore(%run_scoped3A_211 : memref<!tpu.dma_semaphore, #tpu.memory_space<semaphore_mem>>) src(%dma_wait3A_225 : memref<128x128xf32, #tpu.memory_space<vmem>>) dst(%dma_wait3A_231 : memref<10240x128xf32, #tpu.memory_space<vmem_shared>>)
        tpu.yield
      }) : () -> ()
      %add3A_165 = arith.constant 2 : i32
      %add3A_166 = arith.addi %mul3A_148, %add3A_165 : i32
      %add3A_167 = arith.constant 0 : i32
      %add3A_168 = arith.addi %add3A_166, %add3A_167 : i32
      %dma_start3A_169 = arith.constant 0 : i32
      %dma_start3A_170 = arith.constant 0 : i32
      %dma_start3A_171 = arith.constant 0 : i32
      %dma_start3A_172 = tpu.memref_slice %arg8[%dma_start3A_169, %dma_start3A_170, %dma_start3A_171] : memref<2x128x128xf32, #tpu.memory_space<vmem>> -> memref<1x128x128xf32, #tpu.memory_space<vmem>>
      %dma_start3A_173 = tpu.memref_squeeze %dma_start3A_172 : memref<1x128x128xf32, #tpu.memory_space<vmem>> -> memref<128x128xf32, #tpu.memory_space<vmem>>
      %dma_start3A_174 = arith.constant 0 : i32
      %dma_start3A_175 = tpu.memref_slice %arg6[%add3A_168, %dma_start3A_174] : memref<40x128xi32, #tpu.memory_space<vmem>> -> memref<1x128xi32, #tpu.memory_space<vmem>>
      %dma_start3A_176 = tpu.memref_squeeze %dma_start3A_175 : memref<1x128xi32, #tpu.memory_space<vmem>> -> memref<128xi32, #tpu.memory_space<vmem>>
      %dma_start3A_177 = arith.constant 0 : i32
      %dma_start3A_178 = arith.constant 0 : i32
      %dma_start3A_179 = tpu.memref_slice %arg4[%dma_start3A_177, %dma_start3A_178] : memref<10240x128xf32, #tpu.memory_space<hbm>> -> memref<10240x128xf32, #tpu.memory_space<hbm>>
      tpu.enqueue_indirect_dma source(%dma_start3A_179 : memref<10240x128xf32, #tpu.memory_space<hbm>>) target(%dma_start3A_173 : memref<128x128xf32, #tpu.memory_space<vmem>>) offsets(%dma_start3A_176 : memref<128xi32, #tpu.memory_space<vmem>>) semaphore(%arg10 : memref<!tpu.dma_semaphore, #tpu.memory_space<semaphore_mem>>)
      %add3A_180 = arith.constant 1 : i32
      %add3A_181 = arith.addi %mul3A_148, %add3A_180 : i32
      %dma_wait3A_182 = arith.constant 1 : i32
      %dma_wait3A_183 = arith.constant 0 : i32
      %dma_wait3A_184 = arith.constant 0 : i32
      %dma_wait3A_185 = tpu.memref_slice %arg8[%dma_wait3A_182, %dma_wait3A_183, %dma_wait3A_184] : memref<2x128x128xf32, #tpu.memory_space<vmem>> -> memref<1x128x128xf32, #tpu.memory_space<vmem>>
      %dma_wait3A_186 = tpu.memref_squeeze %dma_wait3A_185 : memref<1x128x128xf32, #tpu.memory_space<vmem>> -> memref<128x128xf32, #tpu.memory_space<vmem>>
      %dma_wait3A_187 = arith.constant 0 : i32
      %dma_wait3A_188 = tpu.memref_slice %arg6[%add3A_181, %dma_wait3A_187] : memref<40x128xi32, #tpu.memory_space<vmem>> -> memref<1x128xi32, #tpu.memory_space<vmem>>
      %dma_wait3A_189 = tpu.memref_squeeze %dma_wait3A_188 : memref<1x128xi32, #tpu.memory_space<vmem>> -> memref<128xi32, #tpu.memory_space<vmem>>
      %dma_wait3A_190 = arith.constant 0 : i32
      %dma_wait3A_191 = arith.constant 0 : i32
      %dma_wait3A_192 = tpu.memref_slice %arg4[%dma_wait3A_190, %dma_wait3A_191] : memref<10240x128xf32, #tpu.memory_space<hbm>> -> memref<10240x128xf32, #tpu.memory_space<hbm>>
      tpu.wait_indirect_dma semaphore(%arg11 : memref<!tpu.dma_semaphore, #tpu.memory_space<semaphore_mem>>) src(%dma_wait3A_192 : memref<10240x128xf32, #tpu.memory_space<hbm>>) dst(%dma_wait3A_186 : memref<128x128xf32, #tpu.memory_space<vmem>>)
      %add3A_193 = arith.constant 1 : i32
      %add3A_194 = arith.addi %mul3A_148, %add3A_193 : i32
      %run_scoped3A_195 = arith.constant 1 : i32
      "tpu.region"() ({
        %run_scoped3A_211 = tpu.sem_alloc : memref<!tpu.dma_semaphore, #tpu.memory_space<semaphore_mem>>
        %dma_start3A_212 = arith.constant 0 : i32
        %dma_start3A_213 = arith.constant 0 : i32
        %dma_start3A_214 = tpu.memref_slice %arg8[%run_scoped3A_195, %dma_start3A_212, %dma_start3A_213] : memref<2x128x128xf32, #tpu.memory_space<vmem>> -> memref<1x128x128xf32, #tpu.memory_space<vmem>>
        %dma_start3A_215 = tpu.memref_squeeze %dma_start3A_214 : memref<1x128x128xf32, #tpu.memory_space<vmem>> -> memref<128x128xf32, #tpu.memory_space<vmem>>
        %dma_start3A_216 = arith.constant 0 : i32
        %dma_start3A_217 = tpu.memref_slice %arg7[%add3A_194, %dma_start3A_216] : memref<40x128xi32, #tpu.memory_space<vmem>> -> memref<1x128xi32, #tpu.memory_space<vmem>>
        %dma_start3A_218 = tpu.memref_squeeze %dma_start3A_217 : memref<1x128xi32, #tpu.memory_space<vmem>> -> memref<128xi32, #tpu.memory_space<vmem>>
        %dma_start3A_219 = arith.constant 0 : i32
        %dma_start3A_220 = arith.constant 0 : i32
        %dma_start3A_221 = tpu.memref_slice %arg9[%dma_start3A_219, %dma_start3A_220] : memref<10240x128xf32, #tpu.memory_space<vmem_shared>> -> memref<10240x128xf32, #tpu.memory_space<vmem_shared>>
        tpu.enqueue_indirect_dma source(%dma_start3A_215 : memref<128x128xf32, #tpu.memory_space<vmem>>) target(%dma_start3A_221 : memref<10240x128xf32, #tpu.memory_space<vmem_shared>>) offsets(%dma_start3A_218 : memref<128xi32, #tpu.memory_space<vmem>>) semaphore(%run_scoped3A_211 : memref<!tpu.dma_semaphore, #tpu.memory_space<semaphore_mem>>) {add = true}
        %dma_wait3A_222 = arith.constant 0 : i32
        %dma_wait3A_223 = arith.constant 0 : i32
        %dma_wait3A_224 = tpu.memref_slice %arg8[%run_scoped3A_195, %dma_wait3A_222, %dma_wait3A_223] : memref<2x128x128xf32, #tpu.memory_space<vmem>> -> memref<1x128x128xf32, #tpu.memory_space<vmem>>
        %dma_wait3A_225 = tpu.memref_squeeze %dma_wait3A_224 : memref<1x128x128xf32, #tpu.memory_space<vmem>> -> memref<128x128xf32, #tpu.memory_space<vmem>>
        %dma_wait3A_226 = arith.constant 0 : i32
        %dma_wait3A_227 = tpu.memref_slice %arg7[%add3A_194, %dma_wait3A_226] : memref<40x128xi32, #tpu.memory_space<vmem>> -> memref<1x128xi32, #tpu.memory_space<vmem>>
        %dma_wait3A_228 = tpu.memref_squeeze %dma_wait3A_227 : memref<1x128xi32, #tpu.memory_space<vmem>> -> memref<128xi32, #tpu.memory_space<vmem>>
        %dma_wait3A_229 = arith.constant 0 : i32
        %dma_wait3A_230 = arith.constant 0 : i32
        %dma_wait3A_231 = tpu.memref_slice %arg9[%dma_wait3A_229, %dma_wait3A_230] : memref<10240x128xf32, #tpu.memory_space<vmem_shared>> -> memref<10240x128xf32, #tpu.memory_space<vmem_shared>>
        tpu.wait_indirect_dma semaphore(%run_scoped3A_211 : memref<!tpu.dma_semaphore, #tpu.memory_space<semaphore_mem>>) src(%dma_wait3A_225 : memref<128x128xf32, #tpu.memory_space<vmem>>) dst(%dma_wait3A_231 : memref<10240x128xf32, #tpu.memory_space<vmem_shared>>)
        tpu.yield
      }) : () -> ()
      %add3A_196 = arith.constant 2 : i32
      %add3A_197 = arith.addi %mul3A_148, %add3A_196 : i32
      %add3A_198 = arith.constant 1 : i32
      %add3A_199 = arith.addi %add3A_197, %add3A_198 : i32
      %dma_start3A_200 = arith.constant 1 : i32
      %dma_start3A_201 = arith.constant 0 : i32
      %dma_start3A_202 = arith.constant 0 : i32
      %dma_start3A_203 = tpu.memref_slice %arg8[%dma_start3A_200, %dma_start3A_201, %dma_start3A_202] : memref<2x128x128xf32, #tpu.memory_space<vmem>> -> memref<1x128x128xf32, #tpu.memory_space<vmem>>
      %dma_start3A_204 = tpu.memref_squeeze %dma_start3A_203 : memref<1x128x128xf32, #tpu.memory_space<vmem>> -> memref<128x128xf32, #tpu.memory_space<vmem>>
      %dma_start3A_205 = arith.constant 0 : i32
      %dma_start3A_206 = tpu.memref_slice %arg6[%add3A_199, %dma_start3A_205] : memref<40x128xi32, #tpu.memory_space<vmem>> -> memref<1x128xi32, #tpu.memory_space<vmem>>
      %dma_start3A_207 = tpu.memref_squeeze %dma_start3A_206 : memref<1x128xi32, #tpu.memory_space<vmem>> -> memref<128xi32, #tpu.memory_space<vmem>>
      %dma_start3A_208 = arith.constant 0 : i32
      %dma_start3A_209 = arith.constant 0 : i32
      %dma_start3A_210 = tpu.memref_slice %arg4[%dma_start3A_208, %dma_start3A_209] : memref<10240x128xf32, #tpu.memory_space<hbm>> -> memref<10240x128xf32, #tpu.memory_space<hbm>>
      tpu.enqueue_indirect_dma source(%dma_start3A_210 : memref<10240x128xf32, #tpu.memory_space<hbm>>) target(%dma_start3A_204 : memref<128x128xf32, #tpu.memory_space<vmem>>) offsets(%dma_start3A_207 : memref<128xi32, #tpu.memory_space<vmem>>) semaphore(%arg11 : memref<!tpu.dma_semaphore, #tpu.memory_space<semaphore_mem>>)
    }
    %scan3A_56 = arith.constant 19 : i32
    %dma_wait3A = arith.constant 38 : i32
    %dma_wait3A_57 = arith.constant 0 : i32
    %dma_wait3A_58 = arith.constant 0 : i32
    %dma_wait3A_59 = arith.constant 0 : i32
    %dma_wait3A_60 = tpu.memref_slice %arg8[%dma_wait3A_57, %dma_wait3A_58, %dma_wait3A_59] : memref<2x128x128xf32, #tpu.memory_space<vmem>> -> memref<1x128x128xf32, #tpu.memory_space<vmem>>
    %dma_wait3A_61 = tpu.memref_squeeze %dma_wait3A_60 : memref<1x128x128xf32, #tpu.memory_space<vmem>> -> memref<128x128xf32, #tpu.memory_space<vmem>>
    %dma_wait3A_62 = arith.constant 0 : i32
    %dma_wait3A_63 = tpu.memref_slice %arg6[%dma_wait3A, %dma_wait3A_62] : memref<40x128xi32, #tpu.memory_space<vmem>> -> memref<1x128xi32, #tpu.memory_space<vmem>>
    %dma_wait3A_64 = tpu.memref_squeeze %dma_wait3A_63 : memref<1x128xi32, #tpu.memory_space<vmem>> -> memref<128xi32, #tpu.memory_space<vmem>>
    %dma_wait3A_65 = arith.constant 0 : i32
    %dma_wait3A_66 = arith.constant 0 : i32
    %dma_wait3A_67 = tpu.memref_slice %arg4[%dma_wait3A_65, %dma_wait3A_66] : memref<10240x128xf32, #tpu.memory_space<hbm>> -> memref<10240x128xf32, #tpu.memory_space<hbm>>
    tpu.wait_indirect_dma semaphore(%arg10 : memref<!tpu.dma_semaphore, #tpu.memory_space<semaphore_mem>>) src(%dma_wait3A_67 : memref<10240x128xf32, #tpu.memory_space<hbm>>) dst(%dma_wait3A_61 : memref<128x128xf32, #tpu.memory_space<vmem>>)
    %run_scoped3A_68 = arith.constant 0 : i32
    %run_scoped3A_69 = arith.constant 38 : i32
    "tpu.region"() ({
      %run_scoped3A_146 = tpu.sem_alloc : memref<!tpu.dma_semaphore, #tpu.memory_space<semaphore_mem>>
      %dma_start3A_147 = arith.constant 0 : i32
      %dma_start3A_148 = arith.constant 0 : i32
      %dma_start3A_149 = tpu.memref_slice %arg8[%run_scoped3A_68, %dma_start3A_147, %dma_start3A_148] : memref<2x128x128xf32, #tpu.memory_space<vmem>> -> memref<1x128x128xf32, #tpu.memory_space<vmem>>
      %dma_start3A_150 = tpu.memref_squeeze %dma_start3A_149 : memref<1x128x128xf32, #tpu.memory_space<vmem>> -> memref<128x128xf32, #tpu.memory_space<vmem>>
      %dma_start3A_151 = arith.constant 0 : i32
      %dma_start3A_152 = tpu.memref_slice %arg7[%run_scoped3A_69, %dma_start3A_151] : memref<40x128xi32, #tpu.memory_space<vmem>> -> memref<1x128xi32, #tpu.memory_space<vmem>>
      %dma_start3A_153 = tpu.memref_squeeze %dma_start3A_152 : memref<1x128xi32, #tpu.memory_space<vmem>> -> memref<128xi32, #tpu.memory_space<vmem>>
      %dma_start3A_154 = arith.constant 0 : i32
      %dma_start3A_155 = arith.constant 0 : i32
      %dma_start3A_156 = tpu.memref_slice %arg9[%dma_start3A_154, %dma_start3A_155] : memref<10240x128xf32, #tpu.memory_space<vmem_shared>> -> memref<10240x128xf32, #tpu.memory_space<vmem_shared>>
      tpu.enqueue_indirect_dma source(%dma_start3A_150 : memref<128x128xf32, #tpu.memory_space<vmem>>) target(%dma_start3A_156 : memref<10240x128xf32, #tpu.memory_space<vmem_shared>>) offsets(%dma_start3A_153 : memref<128xi32, #tpu.memory_space<vmem>>) semaphore(%run_scoped3A_146 : memref<!tpu.dma_semaphore, #tpu.memory_space<semaphore_mem>>) {add = true}
      %dma_wait3A_157 = arith.constant 0 : i32
      %dma_wait3A_158 = arith.constant 0 : i32
      %dma_wait3A_159 = tpu.memref_slice %arg8[%run_scoped3A_68, %dma_wait3A_157, %dma_wait3A_158] : memref<2x128x128xf32, #tpu.memory_space<vmem>> -> memref<1x128x128xf32, #tpu.memory_space<vmem>>
      %dma_wait3A_160 = tpu.memref_squeeze %dma_wait3A_159 : memref<1x128x128xf32, #tpu.memory_space<vmem>> -> memref<128x128xf32, #tpu.memory_space<vmem>>
      %dma_wait3A_161 = arith.constant 0 : i32
      %dma_wait3A_162 = tpu.memref_slice %arg7[%run_scoped3A_69, %dma_wait3A_161] : memref<40x128xi32, #tpu.memory_space<vmem>> -> memref<1x128xi32, #tpu.memory_space<vmem>>
      %dma_wait3A_163 = tpu.memref_squeeze %dma_wait3A_162 : memref<1x128xi32, #tpu.memory_space<vmem>> -> memref<128xi32, #tpu.memory_space<vmem>>
      %dma_wait3A_164 = arith.constant 0 : i32
      %dma_wait3A_165 = arith.constant 0 : i32
      %dma_wait3A_166 = tpu.memref_slice %arg9[%dma_wait3A_164, %dma_wait3A_165] : memref<10240x128xf32, #tpu.memory_space<vmem_shared>> -> memref<10240x128xf32, #tpu.memory_space<vmem_shared>>
      tpu.wait_indirect_dma semaphore(%run_scoped3A_146 : memref<!tpu.dma_semaphore, #tpu.memory_space<semaphore_mem>>) src(%dma_wait3A_160 : memref<128x128xf32, #tpu.memory_space<vmem>>) dst(%dma_wait3A_166 : memref<10240x128xf32, #tpu.memory_space<vmem_shared>>)
      tpu.yield
    }) : () -> ()
    %dma_wait3A_70 = arith.constant 39 : i32
    %dma_wait3A_71 = arith.constant 1 : i32
    %dma_wait3A_72 = arith.constant 0 : i32
    %dma_wait3A_73 = arith.constant 0 : i32
    %dma_wait3A_74 = tpu.memref_slice %arg8[%dma_wait3A_71, %dma_wait3A_72, %dma_wait3A_73] : memref<2x128x128xf32, #tpu.memory_space<vmem>> -> memref<1x128x128xf32, #tpu.memory_space<vmem>>
    %dma_wait3A_75 = tpu.memref_squeeze %dma_wait3A_74 : memref<1x128x128xf32, #tpu.memory_space<vmem>> -> memref<128x128xf32, #tpu.memory_space<vmem>>
    %dma_wait3A_76 = arith.constant 0 : i32
    %dma_wait3A_77 = tpu.memref_slice %arg6[%dma_wait3A_70, %dma_wait3A_76] : memref<40x128xi32, #tpu.memory_space<vmem>> -> memref<1x128xi32, #tpu.memory_space<vmem>>
    %dma_wait3A_78 = tpu.memref_squeeze %dma_wait3A_77 : memref<1x128xi32, #tpu.memory_space<vmem>> -> memref<128xi32, #tpu.memory_space<vmem>>
    %dma_wait3A_79 = arith.constant 0 : i32
    %dma_wait3A_80 = arith.constant 0 : i32
    %dma_wait3A_81 = tpu.memref_slice %arg4[%dma_wait3A_79, %dma_wait3A_80] : memref<10240x128xf32, #tpu.memory_space<hbm>> -> memref<10240x128xf32, #tpu.memory_space<hbm>>
    tpu.wait_indirect_dma semaphore(%arg11 : memref<!tpu.dma_semaphore, #tpu.memory_space<semaphore_mem>>) src(%dma_wait3A_81 : memref<10240x128xf32, #tpu.memory_space<hbm>>) dst(%dma_wait3A_75 : memref<128x128xf32, #tpu.memory_space<vmem>>)
    %run_scoped3A_82 = arith.constant 1 : i32
    %run_scoped3A_83 = arith.constant 39 : i32
    "tpu.region"() ({
      %run_scoped3A_146 = tpu.sem_alloc : memref<!tpu.dma_semaphore, #tpu.memory_space<semaphore_mem>>
      %dma_start3A_147 = arith.constant 0 : i32
      %dma_start3A_148 = arith.constant 0 : i32
      %dma_start3A_149 = tpu.memref_slice %arg8[%run_scoped3A_82, %dma_start3A_147, %dma_start3A_148] : memref<2x128x128xf32, #tpu.memory_space<vmem>> -> memref<1x128x128xf32, #tpu.memory_space<vmem>>
      %dma_start3A_150 = tpu.memref_squeeze %dma_start3A_149 : memref<1x128x128xf32, #tpu.memory_space<vmem>> -> memref<128x128xf32, #tpu.memory_space<vmem>>
      %dma_start3A_151 = arith.constant 0 : i32
      %dma_start3A_152 = tpu.memref_slice %arg7[%run_scoped3A_83, %dma_start3A_151] : memref<40x128xi32, #tpu.memory_space<vmem>> -> memref<1x128xi32, #tpu.memory_space<vmem>>
      %dma_start3A_153 = tpu.memref_squeeze %dma_start3A_152 : memref<1x128xi32, #tpu.memory_space<vmem>> -> memref<128xi32, #tpu.memory_space<vmem>>
      %dma_start3A_154 = arith.constant 0 : i32
      %dma_start3A_155 = arith.constant 0 : i32
      %dma_start3A_156 = tpu.memref_slice %arg9[%dma_start3A_154, %dma_start3A_155] : memref<10240x128xf32, #tpu.memory_space<vmem_shared>> -> memref<10240x128xf32, #tpu.memory_space<vmem_shared>>
      tpu.enqueue_indirect_dma source(%dma_start3A_150 : memref<128x128xf32, #tpu.memory_space<vmem>>) target(%dma_start3A_156 : memref<10240x128xf32, #tpu.memory_space<vmem_shared>>) offsets(%dma_start3A_153 : memref<128xi32, #tpu.memory_space<vmem>>) semaphore(%run_scoped3A_146 : memref<!tpu.dma_semaphore, #tpu.memory_space<semaphore_mem>>) {add = true}
      %dma_wait3A_157 = arith.constant 0 : i32
      %dma_wait3A_158 = arith.constant 0 : i32
      %dma_wait3A_159 = tpu.memref_slice %arg8[%run_scoped3A_82, %dma_wait3A_157, %dma_wait3A_158] : memref<2x128x128xf32, #tpu.memory_space<vmem>> -> memref<1x128x128xf32, #tpu.memory_space<vmem>>
      %dma_wait3A_160 = tpu.memref_squeeze %dma_wait3A_159 : memref<1x128x128xf32, #tpu.memory_space<vmem>> -> memref<128x128xf32, #tpu.memory_space<vmem>>
      %dma_wait3A_161 = arith.constant 0 : i32
      %dma_wait3A_162 = tpu.memref_slice %arg7[%run_scoped3A_83, %dma_wait3A_161] : memref<40x128xi32, #tpu.memory_space<vmem>> -> memref<1x128xi32, #tpu.memory_space<vmem>>
      %dma_wait3A_163 = tpu.memref_squeeze %dma_wait3A_162 : memref<1x128xi32, #tpu.memory_space<vmem>> -> memref<128xi32, #tpu.memory_space<vmem>>
      %dma_wait3A_164 = arith.constant 0 : i32
      %dma_wait3A_165 = arith.constant 0 : i32
      %dma_wait3A_166 = tpu.memref_slice %arg9[%dma_wait3A_164, %dma_wait3A_165] : memref<10240x128xf32, #tpu.memory_space<vmem_shared>> -> memref<10240x128xf32, #tpu.memory_space<vmem_shared>>
      tpu.wait_indirect_dma semaphore(%run_scoped3A_146 : memref<!tpu.dma_semaphore, #tpu.memory_space<semaphore_mem>>) src(%dma_wait3A_160 : memref<128x128xf32, #tpu.memory_space<vmem>>) dst(%dma_wait3A_166 : memref<10240x128xf32, #tpu.memory_space<vmem_shared>>)
      tpu.yield
    }) : () -> ()
    "tpu.region"() ({
      %run_scoped3A_146 = tpu.sem_alloc : memref<!tpu.dma_semaphore, #tpu.memory_space<semaphore_mem>>
      %dma_start3A_147 = arith.constant 40 : i32
      %dma_start3A_148 = arith.constant 0 : i32
      %dma_start3A_149 = tpu.memref_slice %arg2[%add3A, %dma_start3A_147, %dma_start3A_148] : memref<32x80x128xi32, #tpu.memory_space<hbm>> -> memref<1x40x128xi32, #tpu.memory_space<hbm>>
      %dma_start3A_150 = tpu.memref_squeeze %dma_start3A_149 : memref<1x40x128xi32, #tpu.memory_space<hbm>> -> memref<40x128xi32, #tpu.memory_space<hbm>>
      %dma_start3A_151 = arith.constant 40 : i32
      %dma_start3A_152 = arith.constant 0 : i32
      %dma_start3A_153 = tpu.memref_slice %arg2[%add3A, %dma_start3A_151, %dma_start3A_152] : memref<32x80x128xi32, #tpu.memory_space<hbm>> -> memref<1x40x128xi32, #tpu.memory_space<hbm>>
      %dma_start3A_154 = tpu.memref_squeeze %dma_start3A_153 : memref<1x40x128xi32, #tpu.memory_space<hbm>> -> memref<40x128xi32, #tpu.memory_space<hbm>>
      tpu.enqueue_dma source(%dma_start3A_154 : memref<40x128xi32, #tpu.memory_space<hbm>>) target(%arg6 : memref<40x128xi32, #tpu.memory_space<vmem>>) target_semaphore(%run_scoped3A_146 : memref<!tpu.dma_semaphore, #tpu.memory_space<semaphore_mem>>)
      %dma_wait3A_155 = arith.constant 40 : i32
      %dma_wait3A_156 = arith.constant 0 : i32
      %dma_wait3A_157 = tpu.memref_slice %arg2[%add3A, %dma_wait3A_155, %dma_wait3A_156] : memref<32x80x128xi32, #tpu.memory_space<hbm>> -> memref<1x40x128xi32, #tpu.memory_space<hbm>>
      %dma_wait3A_158 = tpu.memref_squeeze %dma_wait3A_157 : memref<1x40x128xi32, #tpu.memory_space<hbm>> -> memref<40x128xi32, #tpu.memory_space<hbm>>
      %dma_wait3A_159 = arith.constant 40 : i32
      %dma_wait3A_160 = arith.constant 0 : i32
      %dma_wait3A_161 = tpu.memref_slice %arg2[%add3A, %dma_wait3A_159, %dma_wait3A_160] : memref<32x80x128xi32, #tpu.memory_space<hbm>> -> memref<1x40x128xi32, #tpu.memory_space<hbm>>
      %dma_wait3A_162 = tpu.memref_squeeze %dma_wait3A_161 : memref<1x40x128xi32, #tpu.memory_space<hbm>> -> memref<40x128xi32, #tpu.memory_space<hbm>>
      tpu.wait_dma2 semaphore(%run_scoped3A_146 : memref<!tpu.dma_semaphore, #tpu.memory_space<semaphore_mem>>) src(%dma_wait3A_162 : memref<40x128xi32, #tpu.memory_space<hbm>>) dst(%arg6 : memref<40x128xi32, #tpu.memory_space<vmem>>)
      tpu.yield
    }) : () -> ()
    "tpu.region"() ({
      %run_scoped3A_146 = tpu.sem_alloc : memref<!tpu.dma_semaphore, #tpu.memory_space<semaphore_mem>>
      %dma_start3A_147 = arith.constant 40 : i32
      %dma_start3A_148 = arith.constant 0 : i32
      %dma_start3A_149 = tpu.memref_slice %arg3[%add3A, %dma_start3A_147, %dma_start3A_148] : memref<32x80x128xi32, #tpu.memory_space<hbm>> -> memref<1x40x128xi32, #tpu.memory_space<hbm>>
      %dma_start3A_150 = tpu.memref_squeeze %dma_start3A_149 : memref<1x40x128xi32, #tpu.memory_space<hbm>> -> memref<40x128xi32, #tpu.memory_space<hbm>>
      %dma_start3A_151 = arith.constant 40 : i32
      %dma_start3A_152 = arith.constant 0 : i32
      %dma_start3A_153 = tpu.memref_slice %arg3[%add3A, %dma_start3A_151, %dma_start3A_152] : memref<32x80x128xi32, #tpu.memory_space<hbm>> -> memref<1x40x128xi32, #tpu.memory_space<hbm>>
      %dma_start3A_154 = tpu.memref_squeeze %dma_start3A_153 : memref<1x40x128xi32, #tpu.memory_space<hbm>> -> memref<40x128xi32, #tpu.memory_space<hbm>>
      tpu.enqueue_dma source(%dma_start3A_154 : memref<40x128xi32, #tpu.memory_space<hbm>>) target(%arg7 : memref<40x128xi32, #tpu.memory_space<vmem>>) target_semaphore(%run_scoped3A_146 : memref<!tpu.dma_semaphore, #tpu.memory_space<semaphore_mem>>)
      %dma_wait3A_155 = arith.constant 40 : i32
      %dma_wait3A_156 = arith.constant 0 : i32
      %dma_wait3A_157 = tpu.memref_slice %arg3[%add3A, %dma_wait3A_155, %dma_wait3A_156] : memref<32x80x128xi32, #tpu.memory_space<hbm>> -> memref<1x40x128xi32, #tpu.memory_space<hbm>>
      %dma_wait3A_158 = tpu.memref_squeeze %dma_wait3A_157 : memref<1x40x128xi32, #tpu.memory_space<hbm>> -> memref<40x128xi32, #tpu.memory_space<hbm>>
      %dma_wait3A_159 = arith.constant 40 : i32
      %dma_wait3A_160 = arith.constant 0 : i32
      %dma_wait3A_161 = tpu.memref_slice %arg3[%add3A, %dma_wait3A_159, %dma_wait3A_160] : memref<32x80x128xi32, #tpu.memory_space<hbm>> -> memref<1x40x128xi32, #tpu.memory_space<hbm>>
      %dma_wait3A_162 = tpu.memref_squeeze %dma_wait3A_161 : memref<1x40x128xi32, #tpu.memory_space<hbm>> -> memref<40x128xi32, #tpu.memory_space<hbm>>
      tpu.wait_dma2 semaphore(%run_scoped3A_146 : memref<!tpu.dma_semaphore, #tpu.memory_space<semaphore_mem>>) src(%dma_wait3A_162 : memref<40x128xi32, #tpu.memory_space<hbm>>) dst(%arg7 : memref<40x128xi32, #tpu.memory_space<vmem>>)
      tpu.yield
    }) : () -> ()
    %dma_start3A_84 = arith.constant 0 : i32
    %dma_start3A_85 = arith.constant 0 : i32
    %dma_start3A_86 = arith.constant 0 : i32
    %dma_start3A_87 = arith.constant 0 : i32
    %dma_start3A_88 = tpu.memref_slice %arg8[%dma_start3A_85, %dma_start3A_86, %dma_start3A_87] : memref<2x128x128xf32, #tpu.memory_space<vmem>> -> memref<1x128x128xf32, #tpu.memory_space<vmem>>
    %dma_start3A_89 = tpu.memref_squeeze %dma_start3A_88 : memref<1x128x128xf32, #tpu.memory_space<vmem>> -> memref<128x128xf32, #tpu.memory_space<vmem>>
    %dma_start3A_90 = arith.constant 0 : i32
    %dma_start3A_91 = tpu.memref_slice %arg6[%dma_start3A_84, %dma_start3A_90] : memref<40x128xi32, #tpu.memory_space<vmem>> -> memref<1x128xi32, #tpu.memory_space<vmem>>
    %dma_start3A_92 = tpu.memref_squeeze %dma_start3A_91 : memref<1x128xi32, #tpu.memory_space<vmem>> -> memref<128xi32, #tpu.memory_space<vmem>>
    %dma_start3A_93 = arith.constant 0 : i32
    %dma_start3A_94 = arith.constant 0 : i32
    %dma_start3A_95 = tpu.memref_slice %arg4[%dma_start3A_93, %dma_start3A_94] : memref<10240x128xf32, #tpu.memory_space<hbm>> -> memref<10240x128xf32, #tpu.memory_space<hbm>>
    tpu.enqueue_indirect_dma source(%dma_start3A_95 : memref<10240x128xf32, #tpu.memory_space<hbm>>) target(%dma_start3A_89 : memref<128x128xf32, #tpu.memory_space<vmem>>) offsets(%dma_start3A_92 : memref<128xi32, #tpu.memory_space<vmem>>) semaphore(%arg10 : memref<!tpu.dma_semaphore, #tpu.memory_space<semaphore_mem>>)
    %dma_start3A_96 = arith.constant 1 : i32
    %dma_start3A_97 = arith.constant 1 : i32
    %dma_start3A_98 = arith.constant 0 : i32
    %dma_start3A_99 = arith.constant 0 : i32
    %dma_start3A_100 = tpu.memref_slice %arg8[%dma_start3A_97, %dma_start3A_98, %dma_start3A_99] : memref<2x128x128xf32, #tpu.memory_space<vmem>> -> memref<1x128x128xf32, #tpu.memory_space<vmem>>
    %dma_start3A_101 = tpu.memref_squeeze %dma_start3A_100 : memref<1x128x128xf32, #tpu.memory_space<vmem>> -> memref<128x128xf32, #tpu.memory_space<vmem>>
    %dma_start3A_102 = arith.constant 0 : i32
    %dma_start3A_103 = tpu.memref_slice %arg6[%dma_start3A_96, %dma_start3A_102] : memref<40x128xi32, #tpu.memory_space<vmem>> -> memref<1x128xi32, #tpu.memory_space<vmem>>
    %dma_start3A_104 = tpu.memref_squeeze %dma_start3A_103 : memref<1x128xi32, #tpu.memory_space<vmem>> -> memref<128xi32, #tpu.memory_space<vmem>>
    %dma_start3A_105 = arith.constant 0 : i32
    %dma_start3A_106 = arith.constant 0 : i32
    %dma_start3A_107 = tpu.memref_slice %arg4[%dma_start3A_105, %dma_start3A_106] : memref<10240x128xf32, #tpu.memory_space<hbm>> -> memref<10240x128xf32, #tpu.memory_space<hbm>>
    tpu.enqueue_indirect_dma source(%dma_start3A_107 : memref<10240x128xf32, #tpu.memory_space<hbm>>) target(%dma_start3A_101 : memref<128x128xf32, #tpu.memory_space<vmem>>) offsets(%dma_start3A_104 : memref<128xi32, #tpu.memory_space<vmem>>) semaphore(%arg11 : memref<!tpu.dma_semaphore, #tpu.memory_space<semaphore_mem>>)
    %scan3A_108 = arith.constant 0 : i32
    %scan3A_109 = arith.constant 19 : i32
    %scan3A_110 = arith.addi %scan3A_108, %scan3A_109 : i32
    %scan3A_111 = arith.constant 1 : i32
    scf.for %scan3A_146 = %scan3A_108 to %scan3A_110 step %scan3A_111  : i32 {
      %mul3A_147 = arith.constant 2 : i32
      %mul3A_148 = arith.muli %scan3A_146, %mul3A_147 : i32
      %add3A_149 = arith.constant 0 : i32
      %add3A_150 = arith.addi %mul3A_148, %add3A_149 : i32
      %dma_wait3A_151 = arith.constant 0 : i32
      %dma_wait3A_152 = arith.constant 0 : i32
      %dma_wait3A_153 = arith.constant 0 : i32
      %dma_wait3A_154 = tpu.memref_slice %arg8[%dma_wait3A_151, %dma_wait3A_152, %dma_wait3A_153] : memref<2x128x128xf32, #tpu.memory_space<vmem>> -> memref<1x128x128xf32, #tpu.memory_space<vmem>>
      %dma_wait3A_155 = tpu.memref_squeeze %dma_wait3A_154 : memref<1x128x128xf32, #tpu.memory_space<vmem>> -> memref<128x128xf32, #tpu.memory_space<vmem>>
      %dma_wait3A_156 = arith.constant 0 : i32
      %dma_wait3A_157 = tpu.memref_slice %arg6[%add3A_150, %dma_wait3A_156] : memref<40x128xi32, #tpu.memory_space<vmem>> -> memref<1x128xi32, #tpu.memory_space<vmem>>
      %dma_wait3A_158 = tpu.memref_squeeze %dma_wait3A_157 : memref<1x128xi32, #tpu.memory_space<vmem>> -> memref<128xi32, #tpu.memory_space<vmem>>
      %dma_wait3A_159 = arith.constant 0 : i32
      %dma_wait3A_160 = arith.constant 0 : i32
      %dma_wait3A_161 = tpu.memref_slice %arg4[%dma_wait3A_159, %dma_wait3A_160] : memref<10240x128xf32, #tpu.memory_space<hbm>> -> memref<10240x128xf32, #tpu.memory_space<hbm>>
      tpu.wait_indirect_dma semaphore(%arg10 : memref<!tpu.dma_semaphore, #tpu.memory_space<semaphore_mem>>) src(%dma_wait3A_161 : memref<10240x128xf32, #tpu.memory_space<hbm>>) dst(%dma_wait3A_155 : memref<128x128xf32, #tpu.memory_space<vmem>>)
      %add3A_162 = arith.constant 0 : i32
      %add3A_163 = arith.addi %mul3A_148, %add3A_162 : i32
      %run_scoped3A_164 = arith.constant 0 : i32
      "tpu.region"() ({
        %run_scoped3A_211 = tpu.sem_alloc : memref<!tpu.dma_semaphore, #tpu.memory_space<semaphore_mem>>
        %dma_start3A_212 = arith.constant 0 : i32
        %dma_start3A_213 = arith.constant 0 : i32
        %dma_start3A_214 = tpu.memref_slice %arg8[%run_scoped3A_164, %dma_start3A_212, %dma_start3A_213] : memref<2x128x128xf32, #tpu.memory_space<vmem>> -> memref<1x128x128xf32, #tpu.memory_space<vmem>>
        %dma_start3A_215 = tpu.memref_squeeze %dma_start3A_214 : memref<1x128x128xf32, #tpu.memory_space<vmem>> -> memref<128x128xf32, #tpu.memory_space<vmem>>
        %dma_start3A_216 = arith.constant 0 : i32
        %dma_start3A_217 = tpu.memref_slice %arg7[%add3A_163, %dma_start3A_216] : memref<40x128xi32, #tpu.memory_space<vmem>> -> memref<1x128xi32, #tpu.memory_space<vmem>>
        %dma_start3A_218 = tpu.memref_squeeze %dma_start3A_217 : memref<1x128xi32, #tpu.memory_space<vmem>> -> memref<128xi32, #tpu.memory_space<vmem>>
        %dma_start3A_219 = arith.constant 0 : i32
        %dma_start3A_220 = arith.constant 0 : i32
        %dma_start3A_221 = tpu.memref_slice %arg9[%dma_start3A_219, %dma_start3A_220] : memref<10240x128xf32, #tpu.memory_space<vmem_shared>> -> memref<10240x128xf32, #tpu.memory_space<vmem_shared>>
        tpu.enqueue_indirect_dma source(%dma_start3A_215 : memref<128x128xf32, #tpu.memory_space<vmem>>) target(%dma_start3A_221 : memref<10240x128xf32, #tpu.memory_space<vmem_shared>>) offsets(%dma_start3A_218 : memref<128xi32, #tpu.memory_space<vmem>>) semaphore(%run_scoped3A_211 : memref<!tpu.dma_semaphore, #tpu.memory_space<semaphore_mem>>) {add = true}
        %dma_wait3A_222 = arith.constant 0 : i32
        %dma_wait3A_223 = arith.constant 0 : i32
        %dma_wait3A_224 = tpu.memref_slice %arg8[%run_scoped3A_164, %dma_wait3A_222, %dma_wait3A_223] : memref<2x128x128xf32, #tpu.memory_space<vmem>> -> memref<1x128x128xf32, #tpu.memory_space<vmem>>
        %dma_wait3A_225 = tpu.memref_squeeze %dma_wait3A_224 : memref<1x128x128xf32, #tpu.memory_space<vmem>> -> memref<128x128xf32, #tpu.memory_space<vmem>>
        %dma_wait3A_226 = arith.constant 0 : i32
        %dma_wait3A_227 = tpu.memref_slice %arg7[%add3A_163, %dma_wait3A_226] : memref<40x128xi32, #tpu.memory_space<vmem>> -> memref<1x128xi32, #tpu.memory_space<vmem>>
        %dma_wait3A_228 = tpu.memref_squeeze %dma_wait3A_227 : memref<1x128xi32, #tpu.memory_space<vmem>> -> memref<128xi32, #tpu.memory_space<vmem>>
        %dma_wait3A_229 = arith.constant 0 : i32
        %dma_wait3A_230 = arith.constant 0 : i32
        %dma_wait3A_231 = tpu.memref_slice %arg9[%dma_wait3A_229, %dma_wait3A_230] : memref<10240x128xf32, #tpu.memory_space<vmem_shared>> -> memref<10240x128xf32, #tpu.memory_space<vmem_shared>>
        tpu.wait_indirect_dma semaphore(%run_scoped3A_211 : memref<!tpu.dma_semaphore, #tpu.memory_space<semaphore_mem>>) src(%dma_wait3A_225 : memref<128x128xf32, #tpu.memory_space<vmem>>) dst(%dma_wait3A_231 : memref<10240x128xf32, #tpu.memory_space<vmem_shared>>)
        tpu.yield
      }) : () -> ()
      %add3A_165 = arith.constant 2 : i32
      %add3A_166 = arith.addi %mul3A_148, %add3A_165 : i32
      %add3A_167 = arith.constant 0 : i32
      %add3A_168 = arith.addi %add3A_166, %add3A_167 : i32
      %dma_start3A_169 = arith.constant 0 : i32
      %dma_start3A_170 = arith.constant 0 : i32
      %dma_start3A_171 = arith.constant 0 : i32
      %dma_start3A_172 = tpu.memref_slice %arg8[%dma_start3A_169, %dma_start3A_170, %dma_start3A_171] : memref<2x128x128xf32, #tpu.memory_space<vmem>> -> memref<1x128x128xf32, #tpu.memory_space<vmem>>
      %dma_start3A_173 = tpu.memref_squeeze %dma_start3A_172 : memref<1x128x128xf32, #tpu.memory_space<vmem>> -> memref<128x128xf32, #tpu.memory_space<vmem>>
      %dma_start3A_174 = arith.constant 0 : i32
      %dma_start3A_175 = tpu.memref_slice %arg6[%add3A_168, %dma_start3A_174] : memref<40x128xi32, #tpu.memory_space<vmem>> -> memref<1x128xi32, #tpu.memory_space<vmem>>
      %dma_start3A_176 = tpu.memref_squeeze %dma_start3A_175 : memref<1x128xi32, #tpu.memory_space<vmem>> -> memref<128xi32, #tpu.memory_space<vmem>>
      %dma_start3A_177 = arith.constant 0 : i32
      %dma_start3A_178 = arith.constant 0 : i32
      %dma_start3A_179 = tpu.memref_slice %arg4[%dma_start3A_177, %dma_start3A_178] : memref<10240x128xf32, #tpu.memory_space<hbm>> -> memref<10240x128xf32, #tpu.memory_space<hbm>>
      tpu.enqueue_indirect_dma source(%dma_start3A_179 : memref<10240x128xf32, #tpu.memory_space<hbm>>) target(%dma_start3A_173 : memref<128x128xf32, #tpu.memory_space<vmem>>) offsets(%dma_start3A_176 : memref<128xi32, #tpu.memory_space<vmem>>) semaphore(%arg10 : memref<!tpu.dma_semaphore, #tpu.memory_space<semaphore_mem>>)
      %add3A_180 = arith.constant 1 : i32
      %add3A_181 = arith.addi %mul3A_148, %add3A_180 : i32
      %dma_wait3A_182 = arith.constant 1 : i32
      %dma_wait3A_183 = arith.constant 0 : i32
      %dma_wait3A_184 = arith.constant 0 : i32
      %dma_wait3A_185 = tpu.memref_slice %arg8[%dma_wait3A_182, %dma_wait3A_183, %dma_wait3A_184] : memref<2x128x128xf32, #tpu.memory_space<vmem>> -> memref<1x128x128xf32, #tpu.memory_space<vmem>>
      %dma_wait3A_186 = tpu.memref_squeeze %dma_wait3A_185 : memref<1x128x128xf32, #tpu.memory_space<vmem>> -> memref<128x128xf32, #tpu.memory_space<vmem>>
      %dma_wait3A_187 = arith.constant 0 : i32
      %dma_wait3A_188 = tpu.memref_slice %arg6[%add3A_181, %dma_wait3A_187] : memref<40x128xi32, #tpu.memory_space<vmem>> -> memref<1x128xi32, #tpu.memory_space<vmem>>
      %dma_wait3A_189 = tpu.memref_squeeze %dma_wait3A_188 : memref<1x128xi32, #tpu.memory_space<vmem>> -> memref<128xi32, #tpu.memory_space<vmem>>
      %dma_wait3A_190 = arith.constant 0 : i32
      %dma_wait3A_191 = arith.constant 0 : i32
      %dma_wait3A_192 = tpu.memref_slice %arg4[%dma_wait3A_190, %dma_wait3A_191] : memref<10240x128xf32, #tpu.memory_space<hbm>> -> memref<10240x128xf32, #tpu.memory_space<hbm>>
      tpu.wait_indirect_dma semaphore(%arg11 : memref<!tpu.dma_semaphore, #tpu.memory_space<semaphore_mem>>) src(%dma_wait3A_192 : memref<10240x128xf32, #tpu.memory_space<hbm>>) dst(%dma_wait3A_186 : memref<128x128xf32, #tpu.memory_space<vmem>>)
      %add3A_193 = arith.constant 1 : i32
      %add3A_194 = arith.addi %mul3A_148, %add3A_193 : i32
      %run_scoped3A_195 = arith.constant 1 : i32
      "tpu.region"() ({
        %run_scoped3A_211 = tpu.sem_alloc : memref<!tpu.dma_semaphore, #tpu.memory_space<semaphore_mem>>
        %dma_start3A_212 = arith.constant 0 : i32
        %dma_start3A_213 = arith.constant 0 : i32
        %dma_start3A_214 = tpu.memref_slice %arg8[%run_scoped3A_195, %dma_start3A_212, %dma_start3A_213] : memref<2x128x128xf32, #tpu.memory_space<vmem>> -> memref<1x128x128xf32, #tpu.memory_space<vmem>>
        %dma_start3A_215 = tpu.memref_squeeze %dma_start3A_214 : memref<1x128x128xf32, #tpu.memory_space<vmem>> -> memref<128x128xf32, #tpu.memory_space<vmem>>
        %dma_start3A_216 = arith.constant 0 : i32
        %dma_start3A_217 = tpu.memref_slice %arg7[%add3A_194, %dma_start3A_216] : memref<40x128xi32, #tpu.memory_space<vmem>> -> memref<1x128xi32, #tpu.memory_space<vmem>>
        %dma_start3A_218 = tpu.memref_squeeze %dma_start3A_217 : memref<1x128xi32, #tpu.memory_space<vmem>> -> memref<128xi32, #tpu.memory_space<vmem>>
        %dma_start3A_219 = arith.constant 0 : i32
        %dma_start3A_220 = arith.constant 0 : i32
        %dma_start3A_221 = tpu.memref_slice %arg9[%dma_start3A_219, %dma_start3A_220] : memref<10240x128xf32, #tpu.memory_space<vmem_shared>> -> memref<10240x128xf32, #tpu.memory_space<vmem_shared>>
        tpu.enqueue_indirect_dma source(%dma_start3A_215 : memref<128x128xf32, #tpu.memory_space<vmem>>) target(%dma_start3A_221 : memref<10240x128xf32, #tpu.memory_space<vmem_shared>>) offsets(%dma_start3A_218 : memref<128xi32, #tpu.memory_space<vmem>>) semaphore(%run_scoped3A_211 : memref<!tpu.dma_semaphore, #tpu.memory_space<semaphore_mem>>) {add = true}
        %dma_wait3A_222 = arith.constant 0 : i32
        %dma_wait3A_223 = arith.constant 0 : i32
        %dma_wait3A_224 = tpu.memref_slice %arg8[%run_scoped3A_195, %dma_wait3A_222, %dma_wait3A_223] : memref<2x128x128xf32, #tpu.memory_space<vmem>> -> memref<1x128x128xf32, #tpu.memory_space<vmem>>
        %dma_wait3A_225 = tpu.memref_squeeze %dma_wait3A_224 : memref<1x128x128xf32, #tpu.memory_space<vmem>> -> memref<128x128xf32, #tpu.memory_space<vmem>>
        %dma_wait3A_226 = arith.constant 0 : i32
        %dma_wait3A_227 = tpu.memref_slice %arg7[%add3A_194, %dma_wait3A_226] : memref<40x128xi32, #tpu.memory_space<vmem>> -> memref<1x128xi32, #tpu.memory_space<vmem>>
        %dma_wait3A_228 = tpu.memref_squeeze %dma_wait3A_227 : memref<1x128xi32, #tpu.memory_space<vmem>> -> memref<128xi32, #tpu.memory_space<vmem>>
        %dma_wait3A_229 = arith.constant 0 : i32
        %dma_wait3A_230 = arith.constant 0 : i32
        %dma_wait3A_231 = tpu.memref_slice %arg9[%dma_wait3A_229, %dma_wait3A_230] : memref<10240x128xf32, #tpu.memory_space<vmem_shared>> -> memref<10240x128xf32, #tpu.memory_space<vmem_shared>>
        tpu.wait_indirect_dma semaphore(%run_scoped3A_211 : memref<!tpu.dma_semaphore, #tpu.memory_space<semaphore_mem>>) src(%dma_wait3A_225 : memref<128x128xf32, #tpu.memory_space<vmem>>) dst(%dma_wait3A_231 : memref<10240x128xf32, #tpu.memory_space<vmem_shared>>)
        tpu.yield
      }) : () -> ()
      %add3A_196 = arith.constant 2 : i32
      %add3A_197 = arith.addi %mul3A_148, %add3A_196 : i32
      %add3A_198 = arith.constant 1 : i32
      %add3A_199 = arith.addi %add3A_197, %add3A_198 : i32
      %dma_start3A_200 = arith.constant 1 : i32
      %dma_start3A_201 = arith.constant 0 : i32
      %dma_start3A_202 = arith.constant 0 : i32
      %dma_start3A_203 = tpu.memref_slice %arg8[%dma_start3A_200, %dma_start3A_201, %dma_start3A_202] : memref<2x128x128xf32, #tpu.memory_space<vmem>> -> memref<1x128x128xf32, #tpu.memory_space<vmem>>
      %dma_start3A_204 = tpu.memref_squeeze %dma_start3A_203 : memref<1x128x128xf32, #tpu.memory_space<vmem>> -> memref<128x128xf32, #tpu.memory_space<vmem>>
      %dma_start3A_205 = arith.constant 0 : i32
      %dma_start3A_206 = tpu.memref_slice %arg6[%add3A_199, %dma_start3A_205] : memref<40x128xi32, #tpu.memory_space<vmem>> -> memref<1x128xi32, #tpu.memory_space<vmem>>
      %dma_start3A_207 = tpu.memref_squeeze %dma_start3A_206 : memref<1x128xi32, #tpu.memory_space<vmem>> -> memref<128xi32, #tpu.memory_space<vmem>>
      %dma_start3A_208 = arith.constant 0 : i32
      %dma_start3A_209 = arith.constant 0 : i32
      %dma_start3A_210 = tpu.memref_slice %arg4[%dma_start3A_208, %dma_start3A_209] : memref<10240x128xf32, #tpu.memory_space<hbm>> -> memref<10240x128xf32, #tpu.memory_space<hbm>>
      tpu.enqueue_indirect_dma source(%dma_start3A_210 : memref<10240x128xf32, #tpu.memory_space<hbm>>) target(%dma_start3A_204 : memref<128x128xf32, #tpu.memory_space<vmem>>) offsets(%dma_start3A_207 : memref<128xi32, #tpu.memory_space<vmem>>) semaphore(%arg11 : memref<!tpu.dma_semaphore, #tpu.memory_space<semaphore_mem>>)
    }
    %scan3A_112 = arith.constant 19 : i32
    %dma_wait3A_113 = arith.constant 38 : i32
    %dma_wait3A_114 = arith.constant 0 : i32
    %dma_wait3A_115 = arith.constant 0 : i32
    %dma_wait3A_116 = arith.constant 0 : i32
    %dma_wait3A_117 = tpu.memref_slice %arg8[%dma_wait3A_114, %dma_wait3A_115, %dma_wait3A_116] : memref<2x128x128xf32, #tpu.memory_space<vmem>> -> memref<1x128x128xf32, #tpu.memory_space<vmem>>
    %dma_wait3A_118 = tpu.memref_squeeze %dma_wait3A_117 : memref<1x128x128xf32, #tpu.memory_space<vmem>> -> memref<128x128xf32, #tpu.memory_space<vmem>>
    %dma_wait3A_119 = arith.constant 0 : i32
    %dma_wait3A_120 = tpu.memref_slice %arg6[%dma_wait3A_113, %dma_wait3A_119] : memref<40x128xi32, #tpu.memory_space<vmem>> -> memref<1x128xi32, #tpu.memory_space<vmem>>
    %dma_wait3A_121 = tpu.memref_squeeze %dma_wait3A_120 : memref<1x128xi32, #tpu.memory_space<vmem>> -> memref<128xi32, #tpu.memory_space<vmem>>
    %dma_wait3A_122 = arith.constant 0 : i32
    %dma_wait3A_123 = arith.constant 0 : i32
    %dma_wait3A_124 = tpu.memref_slice %arg4[%dma_wait3A_122, %dma_wait3A_123] : memref<10240x128xf32, #tpu.memory_space<hbm>> -> memref<10240x128xf32, #tpu.memory_space<hbm>>
    tpu.wait_indirect_dma semaphore(%arg10 : memref<!tpu.dma_semaphore, #tpu.memory_space<semaphore_mem>>) src(%dma_wait3A_124 : memref<10240x128xf32, #tpu.memory_space<hbm>>) dst(%dma_wait3A_118 : memref<128x128xf32, #tpu.memory_space<vmem>>)
    %run_scoped3A_125 = arith.constant 0 : i32
    %run_scoped3A_126 = arith.constant 38 : i32
    "tpu.region"() ({
      %run_scoped3A_146 = tpu.sem_alloc : memref<!tpu.dma_semaphore, #tpu.memory_space<semaphore_mem>>
      %dma_start3A_147 = arith.constant 0 : i32
      %dma_start3A_148 = arith.constant 0 : i32
      %dma_start3A_149 = tpu.memref_slice %arg8[%run_scoped3A_125, %dma_start3A_147, %dma_start3A_148] : memref<2x128x128xf32, #tpu.memory_space<vmem>> -> memref<1x128x128xf32, #tpu.memory_space<vmem>>
      %dma_start3A_150 = tpu.memref_squeeze %dma_start3A_149 : memref<1x128x128xf32, #tpu.memory_space<vmem>> -> memref<128x128xf32, #tpu.memory_space<vmem>>
      %dma_start3A_151 = arith.constant 0 : i32
      %dma_start3A_152 = tpu.memref_slice %arg7[%run_scoped3A_126, %dma_start3A_151] : memref<40x128xi32, #tpu.memory_space<vmem>> -> memref<1x128xi32, #tpu.memory_space<vmem>>
      %dma_start3A_153 = tpu.memref_squeeze %dma_start3A_152 : memref<1x128xi32, #tpu.memory_space<vmem>> -> memref<128xi32, #tpu.memory_space<vmem>>
      %dma_start3A_154 = arith.constant 0 : i32
      %dma_start3A_155 = arith.constant 0 : i32
      %dma_start3A_156 = tpu.memref_slice %arg9[%dma_start3A_154, %dma_start3A_155] : memref<10240x128xf32, #tpu.memory_space<vmem_shared>> -> memref<10240x128xf32, #tpu.memory_space<vmem_shared>>
      tpu.enqueue_indirect_dma source(%dma_start3A_150 : memref<128x128xf32, #tpu.memory_space<vmem>>) target(%dma_start3A_156 : memref<10240x128xf32, #tpu.memory_space<vmem_shared>>) offsets(%dma_start3A_153 : memref<128xi32, #tpu.memory_space<vmem>>) semaphore(%run_scoped3A_146 : memref<!tpu.dma_semaphore, #tpu.memory_space<semaphore_mem>>) {add = true}
      %dma_wait3A_157 = arith.constant 0 : i32
      %dma_wait3A_158 = arith.constant 0 : i32
      %dma_wait3A_159 = tpu.memref_slice %arg8[%run_scoped3A_125, %dma_wait3A_157, %dma_wait3A_158] : memref<2x128x128xf32, #tpu.memory_space<vmem>> -> memref<1x128x128xf32, #tpu.memory_space<vmem>>
      %dma_wait3A_160 = tpu.memref_squeeze %dma_wait3A_159 : memref<1x128x128xf32, #tpu.memory_space<vmem>> -> memref<128x128xf32, #tpu.memory_space<vmem>>
      %dma_wait3A_161 = arith.constant 0 : i32
      %dma_wait3A_162 = tpu.memref_slice %arg7[%run_scoped3A_126, %dma_wait3A_161] : memref<40x128xi32, #tpu.memory_space<vmem>> -> memref<1x128xi32, #tpu.memory_space<vmem>>
      %dma_wait3A_163 = tpu.memref_squeeze %dma_wait3A_162 : memref<1x128xi32, #tpu.memory_space<vmem>> -> memref<128xi32, #tpu.memory_space<vmem>>
      %dma_wait3A_164 = arith.constant 0 : i32
      %dma_wait3A_165 = arith.constant 0 : i32
      %dma_wait3A_166 = tpu.memref_slice %arg9[%dma_wait3A_164, %dma_wait3A_165] : memref<10240x128xf32, #tpu.memory_space<vmem_shared>> -> memref<10240x128xf32, #tpu.memory_space<vmem_shared>>
      tpu.wait_indirect_dma semaphore(%run_scoped3A_146 : memref<!tpu.dma_semaphore, #tpu.memory_space<semaphore_mem>>) src(%dma_wait3A_160 : memref<128x128xf32, #tpu.memory_space<vmem>>) dst(%dma_wait3A_166 : memref<10240x128xf32, #tpu.memory_space<vmem_shared>>)
      tpu.yield
    }) : () -> ()
    %dma_wait3A_127 = arith.constant 39 : i32
    %dma_wait3A_128 = arith.constant 1 : i32
    %dma_wait3A_129 = arith.constant 0 : i32
    %dma_wait3A_130 = arith.constant 0 : i32
    %dma_wait3A_131 = tpu.memref_slice %arg8[%dma_wait3A_128, %dma_wait3A_129, %dma_wait3A_130] : memref<2x128x128xf32, #tpu.memory_space<vmem>> -> memref<1x128x128xf32, #tpu.memory_space<vmem>>
    %dma_wait3A_132 = tpu.memref_squeeze %dma_wait3A_131 : memref<1x128x128xf32, #tpu.memory_space<vmem>> -> memref<128x128xf32, #tpu.memory_space<vmem>>
    %dma_wait3A_133 = arith.constant 0 : i32
    %dma_wait3A_134 = tpu.memref_slice %arg6[%dma_wait3A_127, %dma_wait3A_133] : memref<40x128xi32, #tpu.memory_space<vmem>> -> memref<1x128xi32, #tpu.memory_space<vmem>>
    %dma_wait3A_135 = tpu.memref_squeeze %dma_wait3A_134 : memref<1x128xi32, #tpu.memory_space<vmem>> -> memref<128xi32, #tpu.memory_space<vmem>>
    %dma_wait3A_136 = arith.constant 0 : i32
    %dma_wait3A_137 = arith.constant 0 : i32
    %dma_wait3A_138 = tpu.memref_slice %arg4[%dma_wait3A_136, %dma_wait3A_137] : memref<10240x128xf32, #tpu.memory_space<hbm>> -> memref<10240x128xf32, #tpu.memory_space<hbm>>
    tpu.wait_indirect_dma semaphore(%arg11 : memref<!tpu.dma_semaphore, #tpu.memory_space<semaphore_mem>>) src(%dma_wait3A_138 : memref<10240x128xf32, #tpu.memory_space<hbm>>) dst(%dma_wait3A_132 : memref<128x128xf32, #tpu.memory_space<vmem>>)
    %run_scoped3A_139 = arith.constant 1 : i32
    %run_scoped3A_140 = arith.constant 39 : i32
    "tpu.region"() ({
      %run_scoped3A_146 = tpu.sem_alloc : memref<!tpu.dma_semaphore, #tpu.memory_space<semaphore_mem>>
      %dma_start3A_147 = arith.constant 0 : i32
      %dma_start3A_148 = arith.constant 0 : i32
      %dma_start3A_149 = tpu.memref_slice %arg8[%run_scoped3A_139, %dma_start3A_147, %dma_start3A_148] : memref<2x128x128xf32, #tpu.memory_space<vmem>> -> memref<1x128x128xf32, #tpu.memory_space<vmem>>
      %dma_start3A_150 = tpu.memref_squeeze %dma_start3A_149 : memref<1x128x128xf32, #tpu.memory_space<vmem>> -> memref<128x128xf32, #tpu.memory_space<vmem>>
      %dma_start3A_151 = arith.constant 0 : i32
      %dma_start3A_152 = tpu.memref_slice %arg7[%run_scoped3A_140, %dma_start3A_151] : memref<40x128xi32, #tpu.memory_space<vmem>> -> memref<1x128xi32, #tpu.memory_space<vmem>>
      %dma_start3A_153 = tpu.memref_squeeze %dma_start3A_152 : memref<1x128xi32, #tpu.memory_space<vmem>> -> memref<128xi32, #tpu.memory_space<vmem>>
      %dma_start3A_154 = arith.constant 0 : i32
      %dma_start3A_155 = arith.constant 0 : i32
      %dma_start3A_156 = tpu.memref_slice %arg9[%dma_start3A_154, %dma_start3A_155] : memref<10240x128xf32, #tpu.memory_space<vmem_shared>> -> memref<10240x128xf32, #tpu.memory_space<vmem_shared>>
      tpu.enqueue_indirect_dma source(%dma_start3A_150 : memref<128x128xf32, #tpu.memory_space<vmem>>) target(%dma_start3A_156 : memref<10240x128xf32, #tpu.memory_space<vmem_shared>>) offsets(%dma_start3A_153 : memref<128xi32, #tpu.memory_space<vmem>>) semaphore(%run_scoped3A_146 : memref<!tpu.dma_semaphore, #tpu.memory_space<semaphore_mem>>) {add = true}
      %dma_wait3A_157 = arith.constant 0 : i32
      %dma_wait3A_158 = arith.constant 0 : i32
      %dma_wait3A_159 = tpu.memref_slice %arg8[%run_scoped3A_139, %dma_wait3A_157, %dma_wait3A_158] : memref<2x128x128xf32, #tpu.memory_space<vmem>> -> memref<1x128x128xf32, #tpu.memory_space<vmem>>
      %dma_wait3A_160 = tpu.memref_squeeze %dma_wait3A_159 : memref<1x128x128xf32, #tpu.memory_space<vmem>> -> memref<128x128xf32, #tpu.memory_space<vmem>>
      %dma_wait3A_161 = arith.constant 0 : i32
      %dma_wait3A_162 = tpu.memref_slice %arg7[%run_scoped3A_140, %dma_wait3A_161] : memref<40x128xi32, #tpu.memory_space<vmem>> -> memref<1x128xi32, #tpu.memory_space<vmem>>
      %dma_wait3A_163 = tpu.memref_squeeze %dma_wait3A_162 : memref<1x128xi32, #tpu.memory_space<vmem>> -> memref<128xi32, #tpu.memory_space<vmem>>
      %dma_wait3A_164 = arith.constant 0 : i32
      %dma_wait3A_165 = arith.constant 0 : i32
      %dma_wait3A_166 = tpu.memref_slice %arg9[%dma_wait3A_164, %dma_wait3A_165] : memref<10240x128xf32, #tpu.memory_space<vmem_shared>> -> memref<10240x128xf32, #tpu.memory_space<vmem_shared>>
      tpu.wait_indirect_dma semaphore(%run_scoped3A_146 : memref<!tpu.dma_semaphore, #tpu.memory_space<semaphore_mem>>) src(%dma_wait3A_160 : memref<128x128xf32, #tpu.memory_space<vmem>>) dst(%dma_wait3A_166 : memref<10240x128xf32, #tpu.memory_space<vmem_shared>>)
      tpu.yield
    }) : () -> ()
    %barrier3A_141 = arith.constant 0 : index
    tpu.barrier barrier_id(%barrier3A_141)
    %mul3A_142 = arith.constant 640 : i32
    %mul3A_143 = arith.muli %arg1, %mul3A_142 : i32
    %mul3A_144 = arith.constant 640 : i32
    %mul3A_145 = arith.muli %arg1, %mul3A_144 : i32
    "tpu.region"() ({
      %run_scoped3A_146 = tpu.sem_alloc : memref<!tpu.dma_semaphore, #tpu.memory_space<semaphore_mem>>
      %dma_start3A_147 = arith.constant 0 : i32
      %dma_start3A_148 = tpu.memref_slice %arg5[%arg0, %mul3A_145, %dma_start3A_147] : memref<2x10240x128xf32, #tpu.memory_space<hbm>> -> memref<1x640x128xf32, #tpu.memory_space<hbm>>
      %dma_start3A_149 = tpu.memref_squeeze %dma_start3A_148 : memref<1x640x128xf32, #tpu.memory_space<hbm>> -> memref<640x128xf32, #tpu.memory_space<hbm>>
      %dma_start3A_150 = arith.constant 0 : i32
      %dma_start3A_151 = tpu.memref_slice %arg9[%mul3A_143, %dma_start3A_150] : memref<10240x128xf32, #tpu.memory_space<vmem_shared>> -> memref<640x128xf32, #tpu.memory_space<vmem_shared>>
      tpu.enqueue_dma source(%dma_start3A_151 : memref<640x128xf32, #tpu.memory_space<vmem_shared>>) target(%dma_start3A_149 : memref<640x128xf32, #tpu.memory_space<hbm>>) target_semaphore(%run_scoped3A_146 : memref<!tpu.dma_semaphore, #tpu.memory_space<semaphore_mem>>)
      %dma_wait3A_152 = arith.constant 0 : i32
      %dma_wait3A_153 = tpu.memref_slice %arg5[%arg0, %mul3A_145, %dma_wait3A_152] : memref<2x10240x128xf32, #tpu.memory_space<hbm>> -> memref<1x640x128xf32, #tpu.memory_space<hbm>>
      %dma_wait3A_154 = tpu.memref_squeeze %dma_wait3A_153 : memref<1x640x128xf32, #tpu.memory_space<hbm>> -> memref<640x128xf32, #tpu.memory_space<hbm>>
      %dma_wait3A_155 = arith.constant 0 : i32
      %dma_wait3A_156 = tpu.memref_slice %arg9[%mul3A_143, %dma_wait3A_155] : memref<10240x128xf32, #tpu.memory_space<vmem_shared>> -> memref<640x128xf32, #tpu.memory_space<vmem_shared>>
      tpu.wait_dma2 semaphore(%run_scoped3A_146 : memref<!tpu.dma_semaphore, #tpu.memory_space<semaphore_mem>>) src(%dma_wait3A_156 : memref<640x128xf32, #tpu.memory_space<vmem_shared>>) dst(%dma_wait3A_154 : memref<640x128xf32, #tpu.memory_space<hbm>>)
      tpu.yield
    }) : () -> ()
    return
  }
}

module attributes {stable_mosaic.version = 14 : i64} {
  func.func @body(%arg0: i32, %arg1: memref<1024x128xf32, #tpu.memory_space<vmem>>, %arg2: memref<128x128xf32, #tpu.memory_space<vmem>>, %arg3: memref<1024x128xf32, #tpu.memory_space<vmem>>) attributes {dimension_semantics = [#tpu.dimension_semantics<arbitrary>], iteration_bounds = array<i64: 10>, scalar_prefetch = 0 : i64, scratch_operands = 0 : i64, tpu.core_type = #tpu.core_type<tc>, window_params = [{transform_indices = @transform_0, window_bounds = array<i64: 1024, 128>}, {pipeline_mode = #tpu.pipeline_mode<synchronous>, transform_indices = @transform_1, window_bounds = array<i64: 128, 128>}, {transform_indices = @transform_2, window_bounds = array<i64: 1024, 128>}]} {
    %get3A = arith.constant 0 : index
    %get3A_0 = arith.constant 0 : index
    %get3A_1 = vector.load %arg1[%get3A, %get3A_0] : memref<1024x128xf32, #tpu.memory_space<vmem>>, vector<1024x128xf32>
    %get3A_2 = arith.constant 0 : index
    %get3A_3 = arith.constant 0 : index
    %get3A_4 = vector.load %arg2[%get3A_2, %get3A_3] : memref<128x128xf32, #tpu.memory_space<vmem>>, vector<128x128xf32>
    %dot_general3A = arith.constant dense<0.000000e+00> : vector<1024x128xf32>
    %dot_general3A_5 = tpu.matmul %get3A_1, %get3A_4, %dot_general3A {dimension_numbers = #tpu.dot_dimension_numbers<[1], [0], [0], [1], [0, 0, 1, 1], [], []>, transpose_lhs_hint = false} : vector<1024x128xf32>, vector<128x128xf32>, vector<1024x128xf32> -> vector<1024x128xf32>
    %swap3A = arith.constant 0 : index
    %swap3A_6 = arith.constant 0 : index
    %swap3A_7 = vector.load %arg3[%swap3A, %swap3A_6] : memref<1024x128xf32, #tpu.memory_space<vmem>>, vector<1024x128xf32>
    tpu.vector_store %arg3[%swap3A, %swap3A_6], %dot_general3A_5 {strides = array<i32>} : memref<1024x128xf32, #tpu.memory_space<vmem>>, vector<1024x128xf32>,
    return
  }
  func.func @transform_0(%arg0: i32) -> (i32, i32) {
    %c0_i32 = arith.constant 0 : i32
    %c0_i32_0 = arith.constant 0 : i32
    return %arg0, %c0_i32 : i32, i32
  }
  func.func @transform_1(%arg0: i32) -> (i32, i32) {
    %c0_i32 = arith.constant 0 : i32
    %c0_i32_0 = arith.constant 0 : i32
    %c0_i32_1 = arith.constant 0 : i32
    return %c0_i32, %c0_i32_0 : i32, i32
  }
  func.func @transform_2(%arg0: i32) -> (i32, i32) {
    %c0_i32 = arith.constant 0 : i32
    %c0_i32_0 = arith.constant 0 : i32
    return %arg0, %c0_i32 : i32, i32
  }
}

module attributes {stable_mosaic.version = 14 : i64} {
  func.func @body(%arg0: i32, %arg1: memref<1024x32xf32, #tpu.memory_space<vmem>>, %arg2: memref<1024x128xf32, #tpu.memory_space<vmem>>, %arg3: memref<1024x1xf32, #tpu.memory_space<vmem>>, %arg4: memref<1024x128xf32, #tpu.memory_space<vmem>>) attributes {dimension_semantics = [#tpu.dimension_semantics<arbitrary>], iteration_bounds = array<i64: 10>, scalar_prefetch = 0 : i64, scratch_operands = 0 : i64, tpu.core_type = #tpu.core_type<tc>, window_params = [{transform_indices = @transform_0, window_bounds = array<i64: 1024, 32>}, {transform_indices = @transform_1, window_bounds = array<i64: 1024, 128>}, {transform_indices = @transform_2, window_bounds = array<i64: 1024, 1>}, {transform_indices = @transform_3, window_bounds = array<i64: 1024, 128>}]} {
    %get3A = arith.constant 0 : index
    %get3A_0 = arith.constant 0 : index
    %get3A_1 = vector.load %arg1[%get3A, %get3A_0] : memref<1024x32xf32, #tpu.memory_space<vmem>>, vector<1024x32xf32>
    %reduce_sum3A = arith.constant dense<0.000000e+00> : vector<1024xf32>
    %reduce_sum3A_2 = vector.multi_reduction <add>, %get3A_1, %reduce_sum3A [1] : vector<1024x32xf32> to vector<1024xf32>
    %broadcast_in_dim3A = vector.shape_cast %reduce_sum3A_2 : vector<1024xf32> to vector<1024x1xf32>
    %add3A = arith.constant 1.000000e+00 : f32
    %add3A_3 = vector.broadcast %add3A : f32 to vector<1024x1xf32>
    %add3A_4 = arith.addf %broadcast_in_dim3A, %add3A_3 : vector<1024x1xf32>
    %rsqrt3A = math.rsqrt %add3A_4 : vector<1024x1xf32>
    %swap3A = arith.constant 0 : index
    %swap3A_5 = arith.constant 0 : index
    %swap3A_6 = vector.load %arg3[%swap3A, %swap3A_5] : memref<1024x1xf32, #tpu.memory_space<vmem>>, vector<1024x1xf32>
    tpu.vector_store %arg3[%swap3A, %swap3A_5], %rsqrt3A {strides = array<i32>} : memref<1024x1xf32, #tpu.memory_space<vmem>>, vector<1024x1xf32>,
    %get3A_7 = arith.constant 0 : index
    %get3A_8 = arith.constant 0 : index
    %get3A_9 = vector.load %arg2[%get3A_7, %get3A_8] : memref<1024x128xf32, #tpu.memory_space<vmem>>, vector<1024x128xf32>
    %mul3A = vector.broadcast %rsqrt3A : vector<1024x1xf32> to vector<1024x128xf32>
    %mul3A_10 = arith.mulf %mul3A, %get3A_9 : vector<1024x128xf32>
    %swap3A_11 = arith.constant 0 : index
    %swap3A_12 = arith.constant 0 : index
    %swap3A_13 = vector.load %arg4[%swap3A_11, %swap3A_12] : memref<1024x128xf32, #tpu.memory_space<vmem>>, vector<1024x128xf32>
    tpu.vector_store %arg4[%swap3A_11, %swap3A_12], %mul3A_10 {strides = array<i32>} : memref<1024x128xf32, #tpu.memory_space<vmem>>, vector<1024x128xf32>,
    return
  }
  func.func @transform_0(%arg0: i32) -> (i32, i32) {
    %c0_i32 = arith.constant 0 : i32
    %c0_i32_0 = arith.constant 0 : i32
    return %arg0, %c0_i32 : i32, i32
  }
  func.func @transform_1(%arg0: i32) -> (i32, i32) {
    %c0_i32 = arith.constant 0 : i32
    %c0_i32_0 = arith.constant 0 : i32
    return %arg0, %c0_i32 : i32, i32
  }
  func.func @transform_2(%arg0: i32) -> (i32, i32) {
    %c0_i32 = arith.constant 0 : i32
    %c0_i32_0 = arith.constant 0 : i32
    return %arg0, %c0_i32 : i32, i32
  }
  func.func @transform_3(%arg0: i32) -> (i32, i32) {
    %c0_i32 = arith.constant 0 : i32
    %c0_i32_0 = arith.constant 0 : i32
    return %arg0, %c0_i32 : i32, i32
  }
}

module attributes {stable_mosaic.version = 14 : i64} {
  func.func @body(%arg0: i32, %arg1: memref<2x1024x128xf32, #tpu.memory_space<vmem>>, %arg2: memref<1024x128xf32, #tpu.memory_space<vmem>>, %arg3: memref<1024x1xf32, #tpu.memory_space<vmem>>, %arg4: memref<1x128xf32, #tpu.memory_space<vmem>>, %arg5: memref<1024x128xf32, #tpu.memory_space<vmem>>) attributes {dimension_semantics = [#tpu.dimension_semantics<arbitrary>], iteration_bounds = array<i64: 10>, scalar_prefetch = 0 : i64, scratch_operands = 0 : i64, tpu.core_type = #tpu.core_type<tc>, window_params = [{transform_indices = @transform_0, window_bounds = array<i64: 2, 1024, 128>}, {transform_indices = @transform_1, window_bounds = array<i64: 1024, 128>}, {transform_indices = @transform_2, window_bounds = array<i64: 1024, 1>}, {pipeline_mode = #tpu.pipeline_mode<synchronous>, transform_indices = @transform_3, window_bounds = array<i64: 1, 128>}, {transform_indices = @transform_4, window_bounds = array<i64: 1024, 128>}]} {
    %get3A = arith.constant 0 : index
    %get3A_0 = arith.constant 0 : index
    %get3A_1 = arith.constant 0 : index
    %get3A_2 = vector.load %arg1[%get3A, %get3A_0, %get3A_1] : memref<2x1024x128xf32, #tpu.memory_space<vmem>>, vector<1x1024x128xf32>
    %get3A_3 = vector.shape_cast %get3A_2 : vector<1x1024x128xf32> to vector<1024x128xf32>
    %get3A_4 = arith.constant 1 : index
    %get3A_5 = arith.constant 0 : index
    %get3A_6 = arith.constant 0 : index
    %get3A_7 = vector.load %arg1[%get3A_4, %get3A_5, %get3A_6] : memref<2x1024x128xf32, #tpu.memory_space<vmem>>, vector<1x1024x128xf32>
    %get3A_8 = vector.shape_cast %get3A_7 : vector<1x1024x128xf32> to vector<1024x128xf32>
    %add3A = arith.addf %get3A_3, %get3A_8 : vector<1024x128xf32>
    %get3A_9 = arith.constant 0 : index
    %get3A_10 = arith.constant 0 : index
    %get3A_11 = vector.load %arg2[%get3A_9, %get3A_10] : memref<1024x128xf32, #tpu.memory_space<vmem>>, vector<1024x128xf32>
    %add3A_12 = arith.addf %add3A, %get3A_11 : vector<1024x128xf32>
    %get3A_13 = arith.constant 0 : index
    %get3A_14 = arith.constant 0 : index
    %get3A_15 = vector.load %arg3[%get3A_13, %get3A_14] : memref<1024x1xf32, #tpu.memory_space<vmem>>, vector<1024x1xf32>
    %mul3A = vector.broadcast %get3A_15 : vector<1024x1xf32> to vector<1024x128xf32>
    %mul3A_16 = arith.mulf %mul3A, %add3A_12 : vector<1024x128xf32>
    %get3A_17 = arith.constant 0 : index
    %get3A_18 = arith.constant 0 : index
    %get3A_19 = vector.load %arg4[%get3A_17, %get3A_18] : memref<1x128xf32, #tpu.memory_space<vmem>>, vector<1x128xf32>
    %add3A_20 = vector.broadcast %get3A_19 : vector<1x128xf32> to vector<1024x128xf32>
    %add3A_21 = arith.addf %mul3A_16, %add3A_20 : vector<1024x128xf32>
    %max3A = arith.constant 0.000000e+00 : f32
    %max3A_22 = vector.broadcast %max3A : f32 to vector<1024x128xf32>
    %max3A_23 = arith.maximumf %add3A_21, %max3A_22 : vector<1024x128xf32>
    %mul3A_24 = vector.broadcast %get3A_15 : vector<1024x1xf32> to vector<1024x128xf32>
    %mul3A_25 = arith.mulf %mul3A_24, %max3A_23 : vector<1024x128xf32>
    %swap3A = arith.constant 0 : index
    %swap3A_26 = arith.constant 0 : index
    %swap3A_27 = vector.load %arg5[%swap3A, %swap3A_26] : memref<1024x128xf32, #tpu.memory_space<vmem>>, vector<1024x128xf32>
    tpu.vector_store %arg5[%swap3A, %swap3A_26], %mul3A_25 {strides = array<i32>} : memref<1024x128xf32, #tpu.memory_space<vmem>>, vector<1024x128xf32>,
    return
  }
  func.func @transform_0(%arg0: i32) -> (i32, i32, i32) {
    %c0_i32 = arith.constant 0 : i32
    %c0_i32_0 = arith.constant 0 : i32
    %c0_i32_1 = arith.constant 0 : i32
    return %c0_i32, %arg0, %c0_i32_0 : i32, i32, i32
  }
  func.func @transform_1(%arg0: i32) -> (i32, i32) {
    %c0_i32 = arith.constant 0 : i32
    %c0_i32_0 = arith.constant 0 : i32
    return %arg0, %c0_i32 : i32, i32
  }
  func.func @transform_2(%arg0: i32) -> (i32, i32) {
    %c0_i32 = arith.constant 0 : i32
    %c0_i32_0 = arith.constant 0 : i32
    return %arg0, %c0_i32 : i32, i32
  }
  func.func @transform_3(%arg0: i32) -> (i32, i32) {
    %c0_i32 = arith.constant 0 : i32
    %c0_i32_0 = arith.constant 0 : i32
    %c0_i32_1 = arith.constant 0 : i32
    return %c0_i32, %c0_i32_0 : i32, i32
  }
  func.func @transform_4(%arg0: i32) -> (i32, i32) {
    %c0_i32 = arith.constant 0 : i32
    %c0_i32_0 = arith.constant 0 : i32
    return %arg0, %c0_i32 : i32, i32
  }
}

module attributes {stable_mosaic.version = 14 : i64} {
  func.func @body(%arg0: i32, %arg1: memref<2x1024x128xf32, #tpu.memory_space<vmem>>, %arg2: memref<1024x128xf32, #tpu.memory_space<vmem>>, %arg3: memref<1024x1xf32, #tpu.memory_space<vmem>>, %arg4: memref<1x40xf32, #tpu.memory_space<vmem>>, %arg5: memref<128x40xf32, #tpu.memory_space<vmem>>, %arg6: memref<1024x40xf32, #tpu.memory_space<vmem>>) attributes {dimension_semantics = [#tpu.dimension_semantics<arbitrary>], iteration_bounds = array<i64: 10>, scalar_prefetch = 0 : i64, scratch_operands = 0 : i64, tpu.core_type = #tpu.core_type<tc>, window_params = [{transform_indices = @transform_0, window_bounds = array<i64: 2, 1024, 128>}, {transform_indices = @transform_1, window_bounds = array<i64: 1024, 128>}, {transform_indices = @transform_2, window_bounds = array<i64: 1024, 1>}, {pipeline_mode = #tpu.pipeline_mode<synchronous>, transform_indices = @transform_3, window_bounds = array<i64: 1, 40>}, {pipeline_mode = #tpu.pipeline_mode<synchronous>, transform_indices = @transform_4, window_bounds = array<i64: 128, 40>}, {transform_indices = @transform_5, window_bounds = array<i64: 1024, 40>}]} {
    %get3A = arith.constant 0 : index
    %get3A_0 = arith.constant 0 : index
    %get3A_1 = vector.load %arg3[%get3A, %get3A_0] : memref<1024x1xf32, #tpu.memory_space<vmem>>, vector<1024x1xf32>
    %get3A_2 = arith.constant 0 : index
    %get3A_3 = arith.constant 0 : index
    %get3A_4 = arith.constant 0 : index
    %get3A_5 = vector.load %arg1[%get3A_2, %get3A_3, %get3A_4] : memref<2x1024x128xf32, #tpu.memory_space<vmem>>, vector<1x1024x128xf32>
    %get3A_6 = vector.shape_cast %get3A_5 : vector<1x1024x128xf32> to vector<1024x128xf32>
    %get3A_7 = arith.constant 1 : index
    %get3A_8 = arith.constant 0 : index
    %get3A_9 = arith.constant 0 : index
    %get3A_10 = vector.load %arg1[%get3A_7, %get3A_8, %get3A_9] : memref<2x1024x128xf32, #tpu.memory_space<vmem>>, vector<1x1024x128xf32>
    %get3A_11 = vector.shape_cast %get3A_10 : vector<1x1024x128xf32> to vector<1024x128xf32>
    %add3A = arith.addf %get3A_6, %get3A_11 : vector<1024x128xf32>
    %get3A_12 = arith.constant 0 : index
    %get3A_13 = arith.constant 0 : index
    %get3A_14 = vector.load %arg2[%get3A_12, %get3A_13] : memref<1024x128xf32, #tpu.memory_space<vmem>>, vector<1024x128xf32>
    %add3A_15 = arith.addf %add3A, %get3A_14 : vector<1024x128xf32>
    %mul3A = vector.broadcast %get3A_1 : vector<1024x1xf32> to vector<1024x128xf32>
    %mul3A_16 = arith.mulf %mul3A, %add3A_15 : vector<1024x128xf32>
    %get3A_17 = arith.constant 0 : index
    %get3A_18 = arith.constant 0 : index
    %get3A_19 = vector.load %arg5[%get3A_17, %get3A_18] : memref<128x40xf32, #tpu.memory_space<vmem>>, vector<128x40xf32>
    %dot_general3A = arith.constant dense<0.000000e+00> : vector<1024x40xf32>
    %dot_general3A_20 = tpu.matmul %mul3A_16, %get3A_19, %dot_general3A {dimension_numbers = #tpu.dot_dimension_numbers<[1], [0], [0], [1], [0, 0, 1, 1], [], []>, transpose_lhs_hint = false} : vector<1024x128xf32>, vector<128x40xf32>, vector<1024x40xf32> -> vector<1024x40xf32>
    %get3A_21 = arith.constant 0 : index
    %get3A_22 = arith.constant 0 : index
    %get3A_23 = vector.load %arg4[%get3A_21, %get3A_22] : memref<1x40xf32, #tpu.memory_space<vmem>>, vector<1x40xf32>
    %add3A_24 = vector.broadcast %get3A_23 : vector<1x40xf32> to vector<1024x40xf32>
    %add3A_25 = arith.addf %dot_general3A_20, %add3A_24 : vector<1024x40xf32>
    %swap3A = arith.constant 0 : index
    %swap3A_26 = arith.constant 0 : index
    %swap3A_27 = vector.load %arg6[%swap3A, %swap3A_26] : memref<1024x40xf32, #tpu.memory_space<vmem>>, vector<1024x40xf32>
    tpu.vector_store %arg6[%swap3A, %swap3A_26], %add3A_25 {strides = array<i32>} : memref<1024x40xf32, #tpu.memory_space<vmem>>, vector<1024x40xf32>,
    return
  }
  func.func @transform_0(%arg0: i32) -> (i32, i32, i32) {
    %c0_i32 = arith.constant 0 : i32
    %c0_i32_0 = arith.constant 0 : i32
    %c0_i32_1 = arith.constant 0 : i32
    return %c0_i32, %arg0, %c0_i32_0 : i32, i32, i32
  }
  func.func @transform_1(%arg0: i32) -> (i32, i32) {
    %c0_i32 = arith.constant 0 : i32
    %c0_i32_0 = arith.constant 0 : i32
    return %arg0, %c0_i32 : i32, i32
  }
  func.func @transform_2(%arg0: i32) -> (i32, i32) {
    %c0_i32 = arith.constant 0 : i32
    %c0_i32_0 = arith.constant 0 : i32
    return %arg0, %c0_i32 : i32, i32
  }
  func.func @transform_3(%arg0: i32) -> (i32, i32) {
    %c0_i32 = arith.constant 0 : i32
    %c0_i32_0 = arith.constant 0 : i32
    %c0_i32_1 = arith.constant 0 : i32
    return %c0_i32, %c0_i32_0 : i32, i32
  }
  func.func @transform_4(%arg0: i32) -> (i32, i32) {
    %c0_i32 = arith.constant 0 : i32
    %c0_i32_0 = arith.constant 0 : i32
    %c0_i32_1 = arith.constant 0 : i32
    return %c0_i32, %c0_i32_0 : i32, i32
  }
  func.func @transform_5(%arg0: i32) -> (i32, i32) {
    %c0_i32 = arith.constant 0 : i32
    %c0_i32_0 = arith.constant 0 : i32
    return %arg0, %c0_i32 : i32, i32
  }
}

</mosaic_0001>

<sc_bundles>
// kernel: kernel.12.cloned.1.call-start
scs
__scs_entry_jumppad:
0x0: {  	(pc) =	sbr.rel $0x88, $3  }
0x1: {  	(tag) =	ssettag $0x0;
	lr =	simm.s32 $0x1  }
0x2: {  	[smem:$0x3F9B] =	sst lr;
	_ =	strace $0xD0000000  }
0x3: {  	_ = 	snop  }
0x4: {  	_ = 	snop  }
0x5: {  	_ = 	snop  }
0x6: {  	_ = 	snop  }
0x7: {  	_ = 	snop  }
__scs_overlays_trampoline_lowered:
0x8: {  	[smem:$0x3FAA] =	sst s0  }
0x9: {  	[smem:$0x3FAB] =	sst s1  }
0xa: {  	[smem:$0x3FAC] =	sst s2  }
0xb: {  	[smem:$0x3FAD] =	sst s3  }
0xc: {  	[smem:$0x3FAE] =	sst s4  }
0xd: {  	[smem:$0x3FAF] =	sst s5  }
0xe: {  	[smem:$0x3FB0] =	sst s6  }
0xf: {  	[smem:$0x3FB1] =	sst s7  }
0x10: {  	[smem:$0x3FB2] =	sst s8  }
0x11: {  	[smem:$0x3FB3] =	sst s9;
	s0 =	simm.s32 @!p0 $0x0  }
0x12: {  	s1 =	sld [smem:$0x3F99];
	s0 =	simm.s32 @p0 $0x1  }
0x13: {  	[smem:$0x3FB4] =	sst s0;
	s0 =	simm.s32 @!p1 $0x0  }
0x14: {  	s2 =	sld [smem:$0x3F98];
	s0 =	simm.s32 @p1 $0x1  }
0x15: {  	[smem:$0x3FB5] =	sst s0;
	s0 =	simm.s32 @!p2 $0x0  }
0x16: {  	s3 =	sld [smem:$0x3FDB];
	s0 =	simm.s32 @p2 $0x1  }
0x17: {  	s4 =	simm.s32 $0x1BF5;
	[smem:$0x3FB7] =	sst s0  }
0x18: {  	s0 =	sld [smem:$0x3F9A];
	_ =	swait.ge [sflag:s4], $0x0  }
0x19: {  	s7 =	sld [smem:$0x3F9B]  }
0x1a: {  	s8 =	sadd.s32 $0xFFFFE003, lr  }
0x1b: {  	s9 =	sadd.s32 $0xFFFFFEF7, lr;
	s5 =	simm.s32 $0xFFFFFFFF;
	p2 =	slt.u32 s8, $0xFFFFF086  }
0x1c: {  	p1 =	slt.u32 s9, $0xF7A;
	s5 =	simm.s32 @!p2 $0x0  }
0x1d: {  	s5 =	simm.s32 @p1 $0x1;
	p0 =	seq.s32 s7, s2  }
0x1e: {  	s7 =	smul.u32 @!p0 $0xF7A, s2;
	p2 =	seq.s32 @!p0 s5, $0x0  }
0x1f: {  	s9 =	smul.u32 $0xF7A, s1;
	s8 =	simm.s32 @!p0 $0x1BF5;
	p2 =	por !p2, p0  }
0x20: {  	[sflag:s8] =	ssyncset.s32 @!p0 $0xFFFFF086;
	s6 =	sadd.s32 @!p0 s3, s7;
	s7 =	simm.s32 @!p0 $0x108  }
0x21: {  	s3 =	sadd.s32 s3, s9;
	s6 =	sadd.s32 @!p0 $0x88, s6;
	s7 =	simm.s32 @p2 $0x1082  }
0x22: {  	[simem:s7], [sflag:s8] =	dma.local @!p0 [hbm:s6], $0xF7A  }
0x23: {  	s9 =	sor.u32 $0xD0000000, s2;
	s6 =	simm.s32 $0x108;
	_ =	swait.ge @!p0 [sflag:s8], $0x0  }
0x24: {  	s3 =	sadd.s32 $0x88, s3;
	s6 =	simm.s32 @!p1 $0x1082;
	[sflag:s4] =	ssyncset.s32 $0xFFFFF086  }
0x25: {  	[simem:s6], [sflag:s4] =	dma.local [hbm:s3], $0xF7A  }
0x26: {  	[smem:$0x3F9B] =	sst s1;
	(tag) =	ssettag s2;
	_ =	strace s9  }
0x27: {  	s1 =	sld [smem:$0x3FAB]  }
0x28: {  	s2 =	sld [smem:$0x3FAC]  }
0x29: {  	s4 =	sld [smem:$0x3FAE]  }
0x2a: {  	p0 =	seq.s32 s5, $0x0;
	s5 =	sld [smem:$0x3FAF]  }
0x2b: {  	s6 =	sld [smem:$0x3FB0]  }
0x2c: {  	s7 =	sld [smem:$0x3FB1]  }
0x2d: {  	s3 =	simm.s32 $0x108;
	s8 =	sld [smem:$0x3FB2]  }
0x2e: {  	s3 =	simm.s32 @!p0 $0x1082;
	s9 =	sld [smem:$0x3FB3]  }
0x2f: {  	lr =	sadd.s32 s0, s3;
	s0 =	sld [smem:$0x3FAA]  }
0x30: {  	s3 =	sld [smem:$0x3FAD]  }
0x31: {  	[smem:$0x3FB6] =	sst s10  }
0x32: {  	s10 =	sld [smem:$0x3FB4];
	_ =	sdelay $0x3  }
0x33: {  	p0 =	seq.s32 s10, $0x1;
	s10 =	sld [smem:$0x3FB6];
	_ =	sdelay $0x3  }
0x34: {  	[smem:$0x3FB6] =	sst s10  }
0x35: {  	s10 =	sld [smem:$0x3FB5];
	_ =	sdelay $0x3  }
0x36: {  	p1 =	seq.s32 s10, $0x1;
	s10 =	sld [smem:$0x3FB6];
	_ =	sdelay $0x3  }
0x37: {  	[smem:$0x3FB6] =	sst s10  }
0x38: {  	s10 =	sld [smem:$0x3FB7]  }
0x39: {  	_ = 	snop;
	(pc) =	sbr.ind lr, $3  }
0x3a: {  	_ = 	snop  }
0x3b: {  	_ = 	snop  }
0x3c: {  	p2 =	seq.s32 s10, $0x1;
	s10 =	sld [smem:$0x3FB6]  }
0x3d: {  	_ =	shalt  }
0x3e: {  	_ =	shalt  }
0x3f: {  	_ =	shalt  }
0x40: {  	_ =	shalt  }
0x41: {  	_ =	shalt  }
0x42: {  	_ =	shalt  }
0x43: {  	_ =	shalt  }
0x44: {  	_ =	shalt  }
0x45: {  	_ =	shalt  }
0x46: {  	_ =	shalt  }
0x47: {  	_ =	shalt  }
0x48: {  	_ =	shalt  }
0x49: {  	_ =	shalt  }
0x4a: {  	_ =	shalt  }
0x4b: {  	_ =	shalt  }
0x4c: {  	_ =	shalt  }
0x4d: {  	_ =	shalt  }
0x4e: {  	_ =	shalt  }
0x4f: {  	_ =	shalt  }
0x50: {  	_ =	shalt  }
0x51: {  	_ =	shalt  }
0x52: {  	_ =	shalt  }
0x53: {  	_ =	shalt  }
0x54: {  	_ =	shalt  }
0x55: {  	_ =	shalt  }
0x56: {  	_ =	shalt  }
0x57: {  	_ =	shalt  }
0x58: {  	_ =	shalt  }
0x59: {  	_ =	shalt  }
0x5a: {  	_ =	shalt  }
0x5b: {  	_ =	shalt  }
0x5c: {  	_ =	shalt  }
0x5d: {  	_ =	shalt  }
0x5e: {  	_ =	shalt  }
0x5f: {  	_ =	shalt  }
0x60: {  	_ =	shalt  }
0x61: {  	_ =	shalt  }
0x62: {  	_ =	shalt  }
0x63: {  	_ =	shalt  }
0x64: {  	_ =	shalt  }
0x65: {  	_ =	shalt  }
0x66: {  	_ =	shalt  }
0x67: {  	_ =	shalt  }
0x68: {  	_ =	shalt  }
0x69: {  	_ =	shalt  }
0x6a: {  	_ =	shalt  }
0x6b: {  	_ =	shalt  }
0x6c: {  	_ =	shalt  }
0x6d: {  	_ =	shalt  }
0x6e: {  	_ =	shalt  }
0x6f: {  	_ =	shalt  }
0x70: {  	_ =	shalt  }
0x71: {  	_ =	shalt  }
0x72: {  	_ =	shalt  }
0x73: {  	_ =	shalt  }
0x74: {  	_ =	shalt  }
0x75: {  	_ =	shalt  }
0x76: {  	_ =	shalt  }
0x77: {  	_ =	shalt  }
0x78: {  	_ =	shalt  }
0x79: {  	_ =	shalt  }
0x7a: {  	_ =	shalt  }
0x7b: {  	_ =	shalt  }
0x7c: {  	_ =	shalt  }
0x7d: {  	_ =	shalt  }
0x7e: {  	_ =	shalt  }
0x7f: {  	_ =	shalt  }
0x80: {  	_ =	shalt  }
0x81: {  	_ =	shalt  }
0x82: {  	_ =	shalt  }
0x83: {  	_ =	shalt  }
0x84: {  	_ =	shalt  }
0x85: {  	_ =	shalt  }
0x86: {  	_ =	shalt  }
0x87: {  	_ =	shalt  }
.Lfunc_end0:
.L_simem_size_0:
called_computation.1_lowered:
.L_overlay_start_0:
0x88: {  	s2 =	sld [smem:$0x3FD9]  }
0x89: {  	s3 =	sld [smem:$0x3FFE];
	_ =	sdelay $0x1  }
0x8a: {  	s1 =	srdreg.scid  }
0x8b: {  	s0 =	sand.u32 $0x1, s1  }
0x8c: {  	s17 =	sshll.u32 s0, $0xA;
	s2 =	sadd.s32 s3, s2  }
0x8d: {  	s2 =	sadd.s32 s2, s17  }
0x8e: {  	[smem:$0x3FC2] =	sst s2  }
0x8f: {  	_ = 	snop  }
0x90: {  	s2 =	sld [smem:$0x3FD0];
	(tm) =	ssettm $0x1  }
0x91: {  	s18 =	sld [smem:$0x3FFB];
	_ =	sdelay $0x3  }
0x92: {  	_ =	strace s18  }
0x93: {  	s3 =	sld [smem:$0x3FFC];
	_ =	sdelay $0x3  }
0x94: {  	_ =	strace s3  }
0x95: {  	s3 =	sld [smem:$0x3FFD];
	_ =	sdelay $0x3  }
0x96: {  	_ =	strace s3  }
0x97: {  	_ =	strace $0x8FFFFFFF  }
0x98: {  	s19 =	sld [smem:$0x3FDB];
	_ =	sdelay $0x1  }
0x99: {  	s4 =	simm.s32 $_scs_section_size  }
0x9a: {  	s5 =	simm.s32 $_size__tile_overlayer_lowered;
	s6 =	simm.s32 $_tile_overlayer_lowered  }
0x9b: {  	s22 =	simm.s32 $0x1BFF;
	s21 =	sshll.u32 s6, $0x1;
	s3 =	sadd.s32 s4, s19  }
0x9c: {  	s7 =	simm.s32 $0x0;
	s20 =	sshll.u32 s5, $0x1;
	s5 =	sadd.s32 s21, s3  }
0x9d: {  	[timem:s7], [sflag:s22] =	dma.local [hbm:s5], s20  }
0x9e: {  	_ =	swait.ge [sflag:s22], s20  }
0x9f: {  	s4 =	ssub.s32 $0x0, s20;
	[sflag:s22] =	ssyncset.done $0x0  }
0xa0: {  	[sflag:s22] =	ssyncadd.s32 s4;
	_ =	sdelay $0x1  }
0xa1: {  	s23 =	simm.s32 $0x1B8B  }
0xa2: {  	_ =	swait.ge [sflag:s23], $0x1  }
0xa3: {  	[sflag:s23] =	ssyncset.done $0x0  }
0xa4: {  	s25 =	simm.s32 $0x1B8E;
	s24 =	sld [smem:$0x3FFE];
	[sflag:s23] =	ssyncadd.s32 $0xFFFFFFFF  }
0xa5: {  	s26 =	simm.s32 $execute0_lowered;
	[smem:$0x3FD2] =	sst s25  }
0xa6: {  	s5 =	sshll.u32 s26, $0x1;
	_ =	strace $0x80000049;
	[dreg:$0x1] =	wrdreg $0xFFFFFFFF  }
0xa7: {  	s28 =	simm.s32 $_size_execute0_lowered;
	s3 =	sadd.s32 s3, s5;
	[dreg:$0x0] =	wrdreg $0x0  }
0xa8: {  	s5 =	sshll.u32 s28, $0x1;
	[dreg:$0x2] =	wrdreg s3  }
0xa9: {  	[dreg:$0x3] =	wrdreg s5  }
0xaa: {  	[dreg:$0x4] =	wrdreg $0xC0  }
0xab: {  	_ =	task [dreg:s7], $0x5FFFF  }
0xac: {  	[dreg:$0x1] =	wrdreg $0xFFFFFFFF  }
0xad: {  	[dreg:$0x0] =	wrdreg $0x60  }
0xae: {  	[dreg:$0x2] =	wrdreg s2  }
0xaf: {  	[dreg:$0x3] =	wrdreg s24  }
0xb0: {  	[dreg:$0x4] =	wrdreg $0xA8000  }
0xb1: {  	[dreg:$0x5] =	wrdreg $0x9  }
0xb2: {  	_ =	task.clear_ibuf [dreg:s7], $0x6FFFF;
	_ =	strace $0x90000049  }
0xb3: {  	s29 =	simm.s32 $0x9;
	_ =	strace $0x8000004B  }
0xb4: {  	_ =	swait.ge [sflag:s29], $0x1  }
0xb5: {  	[sflag:s29] =	ssyncadd.s32 $0xFFFFFFFF  }
0xb6: {  	_ =	strace $0x9000004B  }
0xb7: {  	_ =	sfence  }
0xb8: {  	s30 =	sld [smem:$0x0];
	_ =	sdelay $0x2  }
0xb9: {  	s31 =	sshll.u32 s1, $0xD;
	s1 =	sshrl.u32 s1, $0x2  }
0xba: {  	s3 =	sand.u32 $0x4000, s31;
	s1 =	sadd.s32 s1, s30  }
0xbb: {  	s0 =	sor.u32 s3, s0;
	s1 =	sshll.u32 s1, $0x11  }
0xbc: {  	s0 =	sor.u32 s1, s0  }
0xbd: {  	s0 =	sadd.s32 $0x8F2B, s0  }
0xbe: {  	[sflag:s0] =	ssyncadd.remote.s32 $0x1  }
0xbf: {  	_ =	sfence.sel $0xFFFF  }
0xc0: {  	[dreg:$0x0] =	wrdreg $0xFFFFFFFF;
	(pc) =	sbr.abs _section_cstart, $3  }
0xc1: {  	[dreg:$0x1] =	wrdreg $0xFFFFFFFF  }
0xc2: {  	_ =	task.clear_ibuf [dreg:s7], $0x2FFFF;
	_ =	strace $0x9FFFFFFF  }
0xc3: {  	(tm) =	ssettm $0x7FFFFFFF  }
tec
execute0_lowered:
.L_overlay_start_1:
0x0: {  	(tag) =	ssettag $0x1  }
0x1: {  	s12 =	rddreg [dreg:$0x0]  }
0x2: {  	s6 =	rddreg [dreg:$0x1]  }
0x3: {  	s1 =	rddreg [dreg:$0x2]  }
0x4: {  	s2 =	srdreg.scid;
	s0 =	rddreg [dreg:$0x3];
	s3 =	simm.s32 $0x0  }
0x5: {  	s17 =	simm.s32 $0x3;
	s18 =	simm.s32 $0x1400;
	s19 =	simm.s32 $0x80  }
0x6: {  	s20 =	simm.s32 $0x6800;
	s21 =	simm.s32 $0x1;
	s22 =	simm.s32 $0x2  }
0x7: {  	s23 =	simm.s32 $0x2700;
	s24 =	simm.s32 $0x2780;
	s5 =	sand.u32 $0x1, s2  }
0x8: {  	s25 =	simm.s32 $0x0;
	s2 =	stileid.u32;
	s4 =	smul.u32 $0x140000, s5  }
0x9: {  	[smem:$0x7FF] =	sst s3;
	s13 =	sadd.s32 $0x2400, s6;
	s7 =	smul.u32 $0x14000, s2  }
0xa: {  	s8 =	smul.u32 $0x50000, s2;
	s9 =	sshll.u32 s2, $0x1;
	s10 =	ssub.s32 $0x2, s5  }
0xb: {  	_ =	strace $0x8000004A;
	s9 =	sor.u32 s5, s9;
	s31 =	sshrl.u32 s10, $0x1  }
0xc: {  	s7 =	sadd.s32 s7, s4;
	s4 =	sadd.s32 $0xC400, s6;
	s30 =	sshrl.u32 s8, $0x2  }
0xd: {  	s9 =	smul.u32 $0x2800, s9;
	s15 =	ssub.s32 s10, s31;
	s7 =	sshrl.u32 s7, $0x3  }
0xe: {  	s5 =	sadd.s32 s30, s1;
	s15 =	smax.u32 s15, $0x1;
	s14 =	sadd.s32 s7, s6  }
0xf: {  	s6 =	sadd.s32 $0x4000, s5;
	s7 =	sadd.s32 $0x8000, s5;
	s11 =	sshrl.u32 s9, $0x3  }
0x10: {  	s8 =	sadd.s32 $0xC000, s5;
	s9 =	sadd.s32 $0x10000, s5;
	s10 =	sadd.s32 s12, s11  }
0x11: {  	s16 =	sadd.s32 $0x280, s11;
	s11 =	sadd.s32 s13, s11;
	s14 =	sadd.s32 $0x34400, s14  }
0x12: {  	v0 =	vimm.f32 $0.0e+00;
	s12 =	sadd.s32 s12, s16;
	s13 =	sadd.s32 s13, s16;
	s16 =	simm.s32 $0x2800  }
.LBB2_1:
0x13: {  	s26 =	sand.u32 $0xFE00, s3  }
0x14: {  	s28 =	sand.u32 $0x70, s3;
	s29 =	sshrl.u32 s26, $0x2  }
0x15: {  	s26 =	simm.s32 $0x40;
	s29 =	sor.u32 s28, s29;
	s28 =	simm.s32 $0x0  }
.LBB2_2:
0x16: {  	p0 =	sne.s32 s26, $0xFFC0  }
0x17: {  	[tilespmem:s29+$0x2800] =	vst v0;
	s28 =	sadd.s32 $0x10, s28;
	s29 =	smov.u32 s26;
	s26 =	sadd.s32 $0x40, s26  }
.Ltmp0:
0x18: {  	(pc) =	sbr.rel @p0 .LBB2_2-.Ltmp0, $4  }
0x19: {  	_ = 	snop  }
0x1a: {  	s29 =	sand.u32 $0xFE00, s29  }
0x1b: {  	s30 =	sand.u32 $0x70, s28;
	s29 =	sshrl.u32 s29, $0x2  }
0x1c: {  	s29 =	sor.u32 s30, s29  }
0x1d: {  	[tilespmem:s29+$0x2800] =	vst v0  }
0x1e: {  	[spmem:s5] =	stream.linear.scatter [tilespmem:s16], [sflag:$0x3], $0x4000, $0x38;
	[tilespmem:$0x1E800] =	vst v63  }
0x1f: {  	_ =	swait.ge [sflag:s17], $0x4000  }
0x20: {  	[sflag:s17] =	ssyncset.done $0x0  }
0x21: {  	[sflag:s17] =	ssyncadd.s32 $0xFFFFC000  }
0x22: {  	[spmem:s6] =	stream.linear.scatter [tilespmem:s16], [sflag:$0x3], $0x4000, $0x38;
	[tilespmem:$0x1E800] =	vst v63  }
0x23: {  	_ =	swait.ge [sflag:s17], $0x4000  }
0x24: {  	[sflag:s17] =	ssyncset.done $0x0  }
0x25: {  	[sflag:s17] =	ssyncadd.s32 $0xFFFFC000  }
0x26: {  	[spmem:s7] =	stream.linear.scatter [tilespmem:s16], [sflag:$0x3], $0x4000, $0x38;
	[tilespmem:$0x1E800] =	vst v63  }
0x27: {  	_ =	swait.ge [sflag:s17], $0x4000  }
0x28: {  	[sflag:s17] =	ssyncset.done $0x0  }
0x29: {  	[sflag:s17] =	ssyncadd.s32 $0xFFFFC000  }
0x2a: {  	[spmem:s8] =	stream.linear.scatter [tilespmem:s16], [sflag:$0x3], $0x4000, $0x38;
	[tilespmem:$0x1E800] =	vst v63  }
0x2b: {  	_ =	swait.ge [sflag:s17], $0x4000  }
0x2c: {  	[sflag:s17] =	ssyncset.done $0x0  }
0x2d: {  	[sflag:s17] =	ssyncadd.s32 $0xFFFFC000  }
0x2e: {  	[spmem:s9] =	stream.linear.scatter [tilespmem:s16], [sflag:$0x3], $0x4000, $0x38;
	[tilespmem:$0x1E800] =	vst v63  }
0x2f: {  	_ =	swait.ge [sflag:s17], $0x4000  }
0x30: {  	[sflag:s17] =	ssyncset.done $0x0  }
0x31: {  	[sflag:s17] =	ssyncadd.s32 $0xFFFFC000  }
0x32: {  	s26 =	simm.s32 $0x0;
	[bflag:$0x0] =	sbarrier.arrive $0xFFFF  }
0x33: {  	[tilespmem:s26], [sflag:$0x3] =	stream.linear.gather [hbm4b:s10+s26], $0x1400, $0x38;
	[tilespmem:$0x1E800] =	vst v63  }
0x34: {  	_ =	swait.ge [sflag:s17], $0x1400  }
0x35: {  	[sflag:s17] =	ssyncset.done $0x0  }
0x36: {  	[sflag:s17] =	ssyncadd.s32 $0xFFFFEC00  }
0x37: {  	[tilespmem:s18], [sflag:$0x3] =	stream.linear.gather [hbm4b:s11+s26], $0x1400, $0x38;
	[tilespmem:$0x1E800] =	vst v63  }
0x38: {  	_ =	swait.ge [sflag:s17], $0x1400  }
0x39: {  	[sflag:s17] =	ssyncset.done $0x0  }
0x3a: {  	[sflag:s17] =	ssyncadd.s32 $0xFFFFEC00  }
0x3b: {  	[tilespmem:s16], [sflag:$0x1] =	stream.indirect.gather [hbm4b:s4+s19], $0x80, s26, s19, $0xb8;
	[tilespmem:$0x1E800] =	vst v63  }
0x3c: {  	_ = 	snop  }
0x3d: {  	[tilespmem:s20], [sflag:$0x2] =	stream.indirect.gather [hbm4b:s4+s19], $0x80, s19, s19, $0xb8;
	[tilespmem:$0x1E800] =	vst v63  }
0x3e: {  	_ =	swait.ge [sflag:s21], $0x4000  }
0x3f: {  	[sflag:s21] =	ssyncset.done $0x0  }
0x40: {  	s29 =	simm.s32 $0x1400;
	[sflag:s21] =	ssyncadd.s32 $0xFFFFC000  }
0x41: {  	[spmem:s1] =	stream.indirect.scatter.add.f32 [tilespmem:s16], [sflag:$0x3], $0x80, s29, s19, $0xb8;
	[tilespmem:$0x1E800] =	vst v63  }
0x42: {  	_ =	swait.ge [sflag:s17], $0x4000  }
0x43: {  	[sflag:s17] =	ssyncset.done $0x0  }
0x44: {  	s30 =	simm.s32 $0x100;
	[sflag:s17] =	ssyncadd.s32 $0xFFFFC000  }
0x45: {  	[tilespmem:s16], [sflag:$0x1] =	stream.indirect.gather [hbm4b:s4+s19], $0x80, s30, s19, $0xb8;
	[tilespmem:$0x1E800] =	vst v63  }
0x46: {  	_ =	swait.ge [sflag:s22], $0x4000  }
0x47: {  	[sflag:s22] =	ssyncset.done $0x0  }
0x48: {  	s31 =	simm.s32 $0x1480;
	[sflag:s22] =	ssyncadd.s32 $0xFFFFC000  }
0x49: {  	[spmem:s1] =	stream.indirect.scatter.add.f32 [tilespmem:s20], [sflag:$0x3], $0x80, s31, s19, $0xb8;
	[tilespmem:$0x1E800] =	vst v63  }
0x4a: {  	_ =	swait.ge [sflag:s17], $0x4000  }
0x4b: {  	[sflag:s17] =	ssyncset.done $0x0  }
0x4c: {  	s28 =	simm.s32 $0x180;
	s26 =	simm.s32 $0x400;
	[sflag:s17] =	ssyncadd.s32 $0xFFFFC000  }
.LBB2_4:
0x4d: {  	[tilespmem:s20], [sflag:$0x2] =	stream.indirect.gather [hbm4b:s4+s19], $0x80, s28, s19, $0xb8;
	[tilespmem:$0x1E800] =	vst v63  }
0x4e: {  	s28 =	smov.u32 s26  }
0x4f: {  	p0 =	sne.s32 s26, $0x4800;
	s26 =	sadd.s32 $0x400, s26;
	_ =	swait.ge [sflag:s21], $0x4000  }
0x50: {  	s28 =	sshra.s32 s28, $0x2;
	[sflag:s21] =	ssyncset.done $0x0  }
0x51: {  	s29 =	sadd.s32 $0x1400, s28;
	[sflag:s21] =	ssyncadd.s32 $0xFFFFC000  }
0x52: {  	[spmem:s1] =	stream.indirect.scatter.add.f32 [tilespmem:s16], [sflag:$0x3], $0x80, s29, s19, $0xb8;
	[tilespmem:$0x1E800] =	vst v63  }
0x53: {  	_ =	swait.ge [sflag:s17], $0x4000  }
0x54: {  	[sflag:s17] =	ssyncset.done $0x0  }
0x55: {  	s29 =	sadd.s32 $0x100, s28;
	[sflag:s17] =	ssyncadd.s32 $0xFFFFC000  }
0x56: {  	[tilespmem:s16], [sflag:$0x1] =	stream.indirect.gather [hbm4b:s4+s19], $0x80, s29, s19, $0xb8;
	[tilespmem:$0x1E800] =	vst v63  }
0x57: {  	_ =	swait.ge [sflag:s22], $0x4000  }
0x58: {  	[sflag:s22] =	ssyncset.done $0x0  }
.Ltmp1:
0x59: {  	s29 =	sadd.s32 $0x1480, s28;
	[sflag:s22] =	ssyncadd.s32 $0xFFFFC000;
	(pc) =	sbr.rel @p0 .LBB2_4-.Ltmp1, $4  }
0x5a: {  	[spmem:s1] =	stream.indirect.scatter.add.f32 [tilespmem:s20], [sflag:$0x3], $0x80, s29, s19, $0xb8;
	[tilespmem:$0x1E800] =	vst v63  }
0x5b: {  	_ =	swait.ge [sflag:s17], $0x4000  }
0x5c: {  	[sflag:s17] =	ssyncset.done $0x0  }
0x5d: {  	s28 =	sadd.s32 $0x180, s28;
	[sflag:s17] =	ssyncadd.s32 $0xFFFFC000  }
0x5e: {  	[tilespmem:s20], [sflag:$0x2] =	stream.indirect.gather [hbm4b:s4+s19], $0x80, s28, s19, $0xb8;
	[tilespmem:$0x1E800] =	vst v63  }
0x5f: {  	_ =	swait.ge [sflag:s21], $0x4000  }
0x60: {  	[sflag:s21] =	ssyncset.done $0x0  }
0x61: {  	[sflag:s21] =	ssyncadd.s32 $0xFFFFC000  }
0x62: {  	[spmem:s1] =	stream.indirect.scatter.add.f32 [tilespmem:s16], [sflag:$0x3], $0x80, s23, s19, $0xb8;
	[tilespmem:$0x1E800] =	vst v63  }
0x63: {  	_ =	swait.ge [sflag:s17], $0x4000  }
0x64: {  	[sflag:s17] =	ssyncset.done $0x0  }
0x65: {  	[sflag:s17] =	ssyncadd.s32 $0xFFFFC000  }
0x66: {  	_ =	swait.ge [sflag:s22], $0x4000  }
0x67: {  	[sflag:s22] =	ssyncset.done $0x0  }
0x68: {  	[sflag:s22] =	ssyncadd.s32 $0xFFFFC000  }
0x69: {  	[spmem:s1] =	stream.indirect.scatter.add.f32 [tilespmem:s20], [sflag:$0x3], $0x80, s24, s19, $0xb8;
	[tilespmem:$0x1E800] =	vst v63  }
0x6a: {  	_ =	swait.ge [sflag:s17], $0x4000  }
0x6b: {  	[sflag:s17] =	ssyncset.done $0x0  }
0x6c: {  	s26 =	simm.s32 $0x0;
	[sflag:s17] =	ssyncadd.s32 $0xFFFFC000  }
0x6d: {  	[tilespmem:s26], [sflag:$0x3] =	stream.linear.gather [hbm4b:s12+s26], $0x1400, $0x38;
	[tilespmem:$0x1E800] =	vst v63  }
0x6e: {  	_ =	swait.ge [sflag:s17], $0x1400  }
0x6f: {  	[sflag:s17] =	ssyncset.done $0x0  }
0x70: {  	[sflag:s17] =	ssyncadd.s32 $0xFFFFEC00  }
0x71: {  	[tilespmem:s18], [sflag:$0x3] =	stream.linear.gather [hbm4b:s13+s26], $0x1400, $0x38;
	[tilespmem:$0x1E800] =	vst v63  }
0x72: {  	_ =	swait.ge [sflag:s17], $0x1400  }
0x73: {  	[sflag:s17] =	ssyncset.done $0x0  }
0x74: {  	[sflag:s17] =	ssyncadd.s32 $0xFFFFEC00  }
0x75: {  	[tilespmem:s16], [sflag:$0x1] =	stream.indirect.gather [hbm4b:s4+s19], $0x80, s26, s19, $0xb8;
	[tilespmem:$0x1E800] =	vst v63  }
0x76: {  	_ = 	snop  }
0x77: {  	[tilespmem:s20], [sflag:$0x2] =	stream.indirect.gather [hbm4b:s4+s19], $0x80, s19, s19, $0xb8;
	[tilespmem:$0x1E800] =	vst v63  }
0x78: {  	_ =	swait.ge [sflag:s21], $0x4000  }
0x79: {  	[sflag:s21] =	ssyncset.done $0x0  }
0x7a: {  	s29 =	simm.s32 $0x1400;
	[sflag:s21] =	ssyncadd.s32 $0xFFFFC000  }
0x7b: {  	[spmem:s1] =	stream.indirect.scatter.add.f32 [tilespmem:s16], [sflag:$0x3], $0x80, s29, s19, $0xb8;
	[tilespmem:$0x1E800] =	vst v63  }
0x7c: {  	_ =	swait.ge [sflag:s17], $0x4000  }
0x7d: {  	[sflag:s17] =	ssyncset.done $0x0  }
0x7e: {  	s30 =	simm.s32 $0x100;
	[sflag:s17] =	ssyncadd.s32 $0xFFFFC000  }
0x7f: {  	[tilespmem:s16], [sflag:$0x1] =	stream.indirect.gather [hbm4b:s4+s19], $0x80, s30, s19, $0xb8;
	[tilespmem:$0x1E800] =	vst v63  }
0x80: {  	_ =	swait.ge [sflag:s22], $0x4000  }
0x81: {  	[sflag:s22] =	ssyncset.done $0x0  }
0x82: {  	s31 =	simm.s32 $0x1480;
	[sflag:s22] =	ssyncadd.s32 $0xFFFFC000  }
0x83: {  	[spmem:s1] =	stream.indirect.scatter.add.f32 [tilespmem:s20], [sflag:$0x3], $0x80, s31, s19, $0xb8;
	[tilespmem:$0x1E800] =	vst v63  }
0x84: {  	_ =	swait.ge [sflag:s17], $0x4000  }
0x85: {  	[sflag:s17] =	ssyncset.done $0x0  }
0x86: {  	s28 =	simm.s32 $0x180;
	s26 =	simm.s32 $0x400;
	[sflag:s17] =	ssyncadd.s32 $0xFFFFC000  }
.LBB2_6:
0x87: {  	[tilespmem:s20], [sflag:$0x2] =	stream.indirect.gather [hbm4b:s4+s19], $0x80, s28, s19, $0xb8;
	[tilespmem:$0x1E800] =	vst v63  }
0x88: {  	s28 =	smov.u32 s26  }
0x89: {  	p0 =	sne.s32 s26, $0x4800;
	s26 =	sadd.s32 $0x400, s26;
	_ =	swait.ge [sflag:s21], $0x4000  }
0x8a: {  	s28 =	sshra.s32 s28, $0x2;
	[sflag:s21] =	ssyncset.done $0x0  }
0x8b: {  	s29 =	sadd.s32 $0x1400, s28;
	[sflag:s21] =	ssyncadd.s32 $0xFFFFC000  }
0x8c: {  	[spmem:s1] =	stream.indirect.scatter.add.f32 [tilespmem:s16], [sflag:$0x3], $0x80, s29, s19, $0xb8;
	[tilespmem:$0x1E800] =	vst v63  }
0x8d: {  	_ =	swait.ge [sflag:s17], $0x4000  }
0x8e: {  	[sflag:s17] =	ssyncset.done $0x0  }
0x8f: {  	s29 =	sadd.s32 $0x100, s28;
	[sflag:s17] =	ssyncadd.s32 $0xFFFFC000  }
0x90: {  	[tilespmem:s16], [sflag:$0x1] =	stream.indirect.gather [hbm4b:s4+s19], $0x80, s29, s19, $0xb8;
	[tilespmem:$0x1E800] =	vst v63  }
0x91: {  	_ =	swait.ge [sflag:s22], $0x4000  }
0x92: {  	[sflag:s22] =	ssyncset.done $0x0  }
.Ltmp2:
0x93: {  	s29 =	sadd.s32 $0x1480, s28;
	[sflag:s22] =	ssyncadd.s32 $0xFFFFC000;
	(pc) =	sbr.rel @p0 .LBB2_6-.Ltmp2, $4  }
0x94: {  	[spmem:s1] =	stream.indirect.scatter.add.f32 [tilespmem:s20], [sflag:$0x3], $0x80, s29, s19, $0xb8;
	[tilespmem:$0x1E800] =	vst v63  }
0x95: {  	_ =	swait.ge [sflag:s17], $0x4000  }
0x96: {  	[sflag:s17] =	ssyncset.done $0x0  }
0x97: {  	s28 =	sadd.s32 $0x180, s28;
	[sflag:s17] =	ssyncadd.s32 $0xFFFFC000  }
0x98: {  	[tilespmem:s20], [sflag:$0x2] =	stream.indirect.gather [hbm4b:s4+s19], $0x80, s28, s19, $0xb8;
	[tilespmem:$0x1E800] =	vst v63  }
0x99: {  	_ =	swait.ge [sflag:s21], $0x4000  }
0x9a: {  	[sflag:s21] =	ssyncset.done $0x0  }
0x9b: {  	[sflag:s21] =	ssyncadd.s32 $0xFFFFC000  }
0x9c: {  	[spmem:s1] =	stream.indirect.scatter.add.f32 [tilespmem:s16], [sflag:$0x3], $0x80, s23, s19, $0xb8;
	[tilespmem:$0x1E800] =	vst v63  }
0x9d: {  	_ =	swait.ge [sflag:s17], $0x4000  }
0x9e: {  	[sflag:s17] =	ssyncset.done $0x0  }
0x9f: {  	[sflag:s17] =	ssyncadd.s32 $0xFFFFC000  }
0xa0: {  	_ =	swait.ge [sflag:s22], $0x4000  }
0xa1: {  	[sflag:s22] =	ssyncset.done $0x0  }
0xa2: {  	[sflag:s22] =	ssyncadd.s32 $0xFFFFC000  }
0xa3: {  	[spmem:s1] =	stream.indirect.scatter.add.f32 [tilespmem:s20], [sflag:$0x3], $0x80, s24, s19, $0xb8;
	[tilespmem:$0x1E800] =	vst v63  }
0xa4: {  	_ =	swait.ge [sflag:s17], $0x4000  }
0xa5: {  	s26 =	sshll.u32 s2, $0x6;
	s25 =	sadd.s32 $0x1, s25;
	[sflag:s17] =	ssyncset.done $0x0  }
0xa6: {  	s31 =	sshrl.u32 s5, $0x3;
	p0 =	sne.s32 s25, s15;
	[sflag:s17] =	ssyncadd.s32 $0xFFFFC000  }
.Ltmp3:
0xa7: {  	s26 =	sor.u32 $0x1C03, s26;
	[bflag:$0x0] =	sbarrier.arrive $0xFFFF;
	(pc) =	sbr.rel @p0 .LBB2_1-.Ltmp3, $4  }
0xa8: {  	[hbm:s14], [sflag:s26] =	dma.local [spmem:s31], $0x2800  }
0xa9: {  	_ =	swait.ge [sflag:s17], $0x2800  }
0xaa: {  	[sflag:s17] =	ssyncset.done $0x0  }
0xab: {  	[sflag:s17] =	ssyncadd.s32 $0xFFFFD800  }
0xac: {  	_ =	sfence.sel $0x180000  }
0xad: {  	[bflag:$0x0] =	sbarrier.arrive $0xFFFF  }
0xae: {  	p0 =	sne.s32 s2, $0x0;
	_ =	strace $0x9000004A  }
0xaf: {  	s0 =	sadd.s32 @!p0 $0x100000, s0;
	[bflag:$0x2] =	sbarrier.arrive $0xFFFF  }
0xb0: {  	[sflag:s0] =	ssyncadd.tile.s32 @!p0 $0x1;
	_ =	shalt  }
.Lfunc_end2:
_tile_overlayer_lowered:
.L_overlay_start_2:
0xb1: {  	(tag) =	ssettag $0x2  }
0xb2: {  	s0 =	rddreg [dreg:$0x0];
	s2 =	stileid.u32  }
0xb3: {  	s1 =	rddreg [dreg:$0x1];
	p0 =	sne.s32 s2, $0x0  }
0xb4: {  	s3 =	rddreg [dreg:$0x2];
	[bflag:$0x3] =	sbarrier.arrive $0xFFFF;
	s2 =	simm.s32 @!p0 $0x1C03  }
0xb5: {  	[timem:s3], [sflag:s2] =	dma.local @!p0 [hbm:s0], s1  }
0xb6: {  	s0 =	simm.s32 @!p0 $0x3  }
0xb7: {  	_ =	swait.ge @!p0 [sflag:s0], s1  }
0xb8: {  	s1 =	ssub.s32 @!p0 $0x0, s1;
	[sflag:s0] =	ssyncset.done @!p0 $0x0  }
0xb9: {  	[sflag:s0] =	ssyncadd.s32 @!p0 s1  }
0xba: {  	[bflag:$0x3] =	sbarrier.arrive $0xFFFF  }
0xbb: {  	_ =	shalt  }

// kernel: kernel.15.cloned.1.call-start
scs
__scs_entry_jumppad:
0x0: {  	(pc) =	sbr.rel $0x88, $3  }
0x1: {  	(tag) =	ssettag $0x0;
	lr =	simm.s32 $0x1  }
0x2: {  	[smem:$0x3F9B] =	sst lr;
	_ =	strace $0xD0000000  }
0x3: {  	_ = 	snop  }
0x4: {  	_ = 	snop  }
0x5: {  	_ = 	snop  }
0x6: {  	_ = 	snop  }
0x7: {  	_ = 	snop  }
__scs_overlays_trampoline_lowered:
0x8: {  	[smem:$0x3FAA] =	sst s0  }
0x9: {  	[smem:$0x3FAB] =	sst s1  }
0xa: {  	[smem:$0x3FAC] =	sst s2  }
0xb: {  	[smem:$0x3FAD] =	sst s3  }
0xc: {  	[smem:$0x3FAE] =	sst s4  }
0xd: {  	[smem:$0x3FAF] =	sst s5  }
0xe: {  	[smem:$0x3FB0] =	sst s6  }
0xf: {  	[smem:$0x3FB1] =	sst s7  }
0x10: {  	[smem:$0x3FB2] =	sst s8  }
0x11: {  	[smem:$0x3FB3] =	sst s9;
	s0 =	simm.s32 @!p0 $0x0  }
0x12: {  	s1 =	sld [smem:$0x3F99];
	s0 =	simm.s32 @p0 $0x1  }
0x13: {  	[smem:$0x3FB4] =	sst s0;
	s0 =	simm.s32 @!p1 $0x0  }
0x14: {  	s2 =	sld [smem:$0x3F98];
	s0 =	simm.s32 @p1 $0x1  }
0x15: {  	[smem:$0x3FB5] =	sst s0;
	s0 =	simm.s32 @!p2 $0x0  }
0x16: {  	s3 =	sld [smem:$0x3FDB];
	s0 =	simm.s32 @p2 $0x1  }
0x17: {  	s4 =	simm.s32 $0x1BF5;
	[smem:$0x3FB7] =	sst s0  }
0x18: {  	s0 =	sld [smem:$0x3F9A];
	_ =	swait.ge [sflag:s4], $0x0  }
0x19: {  	s7 =	sld [smem:$0x3F9B]  }
0x1a: {  	s8 =	sadd.s32 $0xFFFFE003, lr  }
0x1b: {  	s9 =	sadd.s32 $0xFFFFFEF7, lr;
	s5 =	simm.s32 $0xFFFFFFFF;
	p2 =	slt.u32 s8, $0xFFFFF086  }
0x1c: {  	p1 =	slt.u32 s9, $0xF7A;
	s5 =	simm.s32 @!p2 $0x0  }
0x1d: {  	s5 =	simm.s32 @p1 $0x1;
	p0 =	seq.s32 s7, s2  }
0x1e: {  	s7 =	smul.u32 @!p0 $0xF7A, s2;
	p2 =	seq.s32 @!p0 s5, $0x0  }
0x1f: {  	s9 =	smul.u32 $0xF7A, s1;
	s8 =	simm.s32 @!p0 $0x1BF5;
	p2 =	por !p2, p0  }
0x20: {  	[sflag:s8] =	ssyncset.s32 @!p0 $0xFFFFF086;
	s6 =	sadd.s32 @!p0 s3, s7;
	s7 =	simm.s32 @!p0 $0x108  }
0x21: {  	s3 =	sadd.s32 s3, s9;
	s6 =	sadd.s32 @!p0 $0x88, s6;
	s7 =	simm.s32 @p2 $0x1082  }
0x22: {  	[simem:s7], [sflag:s8] =	dma.local @!p0 [hbm:s6], $0xF7A  }
0x23: {  	s9 =	sor.u32 $0xD0000000, s2;
	s6 =	simm.s32 $0x108;
	_ =	swait.ge @!p0 [sflag:s8], $0x0  }
0x24: {  	s3 =	sadd.s32 $0x88, s3;
	s6 =	simm.s32 @!p1 $0x1082;
	[sflag:s4] =	ssyncset.s32 $0xFFFFF086  }
0x25: {  	[simem:s6], [sflag:s4] =	dma.local [hbm:s3], $0xF7A  }
0x26: {  	[smem:$0x3F9B] =	sst s1;
	(tag) =	ssettag s2;
	_ =	strace s9  }
0x27: {  	s1 =	sld [smem:$0x3FAB]  }
0x28: {  	s2 =	sld [smem:$0x3FAC]  }
0x29: {  	s4 =	sld [smem:$0x3FAE]  }
0x2a: {  	p0 =	seq.s32 s5, $0x0;
	s5 =	sld [smem:$0x3FAF]  }
0x2b: {  	s6 =	sld [smem:$0x3FB0]  }
0x2c: {  	s7 =	sld [smem:$0x3FB1]  }
0x2d: {  	s3 =	simm.s32 $0x108;
	s8 =	sld [smem:$0x3FB2]  }
0x2e: {  	s3 =	simm.s32 @!p0 $0x1082;
	s9 =	sld [smem:$0x3FB3]  }
0x2f: {  	lr =	sadd.s32 s0, s3;
	s0 =	sld [smem:$0x3FAA]  }
0x30: {  	s3 =	sld [smem:$0x3FAD]  }
0x31: {  	[smem:$0x3FB6] =	sst s10  }
0x32: {  	s10 =	sld [smem:$0x3FB4];
	_ =	sdelay $0x3  }
0x33: {  	p0 =	seq.s32 s10, $0x1;
	s10 =	sld [smem:$0x3FB6];
	_ =	sdelay $0x3  }
0x34: {  	[smem:$0x3FB6] =	sst s10  }
0x35: {  	s10 =	sld [smem:$0x3FB5];
	_ =	sdelay $0x3  }
0x36: {  	p1 =	seq.s32 s10, $0x1;
	s10 =	sld [smem:$0x3FB6];
	_ =	sdelay $0x3  }
0x37: {  	[smem:$0x3FB6] =	sst s10  }
0x38: {  	s10 =	sld [smem:$0x3FB7]  }
0x39: {  	_ = 	snop;
	(pc) =	sbr.ind lr, $3  }
0x3a: {  	_ = 	snop  }
0x3b: {  	_ = 	snop  }
0x3c: {  	p2 =	seq.s32 s10, $0x1;
	s10 =	sld [smem:$0x3FB6]  }
0x3d: {  	_ =	shalt  }
0x3e: {  	_ =	shalt  }
0x3f: {  	_ =	shalt  }
0x40: {  	_ =	shalt  }
0x41: {  	_ =	shalt  }
0x42: {  	_ =	shalt  }
0x43: {  	_ =	shalt  }
0x44: {  	_ =	shalt  }
0x45: {  	_ =	shalt  }
0x46: {  	_ =	shalt  }
0x47: {  	_ =	shalt  }
0x48: {  	_ =	shalt  }
0x49: {  	_ =	shalt  }
0x4a: {  	_ =	shalt  }
0x4b: {  	_ =	shalt  }
0x4c: {  	_ =	shalt  }
0x4d: {  	_ =	shalt  }
0x4e: {  	_ =	shalt  }
0x4f: {  	_ =	shalt  }
0x50: {  	_ =	shalt  }
0x51: {  	_ =	shalt  }
0x52: {  	_ =	shalt  }
0x53: {  	_ =	shalt  }
0x54: {  	_ =	shalt  }
0x55: {  	_ =	shalt  }
0x56: {  	_ =	shalt  }
0x57: {  	_ =	shalt  }
0x58: {  	_ =	shalt  }
0x59: {  	_ =	shalt  }
0x5a: {  	_ =	shalt  }
0x5b: {  	_ =	shalt  }
0x5c: {  	_ =	shalt  }
0x5d: {  	_ =	shalt  }
0x5e: {  	_ =	shalt  }
0x5f: {  	_ =	shalt  }
0x60: {  	_ =	shalt  }
0x61: {  	_ =	shalt  }
0x62: {  	_ =	shalt  }
0x63: {  	_ =	shalt  }
0x64: {  	_ =	shalt  }
0x65: {  	_ =	shalt  }
0x66: {  	_ =	shalt  }
0x67: {  	_ =	shalt  }
0x68: {  	_ =	shalt  }
0x69: {  	_ =	shalt  }
0x6a: {  	_ =	shalt  }
0x6b: {  	_ =	shalt  }
0x6c: {  	_ =	shalt  }
0x6d: {  	_ =	shalt  }
0x6e: {  	_ =	shalt  }
0x6f: {  	_ =	shalt  }
0x70: {  	_ =	shalt  }
0x71: {  	_ =	shalt  }
0x72: {  	_ =	shalt  }
0x73: {  	_ =	shalt  }
0x74: {  	_ =	shalt  }
0x75: {  	_ =	shalt  }
0x76: {  	_ =	shalt  }
0x77: {  	_ =	shalt  }
0x78: {  	_ =	shalt  }
0x79: {  	_ =	shalt  }
0x7a: {  	_ =	shalt  }
0x7b: {  	_ =	shalt  }
0x7c: {  	_ =	shalt  }
0x7d: {  	_ =	shalt  }
0x7e: {  	_ =	shalt  }
0x7f: {  	_ =	shalt  }
0x80: {  	_ =	shalt  }
0x81: {  	_ =	shalt  }
0x82: {  	_ =	shalt  }
0x83: {  	_ =	shalt  }
0x84: {  	_ =	shalt  }
0x85: {  	_ =	shalt  }
0x86: {  	_ =	shalt  }
0x87: {  	_ =	shalt  }
.Lfunc_end0:
.L_simem_size_0:
called_computation.2_lowered:
.L_overlay_start_0:
0x88: {  	s2 =	sld [smem:$0x3FD9]  }
0x89: {  	s3 =	sld [smem:$0x3FFE];
	_ =	sdelay $0x1  }
0x8a: {  	s1 =	srdreg.scid  }
0x8b: {  	s0 =	sand.u32 $0x1, s1  }
0x8c: {  	s17 =	sshll.u32 s0, $0xA;
	s2 =	sadd.s32 s3, s2  }
0x8d: {  	s2 =	sadd.s32 s2, s17  }
0x8e: {  	[smem:$0x3FC2] =	sst s2  }
0x8f: {  	_ = 	snop  }
0x90: {  	s2 =	sld [smem:$0x3FD0];
	(tm) =	ssettm $0x1  }
0x91: {  	s18 =	sld [smem:$0x3FFB];
	_ =	sdelay $0x3  }
0x92: {  	_ =	strace s18  }
0x93: {  	s3 =	sld [smem:$0x3FFC];
	_ =	sdelay $0x3  }
0x94: {  	_ =	strace s3  }
0x95: {  	s3 =	sld [smem:$0x3FFD];
	_ =	sdelay $0x3  }
0x96: {  	_ =	strace s3  }
0x97: {  	_ =	strace $0x8FFFFFFF  }
0x98: {  	s19 =	sld [smem:$0x3FDB];
	_ =	sdelay $0x1  }
0x99: {  	s4 =	simm.s32 $_scs_section_size  }
0x9a: {  	s5 =	simm.s32 $_size__tile_overlayer_lowered;
	s6 =	simm.s32 $_tile_overlayer_lowered  }
0x9b: {  	s22 =	simm.s32 $0x1BFF;
	s21 =	sshll.u32 s6, $0x1;
	s3 =	sadd.s32 s4, s19  }
0x9c: {  	s7 =	simm.s32 $0x0;
	s20 =	sshll.u32 s5, $0x1;
	s5 =	sadd.s32 s21, s3  }
0x9d: {  	[timem:s7], [sflag:s22] =	dma.local [hbm:s5], s20  }
0x9e: {  	_ =	swait.ge [sflag:s22], s20  }
0x9f: {  	s4 =	ssub.s32 $0x0, s20;
	[sflag:s22] =	ssyncset.done $0x0  }
0xa0: {  	[sflag:s22] =	ssyncadd.s32 s4;
	_ =	sdelay $0x1  }
0xa1: {  	s23 =	simm.s32 $0x1B8B  }
0xa2: {  	_ =	swait.ge [sflag:s23], $0x1  }
0xa3: {  	[sflag:s23] =	ssyncset.done $0x0  }
0xa4: {  	s25 =	simm.s32 $0x1B8E;
	s24 =	sld [smem:$0x3FFE];
	[sflag:s23] =	ssyncadd.s32 $0xFFFFFFFF  }
0xa5: {  	s26 =	simm.s32 $execute0_lowered;
	[smem:$0x3FD2] =	sst s25  }
0xa6: {  	s5 =	sshll.u32 s26, $0x1;
	_ =	strace $0x8000004C;
	[dreg:$0x1] =	wrdreg $0xFFFFFFFF  }
0xa7: {  	s28 =	simm.s32 $_size_execute0_lowered;
	s3 =	sadd.s32 s3, s5;
	[dreg:$0x0] =	wrdreg $0x0  }
0xa8: {  	s5 =	sshll.u32 s28, $0x1;
	[dreg:$0x2] =	wrdreg s3  }
0xa9: {  	[dreg:$0x3] =	wrdreg s5  }
0xaa: {  	[dreg:$0x4] =	wrdreg $0xC0  }
0xab: {  	_ =	task [dreg:s7], $0x5FFFF  }
0xac: {  	[dreg:$0x1] =	wrdreg $0xFFFFFFFF  }
0xad: {  	[dreg:$0x0] =	wrdreg $0x60  }
0xae: {  	[dreg:$0x2] =	wrdreg s2  }
0xaf: {  	[dreg:$0x3] =	wrdreg s24  }
0xb0: {  	[dreg:$0x4] =	wrdreg $0xA8000  }
0xb1: {  	[dreg:$0x5] =	wrdreg $0x9  }
0xb2: {  	_ =	task.clear_ibuf [dreg:s7], $0x6FFFF;
	_ =	strace $0x9000004C  }
0xb3: {  	s29 =	simm.s32 $0x9;
	_ =	strace $0x8000004E  }
0xb4: {  	_ =	swait.ge [sflag:s29], $0x1  }
0xb5: {  	[sflag:s29] =	ssyncadd.s32 $0xFFFFFFFF  }
0xb6: {  	_ =	strace $0x9000004E  }
0xb7: {  	_ =	sfence  }
0xb8: {  	s30 =	sld [smem:$0x0];
	_ =	sdelay $0x2  }
0xb9: {  	s31 =	sshll.u32 s1, $0xD;
	s1 =	sshrl.u32 s1, $0x2  }
0xba: {  	s3 =	sand.u32 $0x4000, s31;
	s1 =	sadd.s32 s1, s30  }
0xbb: {  	s0 =	sor.u32 s3, s0;
	s1 =	sshll.u32 s1, $0x11  }
0xbc: {  	s0 =	sor.u32 s1, s0  }
0xbd: {  	s0 =	sadd.s32 $0x8F2B, s0  }
0xbe: {  	[sflag:s0] =	ssyncadd.remote.s32 $0x1  }
0xbf: {  	_ =	sfence.sel $0xFFFF  }
0xc0: {  	[dreg:$0x0] =	wrdreg $0xFFFFFFFF;
	(pc) =	sbr.abs _section_cstart, $3  }
0xc1: {  	[dreg:$0x1] =	wrdreg $0xFFFFFFFF  }
0xc2: {  	_ =	task.clear_ibuf [dreg:s7], $0x2FFFF;
	_ =	strace $0x9FFFFFFF  }
0xc3: {  	(tm) =	ssettm $0x7FFFFFFF  }
tec
execute0_lowered:
.L_overlay_start_1:
0x0: {  	(tag) =	ssettag $0x1  }
0x1: {  	s12 =	rddreg [dreg:$0x0]  }
0x2: {  	s6 =	rddreg [dreg:$0x1]  }
0x3: {  	s1 =	rddreg [dreg:$0x2]  }
0x4: {  	s2 =	srdreg.scid;
	s0 =	rddreg [dreg:$0x3];
	s3 =	simm.s32 $0x0  }
0x5: {  	s17 =	simm.s32 $0x3;
	s18 =	simm.s32 $0x1400;
	s19 =	simm.s32 $0x80  }
0x6: {  	s20 =	simm.s32 $0x6800;
	s21 =	simm.s32 $0x1;
	s22 =	simm.s32 $0x2  }
0x7: {  	s23 =	simm.s32 $0x2700;
	s24 =	simm.s32 $0x2780;
	s5 =	sand.u32 $0x1, s2  }
0x8: {  	s25 =	simm.s32 $0x0;
	s2 =	stileid.u32;
	s4 =	smul.u32 $0x140000, s5  }
0x9: {  	[smem:$0x7FF] =	sst s3;
	s13 =	sadd.s32 $0x2400, s6;
	s7 =	smul.u32 $0x14000, s2  }
0xa: {  	s8 =	smul.u32 $0x50000, s2;
	s9 =	sshll.u32 s2, $0x1;
	s10 =	ssub.s32 $0x2, s5  }
0xb: {  	_ =	strace $0x8000004D;
	s9 =	sor.u32 s5, s9;
	s31 =	sshrl.u32 s10, $0x1  }
0xc: {  	s7 =	sadd.s32 s7, s4;
	s4 =	sadd.s32 $0xC400, s6;
	s30 =	sshrl.u32 s8, $0x2  }
0xd: {  	s9 =	smul.u32 $0x2800, s9;
	s15 =	ssub.s32 s10, s31;
	s7 =	sshrl.u32 s7, $0x3  }
0xe: {  	s5 =	sadd.s32 s30, s1;
	s15 =	smax.u32 s15, $0x1;
	s14 =	sadd.s32 s7, s6  }
0xf: {  	s6 =	sadd.s32 $0x4000, s5;
	s7 =	sadd.s32 $0x8000, s5;
	s11 =	sshrl.u32 s9, $0x3  }
0x10: {  	s8 =	sadd.s32 $0xC000, s5;
	s9 =	sadd.s32 $0x10000, s5;
	s10 =	sadd.s32 s12, s11  }
0x11: {  	s16 =	sadd.s32 $0x280, s11;
	s11 =	sadd.s32 s13, s11;
	s14 =	sadd.s32 $0x34400, s14  }
0x12: {  	v0 =	vimm.f32 $0.0e+00;
	s12 =	sadd.s32 s12, s16;
	s13 =	sadd.s32 s13, s16;
	s16 =	simm.s32 $0x2800  }
.LBB2_1:
0x13: {  	s26 =	sand.u32 $0xFE00, s3  }
0x14: {  	s28 =	sand.u32 $0x70, s3;
	s29 =	sshrl.u32 s26, $0x2  }
0x15: {  	s26 =	simm.s32 $0x40;
	s29 =	sor.u32 s28, s29;
	s28 =	simm.s32 $0x0  }
.LBB2_2:
0x16: {  	p0 =	sne.s32 s26, $0xFFC0  }
0x17: {  	[tilespmem:s29+$0x2800] =	vst v0;
	s28 =	sadd.s32 $0x10, s28;
	s29 =	smov.u32 s26;
	s26 =	sadd.s32 $0x40, s26  }
.Ltmp0:
0x18: {  	(pc) =	sbr.rel @p0 .LBB2_2-.Ltmp0, $4  }
0x19: {  	_ = 	snop  }
0x1a: {  	s29 =	sand.u32 $0xFE00, s29  }
0x1b: {  	s30 =	sand.u32 $0x70, s28;
	s29 =	sshrl.u32 s29, $0x2  }
0x1c: {  	s29 =	sor.u32 s30, s29  }
0x1d: {  	[tilespmem:s29+$0x2800] =	vst v0  }
0x1e: {  	[spmem:s5] =	stream.linear.scatter [tilespmem:s16], [sflag:$0x3], $0x4000, $0x38;
	[tilespmem:$0x1E800] =	vst v63  }
0x1f: {  	_ =	swait.ge [sflag:s17], $0x4000  }
0x20: {  	[sflag:s17] =	ssyncset.done $0x0  }
0x21: {  	[sflag:s17] =	ssyncadd.s32 $0xFFFFC000  }
0x22: {  	[spmem:s6] =	stream.linear.scatter [tilespmem:s16], [sflag:$0x3], $0x4000, $0x38;
	[tilespmem:$0x1E800] =	vst v63  }
0x23: {  	_ =	swait.ge [sflag:s17], $0x4000  }
0x24: {  	[sflag:s17] =	ssyncset.done $0x0  }
0x25: {  	[sflag:s17] =	ssyncadd.s32 $0xFFFFC000  }
0x26: {  	[spmem:s7] =	stream.linear.scatter [tilespmem:s16], [sflag:$0x3], $0x4000, $0x38;
	[tilespmem:$0x1E800] =	vst v63  }
0x27: {  	_ =	swait.ge [sflag:s17], $0x4000  }
0x28: {  	[sflag:s17] =	ssyncset.done $0x0  }
0x29: {  	[sflag:s17] =	ssyncadd.s32 $0xFFFFC000  }
0x2a: {  	[spmem:s8] =	stream.linear.scatter [tilespmem:s16], [sflag:$0x3], $0x4000, $0x38;
	[tilespmem:$0x1E800] =	vst v63  }
0x2b: {  	_ =	swait.ge [sflag:s17], $0x4000  }
0x2c: {  	[sflag:s17] =	ssyncset.done $0x0  }
0x2d: {  	[sflag:s17] =	ssyncadd.s32 $0xFFFFC000  }
0x2e: {  	[spmem:s9] =	stream.linear.scatter [tilespmem:s16], [sflag:$0x3], $0x4000, $0x38;
	[tilespmem:$0x1E800] =	vst v63  }
0x2f: {  	_ =	swait.ge [sflag:s17], $0x4000  }
0x30: {  	[sflag:s17] =	ssyncset.done $0x0  }
0x31: {  	[sflag:s17] =	ssyncadd.s32 $0xFFFFC000  }
0x32: {  	s26 =	simm.s32 $0x0;
	[bflag:$0x0] =	sbarrier.arrive $0xFFFF  }
0x33: {  	[tilespmem:s26], [sflag:$0x3] =	stream.linear.gather [hbm4b:s10+s26], $0x1400, $0x38;
	[tilespmem:$0x1E800] =	vst v63  }
0x34: {  	_ =	swait.ge [sflag:s17], $0x1400  }
0x35: {  	[sflag:s17] =	ssyncset.done $0x0  }
0x36: {  	[sflag:s17] =	ssyncadd.s32 $0xFFFFEC00  }
0x37: {  	[tilespmem:s18], [sflag:$0x3] =	stream.linear.gather [hbm4b:s11+s26], $0x1400, $0x38;
	[tilespmem:$0x1E800] =	vst v63  }
0x38: {  	_ =	swait.ge [sflag:s17], $0x1400  }
0x39: {  	[sflag:s17] =	ssyncset.done $0x0  }
0x3a: {  	[sflag:s17] =	ssyncadd.s32 $0xFFFFEC00  }
0x3b: {  	[tilespmem:s16], [sflag:$0x1] =	stream.indirect.gather [hbm4b:s4+s19], $0x80, s26, s19, $0xb8;
	[tilespmem:$0x1E800] =	vst v63  }
0x3c: {  	_ = 	snop  }
0x3d: {  	[tilespmem:s20], [sflag:$0x2] =	stream.indirect.gather [hbm4b:s4+s19], $0x80, s19, s19, $0xb8;
	[tilespmem:$0x1E800] =	vst v63  }
0x3e: {  	_ =	swait.ge [sflag:s21], $0x4000  }
0x3f: {  	[sflag:s21] =	ssyncset.done $0x0  }
0x40: {  	s29 =	simm.s32 $0x1400;
	[sflag:s21] =	ssyncadd.s32 $0xFFFFC000  }
0x41: {  	[spmem:s1] =	stream.indirect.scatter.add.f32 [tilespmem:s16], [sflag:$0x3], $0x80, s29, s19, $0xb8;
	[tilespmem:$0x1E800] =	vst v63  }
0x42: {  	_ =	swait.ge [sflag:s17], $0x4000  }
0x43: {  	[sflag:s17] =	ssyncset.done $0x0  }
0x44: {  	s30 =	simm.s32 $0x100;
	[sflag:s17] =	ssyncadd.s32 $0xFFFFC000  }
0x45: {  	[tilespmem:s16], [sflag:$0x1] =	stream.indirect.gather [hbm4b:s4+s19], $0x80, s30, s19, $0xb8;
	[tilespmem:$0x1E800] =	vst v63  }
0x46: {  	_ =	swait.ge [sflag:s22], $0x4000  }
0x47: {  	[sflag:s22] =	ssyncset.done $0x0  }
0x48: {  	s31 =	simm.s32 $0x1480;
	[sflag:s22] =	ssyncadd.s32 $0xFFFFC000  }
0x49: {  	[spmem:s1] =	stream.indirect.scatter.add.f32 [tilespmem:s20], [sflag:$0x3], $0x80, s31, s19, $0xb8;
	[tilespmem:$0x1E800] =	vst v63  }
0x4a: {  	_ =	swait.ge [sflag:s17], $0x4000  }
0x4b: {  	[sflag:s17] =	ssyncset.done $0x0  }
0x4c: {  	s28 =	simm.s32 $0x180;
	s26 =	simm.s32 $0x400;
	[sflag:s17] =	ssyncadd.s32 $0xFFFFC000  }
.LBB2_4:
0x4d: {  	[tilespmem:s20], [sflag:$0x2] =	stream.indirect.gather [hbm4b:s4+s19], $0x80, s28, s19, $0xb8;
	[tilespmem:$0x1E800] =	vst v63  }
0x4e: {  	s28 =	smov.u32 s26  }
0x4f: {  	p0 =	sne.s32 s26, $0x4800;
	s26 =	sadd.s32 $0x400, s26;
	_ =	swait.ge [sflag:s21], $0x4000  }
0x50: {  	s28 =	sshra.s32 s28, $0x2;
	[sflag:s21] =	ssyncset.done $0x0  }
0x51: {  	s29 =	sadd.s32 $0x1400, s28;
	[sflag:s21] =	ssyncadd.s32 $0xFFFFC000  }
0x52: {  	[spmem:s1] =	stream.indirect.scatter.add.f32 [tilespmem:s16], [sflag:$0x3], $0x80, s29, s19, $0xb8;
	[tilespmem:$0x1E800] =	vst v63  }
0x53: {  	_ =	swait.ge [sflag:s17], $0x4000  }
0x54: {  	[sflag:s17] =	ssyncset.done $0x0  }
0x55: {  	s29 =	sadd.s32 $0x100, s28;
	[sflag:s17] =	ssyncadd.s32 $0xFFFFC000  }
0x56: {  	[tilespmem:s16], [sflag:$0x1] =	stream.indirect.gather [hbm4b:s4+s19], $0x80, s29, s19, $0xb8;
	[tilespmem:$0x1E800] =	vst v63  }
0x57: {  	_ =	swait.ge [sflag:s22], $0x4000  }
0x58: {  	[sflag:s22] =	ssyncset.done $0x0  }
.Ltmp1:
0x59: {  	s29 =	sadd.s32 $0x1480, s28;
	[sflag:s22] =	ssyncadd.s32 $0xFFFFC000;
	(pc) =	sbr.rel @p0 .LBB2_4-.Ltmp1, $4  }
0x5a: {  	[spmem:s1] =	stream.indirect.scatter.add.f32 [tilespmem:s20], [sflag:$0x3], $0x80, s29, s19, $0xb8;
	[tilespmem:$0x1E800] =	vst v63  }
0x5b: {  	_ =	swait.ge [sflag:s17], $0x4000  }
0x5c: {  	[sflag:s17] =	ssyncset.done $0x0  }
0x5d: {  	s28 =	sadd.s32 $0x180, s28;
	[sflag:s17] =	ssyncadd.s32 $0xFFFFC000  }
0x5e: {  	[tilespmem:s20], [sflag:$0x2] =	stream.indirect.gather [hbm4b:s4+s19], $0x80, s28, s19, $0xb8;
	[tilespmem:$0x1E800] =	vst v63  }
0x5f: {  	_ =	swait.ge [sflag:s21], $0x4000  }
0x60: {  	[sflag:s21] =	ssyncset.done $0x0  }
0x61: {  	[sflag:s21] =	ssyncadd.s32 $0xFFFFC000  }
0x62: {  	[spmem:s1] =	stream.indirect.scatter.add.f32 [tilespmem:s16], [sflag:$0x3], $0x80, s23, s19, $0xb8;
	[tilespmem:$0x1E800] =	vst v63  }
0x63: {  	_ =	swait.ge [sflag:s17], $0x4000  }
0x64: {  	[sflag:s17] =	ssyncset.done $0x0  }
0x65: {  	[sflag:s17] =	ssyncadd.s32 $0xFFFFC000  }
0x66: {  	_ =	swait.ge [sflag:s22], $0x4000  }
0x67: {  	[sflag:s22] =	ssyncset.done $0x0  }
0x68: {  	[sflag:s22] =	ssyncadd.s32 $0xFFFFC000  }
0x69: {  	[spmem:s1] =	stream.indirect.scatter.add.f32 [tilespmem:s20], [sflag:$0x3], $0x80, s24, s19, $0xb8;
	[tilespmem:$0x1E800] =	vst v63  }
0x6a: {  	_ =	swait.ge [sflag:s17], $0x4000  }
0x6b: {  	[sflag:s17] =	ssyncset.done $0x0  }
0x6c: {  	s26 =	simm.s32 $0x0;
	[sflag:s17] =	ssyncadd.s32 $0xFFFFC000  }
0x6d: {  	[tilespmem:s26], [sflag:$0x3] =	stream.linear.gather [hbm4b:s12+s26], $0x1400, $0x38;
	[tilespmem:$0x1E800] =	vst v63  }
0x6e: {  	_ =	swait.ge [sflag:s17], $0x1400  }
0x6f: {  	[sflag:s17] =	ssyncset.done $0x0  }
0x70: {  	[sflag:s17] =	ssyncadd.s32 $0xFFFFEC00  }
0x71: {  	[tilespmem:s18], [sflag:$0x3] =	stream.linear.gather [hbm4b:s13+s26], $0x1400, $0x38;
	[tilespmem:$0x1E800] =	vst v63  }
0x72: {  	_ =	swait.ge [sflag:s17], $0x1400  }
0x73: {  	[sflag:s17] =	ssyncset.done $0x0  }
0x74: {  	[sflag:s17] =	ssyncadd.s32 $0xFFFFEC00  }
0x75: {  	[tilespmem:s16], [sflag:$0x1] =	stream.indirect.gather [hbm4b:s4+s19], $0x80, s26, s19, $0xb8;
	[tilespmem:$0x1E800] =	vst v63  }
0x76: {  	_ = 	snop  }
0x77: {  	[tilespmem:s20], [sflag:$0x2] =	stream.indirect.gather [hbm4b:s4+s19], $0x80, s19, s19, $0xb8;
	[tilespmem:$0x1E800] =	vst v63  }
0x78: {  	_ =	swait.ge [sflag:s21], $0x4000  }
0x79: {  	[sflag:s21] =	ssyncset.done $0x0  }
0x7a: {  	s29 =	simm.s32 $0x1400;
	[sflag:s21] =	ssyncadd.s32 $0xFFFFC000  }
0x7b: {  	[spmem:s1] =	stream.indirect.scatter.add.f32 [tilespmem:s16], [sflag:$0x3], $0x80, s29, s19, $0xb8;
	[tilespmem:$0x1E800] =	vst v63  }
0x7c: {  	_ =	swait.ge [sflag:s17], $0x4000  }
0x7d: {  	[sflag:s17] =	ssyncset.done $0x0  }
0x7e: {  	s30 =	simm.s32 $0x100;
	[sflag:s17] =	ssyncadd.s32 $0xFFFFC000  }
0x7f: {  	[tilespmem:s16], [sflag:$0x1] =	stream.indirect.gather [hbm4b:s4+s19], $0x80, s30, s19, $0xb8;
	[tilespmem:$0x1E800] =	vst v63  }
0x80: {  	_ =	swait.ge [sflag:s22], $0x4000  }
0x81: {  	[sflag:s22] =	ssyncset.done $0x0  }
0x82: {  	s31 =	simm.s32 $0x1480;
	[sflag:s22] =	ssyncadd.s32 $0xFFFFC000  }
0x83: {  	[spmem:s1] =	stream.indirect.scatter.add.f32 [tilespmem:s20], [sflag:$0x3], $0x80, s31, s19, $0xb8;
	[tilespmem:$0x1E800] =	vst v63  }
0x84: {  	_ =	swait.ge [sflag:s17], $0x4000  }
0x85: {  	[sflag:s17] =	ssyncset.done $0x0  }
0x86: {  	s28 =	simm.s32 $0x180;
	s26 =	simm.s32 $0x400;
	[sflag:s17] =	ssyncadd.s32 $0xFFFFC000  }
.LBB2_6:
0x87: {  	[tilespmem:s20], [sflag:$0x2] =	stream.indirect.gather [hbm4b:s4+s19], $0x80, s28, s19, $0xb8;
	[tilespmem:$0x1E800] =	vst v63  }
0x88: {  	s28 =	smov.u32 s26  }
0x89: {  	p0 =	sne.s32 s26, $0x4800;
	s26 =	sadd.s32 $0x400, s26;
	_ =	swait.ge [sflag:s21], $0x4000  }
0x8a: {  	s28 =	sshra.s32 s28, $0x2;
	[sflag:s21] =	ssyncset.done $0x0  }
0x8b: {  	s29 =	sadd.s32 $0x1400, s28;
	[sflag:s21] =	ssyncadd.s32 $0xFFFFC000  }
0x8c: {  	[spmem:s1] =	stream.indirect.scatter.add.f32 [tilespmem:s16], [sflag:$0x3], $0x80, s29, s19, $0xb8;
	[tilespmem:$0x1E800] =	vst v63  }
0x8d: {  	_ =	swait.ge [sflag:s17], $0x4000  }
0x8e: {  	[sflag:s17] =	ssyncset.done $0x0  }
0x8f: {  	s29 =	sadd.s32 $0x100, s28;
	[sflag:s17] =	ssyncadd.s32 $0xFFFFC000  }
0x90: {  	[tilespmem:s16], [sflag:$0x1] =	stream.indirect.gather [hbm4b:s4+s19], $0x80, s29, s19, $0xb8;
	[tilespmem:$0x1E800] =	vst v63  }
0x91: {  	_ =	swait.ge [sflag:s22], $0x4000  }
0x92: {  	[sflag:s22] =	ssyncset.done $0x0  }
.Ltmp2:
0x93: {  	s29 =	sadd.s32 $0x1480, s28;
	[sflag:s22] =	ssyncadd.s32 $0xFFFFC000;
	(pc) =	sbr.rel @p0 .LBB2_6-.Ltmp2, $4  }
0x94: {  	[spmem:s1] =	stream.indirect.scatter.add.f32 [tilespmem:s20], [sflag:$0x3], $0x80, s29, s19, $0xb8;
	[tilespmem:$0x1E800] =	vst v63  }
0x95: {  	_ =	swait.ge [sflag:s17], $0x4000  }
0x96: {  	[sflag:s17] =	ssyncset.done $0x0  }
0x97: {  	s28 =	sadd.s32 $0x180, s28;
	[sflag:s17] =	ssyncadd.s32 $0xFFFFC000  }
0x98: {  	[tilespmem:s20], [sflag:$0x2] =	stream.indirect.gather [hbm4b:s4+s19], $0x80, s28, s19, $0xb8;
	[tilespmem:$0x1E800] =	vst v63  }
0x99: {  	_ =	swait.ge [sflag:s21], $0x4000  }
0x9a: {  	[sflag:s21] =	ssyncset.done $0x0  }
0x9b: {  	[sflag:s21] =	ssyncadd.s32 $0xFFFFC000  }
0x9c: {  	[spmem:s1] =	stream.indirect.scatter.add.f32 [tilespmem:s16], [sflag:$0x3], $0x80, s23, s19, $0xb8;
	[tilespmem:$0x1E800] =	vst v63  }
0x9d: {  	_ =	swait.ge [sflag:s17], $0x4000  }
0x9e: {  	[sflag:s17] =	ssyncset.done $0x0  }
0x9f: {  	[sflag:s17] =	ssyncadd.s32 $0xFFFFC000  }
0xa0: {  	_ =	swait.ge [sflag:s22], $0x4000  }
0xa1: {  	[sflag:s22] =	ssyncset.done $0x0  }
0xa2: {  	[sflag:s22] =	ssyncadd.s32 $0xFFFFC000  }
0xa3: {  	[spmem:s1] =	stream.indirect.scatter.add.f32 [tilespmem:s20], [sflag:$0x3], $0x80, s24, s19, $0xb8;
	[tilespmem:$0x1E800] =	vst v63  }
0xa4: {  	_ =	swait.ge [sflag:s17], $0x4000  }
0xa5: {  	s26 =	sshll.u32 s2, $0x6;
	s25 =	sadd.s32 $0x1, s25;
	[sflag:s17] =	ssyncset.done $0x0  }
0xa6: {  	s31 =	sshrl.u32 s5, $0x3;
	p0 =	sne.s32 s25, s15;
	[sflag:s17] =	ssyncadd.s32 $0xFFFFC000  }
.Ltmp3:
0xa7: {  	s26 =	sor.u32 $0x1C03, s26;
	[bflag:$0x0] =	sbarrier.arrive $0xFFFF;
	(pc) =	sbr.rel @p0 .LBB2_1-.Ltmp3, $4  }
0xa8: {  	[hbm:s14], [sflag:s26] =	dma.local [spmem:s31], $0x2800  }
0xa9: {  	_ =	swait.ge [sflag:s17], $0x2800  }
0xaa: {  	[sflag:s17] =	ssyncset.done $0x0  }
0xab: {  	[sflag:s17] =	ssyncadd.s32 $0xFFFFD800  }
0xac: {  	_ =	sfence.sel $0x180000  }
0xad: {  	[bflag:$0x0] =	sbarrier.arrive $0xFFFF  }
0xae: {  	p0 =	sne.s32 s2, $0x0;
	_ =	strace $0x9000004D  }
0xaf: {  	s0 =	sadd.s32 @!p0 $0x100000, s0;
	[bflag:$0x2] =	sbarrier.arrive $0xFFFF  }
0xb0: {  	[sflag:s0] =	ssyncadd.tile.s32 @!p0 $0x1;
	_ =	shalt  }
.Lfunc_end2:
_tile_overlayer_lowered:
.L_overlay_start_2:
0xb1: {  	(tag) =	ssettag $0x2  }
0xb2: {  	s0 =	rddreg [dreg:$0x0];
	s2 =	stileid.u32  }
0xb3: {  	s1 =	rddreg [dreg:$0x1];
	p0 =	sne.s32 s2, $0x0  }
0xb4: {  	s3 =	rddreg [dreg:$0x2];
	[bflag:$0x3] =	sbarrier.arrive $0xFFFF;
	s2 =	simm.s32 @!p0 $0x1C03  }
0xb5: {  	[timem:s3], [sflag:s2] =	dma.local @!p0 [hbm:s0], s1  }
0xb6: {  	s0 =	simm.s32 @!p0 $0x3  }
0xb7: {  	_ =	swait.ge @!p0 [sflag:s0], s1  }
0xb8: {  	s1 =	ssub.s32 @!p0 $0x0, s1;
	[sflag:s0] =	ssyncset.done @!p0 $0x0  }
0xb9: {  	[sflag:s0] =	ssyncadd.s32 @!p0 s1  }
0xba: {  	[bflag:$0x3] =	sbarrier.arrive $0xFFFF  }
0xbb: {  	_ =	shalt  }

// kernel: kernel.9.cloned.1.call-start
scs
__scs_entry_jumppad:
0x0: {  	(pc) =	sbr.rel $0x88, $3  }
0x1: {  	(tag) =	ssettag $0x0;
	lr =	simm.s32 $0x1  }
0x2: {  	[smem:$0x3F9B] =	sst lr;
	_ =	strace $0xD0000000  }
0x3: {  	_ = 	snop  }
0x4: {  	_ = 	snop  }
0x5: {  	_ = 	snop  }
0x6: {  	_ = 	snop  }
0x7: {  	_ = 	snop  }
__scs_overlays_trampoline_lowered:
0x8: {  	[smem:$0x3FAA] =	sst s0  }
0x9: {  	[smem:$0x3FAB] =	sst s1  }
0xa: {  	[smem:$0x3FAC] =	sst s2  }
0xb: {  	[smem:$0x3FAD] =	sst s3  }
0xc: {  	[smem:$0x3FAE] =	sst s4  }
0xd: {  	[smem:$0x3FAF] =	sst s5  }
0xe: {  	[smem:$0x3FB0] =	sst s6  }
0xf: {  	[smem:$0x3FB1] =	sst s7  }
0x10: {  	[smem:$0x3FB2] =	sst s8  }
0x11: {  	[smem:$0x3FB3] =	sst s9;
	s0 =	simm.s32 @!p0 $0x0  }
0x12: {  	s1 =	sld [smem:$0x3F99];
	s0 =	simm.s32 @p0 $0x1  }
0x13: {  	[smem:$0x3FB4] =	sst s0;
	s0 =	simm.s32 @!p1 $0x0  }
0x14: {  	s2 =	sld [smem:$0x3F98];
	s0 =	simm.s32 @p1 $0x1  }
0x15: {  	[smem:$0x3FB5] =	sst s0;
	s0 =	simm.s32 @!p2 $0x0  }
0x16: {  	s3 =	sld [smem:$0x3FDB];
	s0 =	simm.s32 @p2 $0x1  }
0x17: {  	s4 =	simm.s32 $0x1BF5;
	[smem:$0x3FB7] =	sst s0  }
0x18: {  	s0 =	sld [smem:$0x3F9A];
	_ =	swait.ge [sflag:s4], $0x0  }
0x19: {  	s7 =	sld [smem:$0x3F9B]  }
0x1a: {  	s8 =	sadd.s32 $0xFFFFE003, lr  }
0x1b: {  	s9 =	sadd.s32 $0xFFFFFEF7, lr;
	s5 =	simm.s32 $0xFFFFFFFF;
	p2 =	slt.u32 s8, $0xFFFFF086  }
0x1c: {  	p1 =	slt.u32 s9, $0xF7A;
	s5 =	simm.s32 @!p2 $0x0  }
0x1d: {  	s5 =	simm.s32 @p1 $0x1;
	p0 =	seq.s32 s7, s2  }
0x1e: {  	s7 =	smul.u32 @!p0 $0xF7A, s2;
	p2 =	seq.s32 @!p0 s5, $0x0  }
0x1f: {  	s9 =	smul.u32 $0xF7A, s1;
	s8 =	simm.s32 @!p0 $0x1BF5;
	p2 =	por !p2, p0  }
0x20: {  	[sflag:s8] =	ssyncset.s32 @!p0 $0xFFFFF086;
	s6 =	sadd.s32 @!p0 s3, s7;
	s7 =	simm.s32 @!p0 $0x108  }
0x21: {  	s3 =	sadd.s32 s3, s9;
	s6 =	sadd.s32 @!p0 $0x88, s6;
	s7 =	simm.s32 @p2 $0x1082  }
0x22: {  	[simem:s7], [sflag:s8] =	dma.local @!p0 [hbm:s6], $0xF7A  }
0x23: {  	s9 =	sor.u32 $0xD0000000, s2;
	s6 =	simm.s32 $0x108;
	_ =	swait.ge @!p0 [sflag:s8], $0x0  }
0x24: {  	s3 =	sadd.s32 $0x88, s3;
	s6 =	simm.s32 @!p1 $0x1082;
	[sflag:s4] =	ssyncset.s32 $0xFFFFF086  }
0x25: {  	[simem:s6], [sflag:s4] =	dma.local [hbm:s3], $0xF7A  }
0x26: {  	[smem:$0x3F9B] =	sst s1;
	(tag) =	ssettag s2;
	_ =	strace s9  }
0x27: {  	s1 =	sld [smem:$0x3FAB]  }
0x28: {  	s2 =	sld [smem:$0x3FAC]  }
0x29: {  	s4 =	sld [smem:$0x3FAE]  }
0x2a: {  	p0 =	seq.s32 s5, $0x0;
	s5 =	sld [smem:$0x3FAF]  }
0x2b: {  	s6 =	sld [smem:$0x3FB0]  }
0x2c: {  	s7 =	sld [smem:$0x3FB1]  }
0x2d: {  	s3 =	simm.s32 $0x108;
	s8 =	sld [smem:$0x3FB2]  }
0x2e: {  	s3 =	simm.s32 @!p0 $0x1082;
	s9 =	sld [smem:$0x3FB3]  }
0x2f: {  	lr =	sadd.s32 s0, s3;
	s0 =	sld [smem:$0x3FAA]  }
0x30: {  	s3 =	sld [smem:$0x3FAD]  }
0x31: {  	[smem:$0x3FB6] =	sst s10  }
0x32: {  	s10 =	sld [smem:$0x3FB4];
	_ =	sdelay $0x3  }
0x33: {  	p0 =	seq.s32 s10, $0x1;
	s10 =	sld [smem:$0x3FB6];
	_ =	sdelay $0x3  }
0x34: {  	[smem:$0x3FB6] =	sst s10  }
0x35: {  	s10 =	sld [smem:$0x3FB5];
	_ =	sdelay $0x3  }
0x36: {  	p1 =	seq.s32 s10, $0x1;
	s10 =	sld [smem:$0x3FB6];
	_ =	sdelay $0x3  }
0x37: {  	[smem:$0x3FB6] =	sst s10  }
0x38: {  	s10 =	sld [smem:$0x3FB7]  }
0x39: {  	_ = 	snop;
	(pc) =	sbr.ind lr, $3  }
0x3a: {  	_ = 	snop  }
0x3b: {  	_ = 	snop  }
0x3c: {  	p2 =	seq.s32 s10, $0x1;
	s10 =	sld [smem:$0x3FB6]  }
0x3d: {  	_ =	shalt  }
0x3e: {  	_ =	shalt  }
0x3f: {  	_ =	shalt  }
0x40: {  	_ =	shalt  }
0x41: {  	_ =	shalt  }
0x42: {  	_ =	shalt  }
0x43: {  	_ =	shalt  }
0x44: {  	_ =	shalt  }
0x45: {  	_ =	shalt  }
0x46: {  	_ =	shalt  }
0x47: {  	_ =	shalt  }
0x48: {  	_ =	shalt  }
0x49: {  	_ =	shalt  }
0x4a: {  	_ =	shalt  }
0x4b: {  	_ =	shalt  }
0x4c: {  	_ =	shalt  }
0x4d: {  	_ =	shalt  }
0x4e: {  	_ =	shalt  }
0x4f: {  	_ =	shalt  }
0x50: {  	_ =	shalt  }
0x51: {  	_ =	shalt  }
0x52: {  	_ =	shalt  }
0x53: {  	_ =	shalt  }
0x54: {  	_ =	shalt  }
0x55: {  	_ =	shalt  }
0x56: {  	_ =	shalt  }
0x57: {  	_ =	shalt  }
0x58: {  	_ =	shalt  }
0x59: {  	_ =	shalt  }
0x5a: {  	_ =	shalt  }
0x5b: {  	_ =	shalt  }
0x5c: {  	_ =	shalt  }
0x5d: {  	_ =	shalt  }
0x5e: {  	_ =	shalt  }
0x5f: {  	_ =	shalt  }
0x60: {  	_ =	shalt  }
0x61: {  	_ =	shalt  }
0x62: {  	_ =	shalt  }
0x63: {  	_ =	shalt  }
0x64: {  	_ =	shalt  }
0x65: {  	_ =	shalt  }
0x66: {  	_ =	shalt  }
0x67: {  	_ =	shalt  }
0x68: {  	_ =	shalt  }
0x69: {  	_ =	shalt  }
0x6a: {  	_ =	shalt  }
0x6b: {  	_ =	shalt  }
0x6c: {  	_ =	shalt  }
0x6d: {  	_ =	shalt  }
0x6e: {  	_ =	shalt  }
0x6f: {  	_ =	shalt  }
0x70: {  	_ =	shalt  }
0x71: {  	_ =	shalt  }
0x72: {  	_ =	shalt  }
0x73: {  	_ =	shalt  }
0x74: {  	_ =	shalt  }
0x75: {  	_ =	shalt  }
0x76: {  	_ =	shalt  }
0x77: {  	_ =	shalt  }
0x78: {  	_ =	shalt  }
0x79: {  	_ =	shalt  }
0x7a: {  	_ =	shalt  }
0x7b: {  	_ =	shalt  }
0x7c: {  	_ =	shalt  }
0x7d: {  	_ =	shalt  }
0x7e: {  	_ =	shalt  }
0x7f: {  	_ =	shalt  }
0x80: {  	_ =	shalt  }
0x81: {  	_ =	shalt  }
0x82: {  	_ =	shalt  }
0x83: {  	_ =	shalt  }
0x84: {  	_ =	shalt  }
0x85: {  	_ =	shalt  }
0x86: {  	_ =	shalt  }
0x87: {  	_ =	shalt  }
.Lfunc_end0:
.L_simem_size_0:
called_computation_lowered:
.L_overlay_start_0:
0x88: {  	s2 =	sld [smem:$0x3FD9]  }
0x89: {  	s3 =	sld [smem:$0x3FFE];
	_ =	sdelay $0x1  }
0x8a: {  	s1 =	srdreg.scid  }
0x8b: {  	s0 =	sand.u32 $0x1, s1  }
0x8c: {  	s16 =	sshll.u32 s0, $0xA;
	s2 =	sadd.s32 s3, s2  }
0x8d: {  	s2 =	sadd.s32 s2, s16  }
0x8e: {  	[smem:$0x3FC2] =	sst s2  }
0x8f: {  	_ = 	snop  }
0x90: {  	(tm) =	ssettm $0x1  }
0x91: {  	s17 =	sld [smem:$0x3FFB];
	_ =	sdelay $0x3  }
0x92: {  	_ =	strace s17  }
0x93: {  	s2 =	sld [smem:$0x3FFC];
	_ =	sdelay $0x3  }
0x94: {  	_ =	strace s2  }
0x95: {  	s2 =	sld [smem:$0x3FFD];
	_ =	sdelay $0x3  }
0x96: {  	_ =	strace s2  }
0x97: {  	_ =	strace $0x8FFFFFFF  }
0x98: {  	s18 =	sld [smem:$0x3FDB];
	_ =	sdelay $0x1  }
0x99: {  	s19 =	simm.s32 $_scs_section_size  }
0x9a: {  	s4 =	simm.s32 $_size__tile_overlayer_lowered;
	s5 =	simm.s32 $_tile_overlayer_lowered  }
0x9b: {  	s22 =	simm.s32 $0x1BFF;
	s21 =	sshll.u32 s5, $0x1;
	s2 =	sadd.s32 s19, s18  }
0x9c: {  	s6 =	simm.s32 $0x0;
	s20 =	sshll.u32 s4, $0x1;
	s4 =	sadd.s32 s21, s2  }
0x9d: {  	[timem:s6], [sflag:s22] =	dma.local [hbm:s4], s20  }
0x9e: {  	_ =	swait.ge [sflag:s22], s20  }
0x9f: {  	s3 =	ssub.s32 $0x0, s20;
	[sflag:s22] =	ssyncset.done $0x0  }
0xa0: {  	[sflag:s22] =	ssyncadd.s32 s3;
	_ =	sdelay $0x1  }
0xa1: {  	s23 =	simm.s32 $0x1B8B  }
0xa2: {  	_ =	swait.ge [sflag:s23], $0x1  }
0xa3: {  	[sflag:s23] =	ssyncset.done $0x0  }
0xa4: {  	s25 =	simm.s32 $0x1B8E;
	s24 =	sld [smem:$0x3FFE];
	[sflag:s23] =	ssyncadd.s32 $0xFFFFFFFF  }
0xa5: {  	s26 =	simm.s32 $execute0_lowered;
	[smem:$0x3FD2] =	sst s25  }
0xa6: {  	s4 =	sshll.u32 s26, $0x1;
	_ =	strace $0x80000046;
	[dreg:$0x1] =	wrdreg $0xFFFFFFFF  }
0xa7: {  	s28 =	simm.s32 $_size_execute0_lowered;
	s2 =	sadd.s32 s2, s4;
	[dreg:$0x0] =	wrdreg $0x0  }
0xa8: {  	s4 =	sshll.u32 s28, $0x1;
	[dreg:$0x2] =	wrdreg s2  }
0xa9: {  	[dreg:$0x3] =	wrdreg s4  }
0xaa: {  	[dreg:$0x4] =	wrdreg $0xC0  }
0xab: {  	_ =	task [dreg:s6], $0x5FFFF  }
0xac: {  	[dreg:$0x1] =	wrdreg $0xFFFFFFFF  }
0xad: {  	[dreg:$0x0] =	wrdreg $0x60  }
0xae: {  	[dreg:$0x2] =	wrdreg s24  }
0xaf: {  	[dreg:$0x3] =	wrdreg $0x9  }
0xb0: {  	_ =	task.clear_ibuf [dreg:s6], $0x4FFFF;
	_ =	strace $0x90000046  }
0xb1: {  	s29 =	simm.s32 $0x9;
	_ =	strace $0x80000048  }
0xb2: {  	_ =	swait.ge [sflag:s29], $0x1  }
0xb3: {  	[sflag:s29] =	ssyncadd.s32 $0xFFFFFFFF  }
0xb4: {  	_ =	strace $0x90000048  }
0xb5: {  	_ =	sfence  }
0xb6: {  	s30 =	sld [smem:$0x0];
	_ =	sdelay $0x2  }
0xb7: {  	s31 =	sshll.u32 s1, $0xD;
	s1 =	sshrl.u32 s1, $0x2  }
0xb8: {  	s3 =	sand.u32 $0x4000, s31;
	s1 =	sadd.s32 s1, s30  }
0xb9: {  	s0 =	sor.u32 s3, s0;
	s1 =	sshll.u32 s1, $0x11  }
0xba: {  	s0 =	sor.u32 s1, s0  }
0xbb: {  	s0 =	sadd.s32 $0x8F2B, s0  }
0xbc: {  	[sflag:s0] =	ssyncadd.remote.s32 $0x1  }
0xbd: {  	_ =	sfence.sel $0xFFFF  }
0xbe: {  	[dreg:$0x0] =	wrdreg $0xFFFFFFFF;
	(pc) =	sbr.abs _section_cstart, $3  }
0xbf: {  	[dreg:$0x1] =	wrdreg $0xFFFFFFFF  }
0xc0: {  	_ =	task.clear_ibuf [dreg:s6], $0x2FFFF;
	_ =	strace $0x9FFFFFFF  }
0xc1: {  	(tm) =	ssettm $0x7FFFFFFF  }
tec
execute0_lowered:
.L_overlay_start_1:
0x0: {  	(tag) =	ssettag $0x1  }
0x1: {  	s1 =	srdreg.scid  }
0x2: {  	s0 =	stileid.u32;
	s5 =	rddreg [dreg:$0x0]  }
0x3: {  	s2 =	simm.s32 $0x0;
	s8 =	simm.s32 $0x80;
	s9 =	simm.s32 $0x400  }
0x4: {  	s10 =	simm.s32 $0x0;
	s3 =	sand.u32 $0x1, s1;
	s29 =	sshll.u32 s0, $0x1  }
0x5: {  	s30 =	sshrl.u32 s0, $0x2;
	s1 =	rddreg [dreg:$0x1];
	s4 =	sor.u32 s3, s29  }
0x6: {  	[smem:$0x7FF] =	sst s2;
	s6 =	smul.u32 $0x14000, s30;
	s7 =	sshll.u32 s4, $0x7  }
0x7: {  	s3 =	ssub.s32 $0x2, s3;
	s4 =	smul.u32 $0x500, s4;
	s7 =	sand.u32 $0x380, s7  }
0x8: {  	_ =	strace $0x80000047;
	s31 =	sshrl.u32 s3, $0x1;
	s6 =	sor.u32 s6, s7  }
0x9: {  	s4 =	sadd.s32 s4, s5;
	s7 =	simm.s32 $0x2800;
	s6 =	sshrl.u32 s6, $0x3  }
0xa: {  	s5 =	sadd.s32 s6, s5;
	s6 =	ssub.s32 s3, s31;
	s3 =	sadd.s32 $0x2400, s4  }
0xb: {  	v0 =	vimm.f32 $0.0e+00;
	v1 =	vimm.f32 $1.000000000e+00;
	s4 =	sadd.s32 $0xC400, s5;
	s5 =	smax.u32 s6, $0x1;
	s6 =	simm.s32 $0x1  }
.LBB2_1:
0xc: {  	[tilespmem:s2], [sflag:$0x1] =	stream.linear.gather [hbm4b:s3+s2], $0x2800, $0x38;
	[tilespmem:$0x5000] =	vst v63  }
0xd: {  	_ =	swait.ge [sflag:s6], $0x2800  }
0xe: {  	[sflag:s6] =	ssyncset.done $0x0  }
0xf: {  	s11 =	simm.s32 $0x0;
	[sflag:s6] =	ssyncadd.s32 $0xFFFFD800  }
.LBB2_2:
0x10: {  	p0 =	sne.s32 s11, $0x9FC0  }
.Ltmp0:
0x11: {  	_ = 	snop;
	(pc) =	sbr.rel @p0 .LBB2_2-.Ltmp0, $3  }
0x12: {  	_ =	sdelay $0x1  }
0x13: {  	s12 =	sshra.s32 s11, $0x2  }
0x14: {  	s11 =	sadd.s32 $0x40, s11;
	[tilespmem:s12+$0x2800] =	vst v0  }
0x15: {  	s11 =	simm.s32 $0x0  }
0x16: {  	s12 =	sand.u32 $0xFE00, s11  }
0x17: {  	s11 =	sand.u32 $0x70, s11;
	s12 =	sshrl.u32 s12, $0x2  }
0x18: {  	s11 =	sor.u32 s11, s12  }
0x19: {  	v2 =	vld [tilespmem:s11+$0x0];
	_ =	sdelay $0x4  }
0x1a: {  	s13 =	simm.s32 $0x40  }
0x1b: {  	s13 =	sand.u32 $0xFE00, s13;
	s12 =	simm.s32 $0x80;
	s11 =	simm.s32 $0x10  }
.LBB2_4:
0x1c: {  	p0 =	sne.s32 s12, $0x9FC0;
	s14 =	sand.u32 $0x70, s11;
	s13 =	sshrl.u32 s13, $0x2  }
0x1d: {  	s13 =	sor.u32 s14, s13;
	[tilespmem:v2+s7+$0x0] =	vst.idx.add.f32.msk $0xffff, v1  }
0x1e: {  	v2 =	vld [tilespmem:s13+$0x0];
	_ =	sdelay $0x1  }
.Ltmp1:
0x1f: {  	(pc) =	sbr.rel @p0 .LBB2_4-.Ltmp1, $2  }
0x20: {  	_ =	sdelay $0x2  }
0x21: {  	s11 =	sadd.s32 $0x10, s11;
	s13 =	sand.u32 $0xFE00, s12;
	s12 =	sadd.s32 $0x40, s12  }
0x22: {  	_ =	sdelay $0x2  }
0x23: {  	s11 =	sand.u32 $0x70, s11;
	s12 =	sshrl.u32 s13, $0x2  }
0x24: {  	[tilespmem:v2+s7+$0x0] =	vst.idx.add.f32.msk $0xffff, v1;
	s11 =	sor.u32 s11, s12  }
0x25: {  	v2 =	vld [tilespmem:s11+$0x0];
	_ =	sdelay $0x5  }
0x26: {  	s10 =	sadd.s32 $0x1, s10  }
0x27: {  	p0 =	sne.s32 s10, s5  }
.Ltmp2:
0x28: {  	[tilespmem:v2+s7+$0x0] =	vst.idx.add.f32.msk $0xffff, v1;
	(pc) =	sbr.rel @p0 .LBB2_1-.Ltmp2, $4  }
0x29: {  	[hbm4b:s4+s8] =	stream.strided.scatter [tilespmem:s7], [sflag:$0x1], $0x2800, s9, s8, $0x38;
	[tilespmem:$0x5000] =	vst v63  }
0x2a: {  	_ =	swait.ge [sflag:s6], $0x2800  }
0x2b: {  	[sflag:s6] =	ssyncset.done $0x0  }
0x2c: {  	[sflag:s6] =	ssyncadd.s32 $0xFFFFD800  }
0x2d: {  	_ =	sfence.sel $0x180000  }
0x2e: {  	[bflag:$0x0] =	sbarrier.arrive $0xFFFF  }
0x2f: {  	p0 =	sne.s32 s0, $0x0;
	_ =	strace $0x90000047  }
0x30: {  	s0 =	sadd.s32 @!p0 $0x100000, s1;
	[bflag:$0x2] =	sbarrier.arrive $0xFFFF  }
0x31: {  	[sflag:s0] =	ssyncadd.tile.s32 @!p0 $0x1;
	_ =	shalt  }
.Lfunc_end2:
_tile_overlayer_lowered:
.L_overlay_start_2:
0x32: {  	(tag) =	ssettag $0x2  }
0x33: {  	s0 =	rddreg [dreg:$0x0];
	s2 =	stileid.u32  }
0x34: {  	s1 =	rddreg [dreg:$0x1];
	p0 =	sne.s32 s2, $0x0  }
0x35: {  	s3 =	rddreg [dreg:$0x2];
	[bflag:$0x3] =	sbarrier.arrive $0xFFFF;
	s2 =	simm.s32 @!p0 $0x1C01  }
0x36: {  	[timem:s3], [sflag:s2] =	dma.local @!p0 [hbm:s0], s1  }
0x37: {  	s0 =	simm.s32 @!p0 $0x1  }
0x38: {  	_ =	swait.ge @!p0 [sflag:s0], s1  }
0x39: {  	s1 =	ssub.s32 @!p0 $0x0, s1;
	[sflag:s0] =	ssyncset.done @!p0 $0x0  }
0x3a: {  	[sflag:s0] =	ssyncadd.s32 @!p0 s1  }
0x3b: {  	[bflag:$0x3] =	sbarrier.arrive $0xFFFF  }
0x3c: {  	_ =	shalt  }

</sc_bundles>
